<compile_context>
chip_gen: v7x
topology: tpu7x:2x2x1
jax: 0.10.2.dev20260603
libtpu: 0.0.44.dev20260713+nightly
codegen_flags: <defaults>
</compile_context>

<pallas_src>
import functools

import jax
import jax.numpy as jnp
from jax import lax
from jax.experimental import pallas as pl
from jax.experimental.pallas import tpu as pltpu
from jax.experimental.pallas import tpu_sc as plsc

N = 10000
E = 160000
D = 256
H = 1024
O = 256

NC = 2
NS = 16
L = 16

DH = D // NC
EPT = E // NS
CHUNK = 80
NCHUNK = EPT // CHUNK
NP = 10240
RPT = NP // NS
RCH = CHUNK
NRCH = RPT // RCH


NB = 4


def _agg_body(x2_hbm, src_hbm, dst_hbm, out_hbm,
              src0_v, src1_v, src2_v, src3_v,
              dst0_v, dst1_v, dst2_v, dst3_v,
              dss0_v, dss1_v, dss2_v, dss3_v,
              rows_v, agg_sh,
              isem0, isem1, isem2, isem3,
              gsem0, gsem1, gsem2, gsem3,
              ssem0, ssem1, ssem2, ssem3):
    c = lax.axis_index("c")
    s = lax.axis_index("s")
    buf_v = rows_v.at[0]

    def zero_body(i, _):
        r = i // (DH // L)
        col = (i % (DH // L)) * L
        buf_v[r, pl.ds(col, L)] = jnp.zeros((L,), jnp.float32)
        return 0
    lax.fori_loop(0, RCH * (DH // L), zero_body, 0)
    for t in range(NRCH):
        pltpu.sync_copy(buf_v, agg_sh.at[pl.ds(s * RPT + t * RCH, RCH)])

    plsc.subcore_barrier()

    base_e = s * EPT
    srcs = (src0_v, src1_v, src2_v, src3_v)
    dsts = (dst0_v, dst1_v, dst2_v, dst3_v)
    dsss = (dss0_v, dss1_v, dss2_v, dss3_v)
    isems = (isem0, isem1, isem2, isem3)
    gsems = (gsem0, gsem1, gsem2, gsem3)
    ssems = (ssem0, ssem1, ssem2, ssem3)

    def issue_idx(jb, u):
        e0 = base_e + jb * CHUNK
        pltpu.async_copy(src_hbm.at[pl.ds(e0, CHUNK)], srcs[u], isems[u])
        pltpu.async_copy(dst_hbm.at[pl.ds(e0, CHUNK)], dsts[u], isems[u])

    def drain_scatter(u):
        pltpu.make_async_copy(
            rows_v.at[u], agg_sh.at[dsss[u]], ssems[u]).wait()

    def fire(jb, u):
        e0 = base_e + jb * CHUNK
        pltpu.make_async_copy(
            src_hbm.at[pl.ds(e0, CHUNK)], srcs[u], isems[u]).wait()
        pltpu.make_async_copy(
            dst_hbm.at[pl.ds(e0, CHUNK)], dsts[u], isems[u]).wait()
        for k in range(CHUNK // L):
            sl = pl.ds(k * L, L)
            dsss[u][sl] = dsts[u][sl]
            srcs[u][sl] = srcs[u][sl] * 2 + c
        pltpu.async_copy(x2_hbm.at[srcs[u]], rows_v.at[u], gsems[u])

    def finish(u):
        pltpu.make_async_copy(
            x2_hbm.at[srcs[u]], rows_v.at[u], gsems[u]).wait()
        pltpu.async_copy(rows_v.at[u], agg_sh.at[dsss[u]], ssems[u],
                         add=True)

    issue_idx(0, 0)
    issue_idx(1, 1)
    issue_idx(2, 2)
    fire(0, 0)
    issue_idx(3, 3)

    def pipe_body(i, _):
        jg = NB * i
        for uu in range(1, NB + 1):
            jb = jg + uu
            u = uu % NB
            if uu == NB:
                drain_scatter(u)
            else:
                @pl.when(i >= 1)
                def _(u=u):
                    drain_scatter(u)
            fire(jb, u)
            finish((u + NB - 1) % NB)

            @pl.when(jb + 3 < NCHUNK)
            def _(jb=jb, u=u):
                issue_idx(jb + 3, (u + 3) % NB)

        return 0

    lax.fori_loop(0, (NCHUNK - 1) // NB, pipe_body, 0)
    finish((NCHUNK - 1) % NB)
    for u in range(NB):
        drain_scatter(u)
    plsc.subcore_barrier()

    for t in range(NRCH):
        r0 = s * RPT + t * RCH
        pltpu.sync_copy(agg_sh.at[pl.ds(r0, RCH)], buf_v)
        pltpu.sync_copy(buf_v, out_hbm.at[c].at[pl.ds(r0, RCH)])


@functools.cache
def _make_agg_kernel():
    return pl.kernel(
        _agg_body,
        out_type=jax.ShapeDtypeStruct((NC, NP, DH), jnp.float32),
        mesh=plsc.VectorSubcoreMesh(
            core_axis_name="c", subcore_axis_name="s", num_cores=NC,
            num_subcores=NS),
        scratch_types=(
            [pltpu.VMEM((CHUNK,), jnp.int32)] * (3 * NB)
            + [pltpu.VMEM((NB, CHUNK, DH), jnp.float32),
               pltpu.VMEM_SHARED((NP, DH), jnp.float32)]
            + [pltpu.SemaphoreType.DMA] * (3 * NB)
        ),
    )


BN = 1000


def _mlp_body(a_ref, w1_ref, b1_ref, w2_ref, b2_ref, o_ref):
    h = jnp.dot(a_ref[0], w1_ref[:DH, :], preferred_element_type=jnp.float32)
    h = h + jnp.dot(a_ref[1], w1_ref[DH:, :],
                    preferred_element_type=jnp.float32)
    h = jnp.maximum(h + b1_ref[...], 0.0)
    o_ref[...] = (jnp.dot(h, w2_ref[...], preferred_element_type=jnp.float32)
                  + b2_ref[...])


def _mlp(agg2, W1, b1, W2, b2):
    return pl.pallas_call(
        _mlp_body,
        grid=(N // BN,),
        in_specs=[
            pl.BlockSpec((NC, BN, DH), lambda i: (0, i, 0)),
            pl.BlockSpec((D, H), lambda i: (0, 0)),
            pl.BlockSpec((1, H), lambda i: (0, 0)),
            pl.BlockSpec((H, O), lambda i: (0, 0)),
            pl.BlockSpec((1, O), lambda i: (0, 0)),
        ],
        out_specs=pl.BlockSpec((BN, O), lambda i: (i, 0)),
        out_shape=jax.ShapeDtypeStruct((N, O), jnp.float32),
    )(agg2, W1, b1, W2, b2)


def kernel(x, edge_index, W1, b1, W2, b2):
    x2 = x.reshape(2 * N, DH)
    agg2 = _make_agg_kernel()(x2, edge_index[0], edge_index[1])
    return _mlp(agg2, W1, b1.reshape(1, H), W2, b2.reshape(1, O))

# --- scband reference (transcript-rebuilt; emitter-appended) ---
"""Pipeline reference for scband-net-14173392077436 (READ-ONLY COPY).

The authoritative reference and input builder live on the scoring server;
editing this copy changes nothing except your own understanding.
"""

import jax, jax.numpy as jnp
import numpy as np

N = 10000   # n_nodes
E = 160000  # n_edges
D = 256     # d_feat / MLP in_channels (kernel=None so no channel multiplication)
H = 1024    # hidden_channels
O = 256     # out_channels


def setup_inputs(seed: int = 0) -> dict:
    key = jax.random.key(seed)
    k1, k2, k3, k4, k5, k6 = jax.random.split(key, 6)
    x = jax.random.normal(k1, (N, D), dtype=jnp.float32)
    edge_index = jax.random.randint(k2, (2, E), 0, N, dtype=jnp.int32)
    # MLP parameters (n_lin_layers=2): Linear(D->H), ReLU, Linear(H->O)
    W1 = jax.random.normal(k3, (D, H), dtype=jnp.float32) / np.sqrt(D)
    b1 = jnp.zeros((H,), dtype=jnp.float32)
    W2 = jax.random.normal(k4, (H, O), dtype=jnp.float32) / np.sqrt(H)
    b2 = jnp.zeros((O,), dtype=jnp.float32)
    return {"x": x, "edge_index": edge_index, "W1": W1, "b1": b1, "W2": W2, "b2": b2}


def reference(x, edge_index, W1, b1, W2, b2):
    # net.forward with n_layers=1, kernel=None (isotropic / vanilla adjacency conv),
    # adjs = [(edge_index, None, (N, N))]:
    #   x_source = x; x_target = x[:N] = x
    #   AnisoConv (MessagePassing, aggr='add', adj_norm=False, K=None, edge_weight=None):
    #     out[dst] = sum_{(src,dst) in E} x_source[src]   (scatter-add message passing)
    #   then x = MLP(out)  with Linear->ReLU->Linear
    src = edge_index[0]
    dst = edge_index[1]
    msgs = x[src]                                   # gather: [E, D]
    agg = jax.ops.segment_sum(msgs, dst, num_segments=x.shape[0])  # scatter-add: [N, D]
    h = jnp.maximum(agg @ W1 + b1, 0.0)             # Linear + ReLU
    out = h @ W2 + b2                               # Linear
    return out

if __name__ == "__main__":
    import jax
    _d = setup_inputs()
    print(jax.jit(kernel)(*tuple(_d.values())))

</pallas_src>

<mosaic_0001>
#map = affine_map<(d0, d1) -> (0, 0)>
#map1 = affine_map<(d0, d1) -> (0)>
#map2 = affine_map<(d0, d1) -> (0, 0, 0)>
module attributes {stable_mosaic.version = 14 : i64} {
  func.func @_agg_body(%arg0: i32, %arg1: i32, %arg2: memref<20000x128xf32, #tpu.memory_space<hbm>>, %arg3: memref<160000xi32, #tpu.memory_space<hbm>>, %arg4: memref<160000xi32, #tpu.memory_space<hbm>>, %arg5: memref<2x10240x128xf32, #tpu.memory_space<hbm>>, %arg6: memref<80xi32, #tpu.memory_space<vmem>>, %arg7: memref<80xi32, #tpu.memory_space<vmem>>, %arg8: memref<80xi32, #tpu.memory_space<vmem>>, %arg9: memref<80xi32, #tpu.memory_space<vmem>>, %arg10: memref<80xi32, #tpu.memory_space<vmem>>, %arg11: memref<80xi32, #tpu.memory_space<vmem>>, %arg12: memref<80xi32, #tpu.memory_space<vmem>>, %arg13: memref<80xi32, #tpu.memory_space<vmem>>, %arg14: memref<80xi32, #tpu.memory_space<vmem>>, %arg15: memref<80xi32, #tpu.memory_space<vmem>>, %arg16: memref<80xi32, #tpu.memory_space<vmem>>, %arg17: memref<80xi32, #tpu.memory_space<vmem>>, %arg18: memref<4x80x128xf32, #tpu.memory_space<vmem>>, %arg19: memref<10240x128xf32, #tpu.memory_space<vmem_shared>>, %arg20: memref<!tpu.dma_semaphore, #tpu.memory_space<semaphore_mem>>, %arg21: memref<!tpu.dma_semaphore, #tpu.memory_space<semaphore_mem>>, %arg22: memref<!tpu.dma_semaphore, #tpu.memory_space<semaphore_mem>>, %arg23: memref<!tpu.dma_semaphore, #tpu.memory_space<semaphore_mem>>, %arg24: memref<!tpu.dma_semaphore, #tpu.memory_space<semaphore_mem>>, %arg25: memref<!tpu.dma_semaphore, #tpu.memory_space<semaphore_mem>>, %arg26: memref<!tpu.dma_semaphore, #tpu.memory_space<semaphore_mem>>, %arg27: memref<!tpu.dma_semaphore, #tpu.memory_space<semaphore_mem>>, %arg28: memref<!tpu.dma_semaphore, #tpu.memory_space<semaphore_mem>>, %arg29: memref<!tpu.dma_semaphore, #tpu.memory_space<semaphore_mem>>, %arg30: memref<!tpu.dma_semaphore, #tpu.memory_space<semaphore_mem>>, %arg31: memref<!tpu.dma_semaphore, #tpu.memory_space<semaphore_mem>>) attributes {dimension_semantics = [#tpu.dimension_semantics<core_parallel>, #tpu.dimension_semantics<subcore_parallel>], iteration_bounds = array<i64: 2, 16>, scalar_prefetch = 0 : i64, scratch_operands = 26 : i64, tpu.core_type = #tpu.core_type<sc_vector_subcore>, window_params = [{transform_indices = #map}, {transform_indices = #map1}, {transform_indices = #map1}, {transform_indices = #map2}]} {
    %scan3A = arith.constant 0 : i32
    %scan3A_0 = arith.constant 0 : i32
    %scan3A_1 = arith.constant 0 : i32
    %scan3A_2 = arith.constant 640 : i32
    %scan3A_3 = arith.addi %scan3A_1, %scan3A_2 : i32
    %scan3A_4 = arith.constant 1 : i32
    %scan3A_5 = scf.for %scan3A_279 = %scan3A_1 to %scan3A_3 step %scan3A_4 iter_args(%scan3A_280 = %scan3A_0) -> (i32)  : i32 {
      %jit3A = arith.constant 8 : i32
      %div3A = arith.divsi %scan3A_279, %jit3A : i32
      %sign3A = arith.constant 0 : i32
      %sign3A_281 = arith.cmpi sgt, %scan3A_279, %sign3A : i32
      %sign3A_282 = arith.extui %sign3A_281 : i1 to i32
      %sign3A_283 = arith.constant 0 : i32
      %sign3A_284 = arith.cmpi slt, %scan3A_279, %sign3A_283 : i32
      %sign3A_285 = arith.extui %sign3A_284 : i1 to i32
      %sign3A_286 = arith.subi %sign3A_282, %sign3A_285 : i32
      %sign3A_287 = arith.constant 0 : i32
      %sign3A_288 = arith.cmpi sgt, %jit3A, %sign3A_287 : i32
      %sign3A_289 = arith.extui %sign3A_288 : i1 to i32
      %sign3A_290 = arith.constant 0 : i32
      %sign3A_291 = arith.cmpi slt, %jit3A, %sign3A_290 : i32
      %sign3A_292 = arith.extui %sign3A_291 : i1 to i32
      %sign3A_293 = arith.subi %sign3A_289, %sign3A_292 : i32
      %ne3A = arith.cmpi ne, %sign3A_286, %sign3A_293 : i32
      %rem3A = arith.remsi %scan3A_279, %jit3A : i32
      %ne3A_294 = arith.constant 0 : i32
      %ne3A_295 = arith.cmpi ne, %rem3A, %ne3A_294 : i32
      %and3A = arith.andi %ne3A, %ne3A_295 : i1
      %sub3A = arith.constant 1 : i32
      %sub3A_296 = arith.subi %div3A, %sub3A : i32
      %select_n3A = arith.select %and3A, %sub3A_296, %div3A : i32
      %jit3A_297 = arith.constant 8 : i32
      %eq3A = arith.constant 0 : i32
      %eq3A_298 = arith.cmpi eq, %jit3A_297, %eq3A : i32
      %jit3A_299 = arith.constant 1 : i32
      %select_n3A_300 = arith.select %eq3A_298, %jit3A_299, %jit3A_297 : i32
      %rem3A_301 = arith.remsi %scan3A_279, %select_n3A_300 : i32
      %ne3A_302 = arith.constant 0 : i32
      %ne3A_303 = arith.cmpi ne, %rem3A_301, %ne3A_302 : i32
      %lt3A = arith.constant 0 : i32
      %lt3A_304 = arith.cmpi slt, %rem3A_301, %lt3A : i32
      %lt3A_305 = arith.constant 0 : i32
      %lt3A_306 = arith.cmpi slt, %select_n3A_300, %lt3A_305 : i32
      %ne3A_307 = arith.xori %lt3A_304, %lt3A_306 : i1
      %and3A_308 = arith.andi %ne3A_307, %ne3A_303 : i1
      %add3A_309 = arith.addi %rem3A_301, %select_n3A_300 : i32
      %select_n3A_310 = arith.select %and3A_308, %add3A_309, %rem3A_301 : i32
      %mul3A_311 = arith.constant 16 : i32
      %mul3A_312 = arith.muli %select_n3A_310, %mul3A_311 : i32
      %broadcast_in_dim3A = arith.constant 0.000000e+00 : f32
      %broadcast_in_dim3A_313 = vector.broadcast %broadcast_in_dim3A : f32 to vector<16xf32>
      %swap3A_314 = arith.constant 0 : i32
      %swap3A_315 = arith.constant 0 : i32
      %swap3A_316 = tpu.memref_slice %arg18[%scan3A, %swap3A_314, %swap3A_315] : memref<4x80x128xf32, #tpu.memory_space<vmem>> -> memref<1x80x128xf32, #tpu.memory_space<vmem>>
      %swap3A_317 = tpu.memref_squeeze %swap3A_316 : memref<1x80x128xf32, #tpu.memory_space<vmem>> -> memref<80x128xf32, #tpu.memory_space<vmem>>
      %swap3A_318 = arith.index_cast %select_n3A : i32 to index
      %swap3A_319 = arith.index_cast %mul3A_312 : i32 to index
      %swap3A_320 = tpu.vector_load %swap3A_317[%swap3A_318, %swap3A_319] {strides = array<i32>} : memref<80x128xf32, #tpu.memory_space<vmem>>, vector<1x16xf32>,
      %swap3A_321 = vector.shape_cast %swap3A_320 : vector<1x16xf32> to vector<16xf32>
      %swap3A_322 = vector.shape_cast %broadcast_in_dim3A_313 : vector<16xf32> to vector<1x16xf32>
      tpu.vector_store %swap3A_317[%swap3A_318, %swap3A_319], %swap3A_322 {strides = array<i32>} : memref<80x128xf32, #tpu.memory_space<vmem>>, vector<1x16xf32>,
      %scan3A_323 = arith.constant 0 : i32
      scf.yield %scan3A_323 : i32
    }
    %scan3A_6 = arith.constant 640 : i32
    %mul3A = arith.constant 640 : i32
    %mul3A_7 = arith.muli %arg1, %mul3A : i32
    %add3A = arith.constant 0 : i32
    %add3A_8 = arith.addi %mul3A_7, %add3A : i32
    %run_scoped3A = arith.constant 0 : i32
    "tpu.region"() ({
      %run_scoped3A_279 = tpu.sem_alloc : memref<!tpu.dma_semaphore, #tpu.memory_space<semaphore_mem>>
      %dma_start3A_280 = arith.constant 0 : i32
      %dma_start3A_281 = arith.constant 0 : i32
      %dma_start3A_282 = tpu.memref_slice %arg18[%run_scoped3A, %dma_start3A_280, %dma_start3A_281] : memref<4x80x128xf32, #tpu.memory_space<vmem>> -> memref<1x80x128xf32, #tpu.memory_space<vmem>>
      %dma_start3A_283 = tpu.memref_squeeze %dma_start3A_282 : memref<1x80x128xf32, #tpu.memory_space<vmem>> -> memref<80x128xf32, #tpu.memory_space<vmem>>
      %dma_start3A_284 = arith.constant 0 : i32
      %dma_start3A_285 = tpu.memref_slice %arg19[%add3A_8, %dma_start3A_284] : memref<10240x128xf32, #tpu.memory_space<vmem_shared>> -> memref<80x128xf32, #tpu.memory_space<vmem_shared>>
      %dma_start3A_286 = arith.constant 0 : i32
      %dma_start3A_287 = tpu.memref_slice %arg19[%add3A_8, %dma_start3A_286] : memref<10240x128xf32, #tpu.memory_space<vmem_shared>> -> memref<80x128xf32, #tpu.memory_space<vmem_shared>>
      %dma_start3A_288 = arith.constant 0 : i32
      %dma_start3A_289 = arith.constant 0 : i32
      %dma_start3A_290 = tpu.memref_slice %arg18[%run_scoped3A, %dma_start3A_288, %dma_start3A_289] : memref<4x80x128xf32, #tpu.memory_space<vmem>> -> memref<1x80x128xf32, #tpu.memory_space<vmem>>
      %dma_start3A_291 = tpu.memref_squeeze %dma_start3A_290 : memref<1x80x128xf32, #tpu.memory_space<vmem>> -> memref<80x128xf32, #tpu.memory_space<vmem>>
      tpu.enqueue_dma source(%dma_start3A_291 : memref<80x128xf32, #tpu.memory_space<vmem>>) target(%dma_start3A_287 : memref<80x128xf32, #tpu.memory_space<vmem_shared>>) target_semaphore(%run_scoped3A_279 : memref<!tpu.dma_semaphore, #tpu.memory_space<semaphore_mem>>)
      %dma_wait3A_292 = arith.constant 0 : i32
      %dma_wait3A_293 = arith.constant 0 : i32
      %dma_wait3A_294 = tpu.memref_slice %arg18[%run_scoped3A, %dma_wait3A_292, %dma_wait3A_293] : memref<4x80x128xf32, #tpu.memory_space<vmem>> -> memref<1x80x128xf32, #tpu.memory_space<vmem>>
      %dma_wait3A_295 = tpu.memref_squeeze %dma_wait3A_294 : memref<1x80x128xf32, #tpu.memory_space<vmem>> -> memref<80x128xf32, #tpu.memory_space<vmem>>
      %dma_wait3A_296 = arith.constant 0 : i32
      %dma_wait3A_297 = tpu.memref_slice %arg19[%add3A_8, %dma_wait3A_296] : memref<10240x128xf32, #tpu.memory_space<vmem_shared>> -> memref<80x128xf32, #tpu.memory_space<vmem_shared>>
      %dma_wait3A_298 = arith.constant 0 : i32
      %dma_wait3A_299 = tpu.memref_slice %arg19[%add3A_8, %dma_wait3A_298] : memref<10240x128xf32, #tpu.memory_space<vmem_shared>> -> memref<80x128xf32, #tpu.memory_space<vmem_shared>>
      %dma_wait3A_300 = arith.constant 0 : i32
      %dma_wait3A_301 = arith.constant 0 : i32
      %dma_wait3A_302 = tpu.memref_slice %arg18[%run_scoped3A, %dma_wait3A_300, %dma_wait3A_301] : memref<4x80x128xf32, #tpu.memory_space<vmem>> -> memref<1x80x128xf32, #tpu.memory_space<vmem>>
      %dma_wait3A_303 = tpu.memref_squeeze %dma_wait3A_302 : memref<1x80x128xf32, #tpu.memory_space<vmem>> -> memref<80x128xf32, #tpu.memory_space<vmem>>
      tpu.wait_dma2 semaphore(%run_scoped3A_279 : memref<!tpu.dma_semaphore, #tpu.memory_space<semaphore_mem>>) src(%dma_wait3A_303 : memref<80x128xf32, #tpu.memory_space<vmem>>) dst(%dma_wait3A_299 : memref<80x128xf32, #tpu.memory_space<vmem_shared>>)
      tpu.yield
    }) : () -> ()
    %mul3A_9 = arith.constant 640 : i32
    %mul3A_10 = arith.muli %arg1, %mul3A_9 : i32
    %add3A_11 = arith.constant 80 : i32
    %add3A_12 = arith.addi %mul3A_10, %add3A_11 : i32
    %run_scoped3A_13 = arith.constant 0 : i32
    "tpu.region"() ({
      %run_scoped3A_279 = tpu.sem_alloc : memref<!tpu.dma_semaphore, #tpu.memory_space<semaphore_mem>>
      %dma_start3A_280 = arith.constant 0 : i32
      %dma_start3A_281 = arith.constant 0 : i32
      %dma_start3A_282 = tpu.memref_slice %arg18[%run_scoped3A_13, %dma_start3A_280, %dma_start3A_281] : memref<4x80x128xf32, #tpu.memory_space<vmem>> -> memref<1x80x128xf32, #tpu.memory_space<vmem>>
      %dma_start3A_283 = tpu.memref_squeeze %dma_start3A_282 : memref<1x80x128xf32, #tpu.memory_space<vmem>> -> memref<80x128xf32, #tpu.memory_space<vmem>>
      %dma_start3A_284 = arith.constant 0 : i32
      %dma_start3A_285 = tpu.memref_slice %arg19[%add3A_12, %dma_start3A_284] : memref<10240x128xf32, #tpu.memory_space<vmem_shared>> -> memref<80x128xf32, #tpu.memory_space<vmem_shared>>
      %dma_start3A_286 = arith.constant 0 : i32
      %dma_start3A_287 = tpu.memref_slice %arg19[%add3A_12, %dma_start3A_286] : memref<10240x128xf32, #tpu.memory_space<vmem_shared>> -> memref<80x128xf32, #tpu.memory_space<vmem_shared>>
      %dma_start3A_288 = arith.constant 0 : i32
      %dma_start3A_289 = arith.constant 0 : i32
      %dma_start3A_290 = tpu.memref_slice %arg18[%run_scoped3A_13, %dma_start3A_288, %dma_start3A_289] : memref<4x80x128xf32, #tpu.memory_space<vmem>> -> memref<1x80x128xf32, #tpu.memory_space<vmem>>
      %dma_start3A_291 = tpu.memref_squeeze %dma_start3A_290 : memref<1x80x128xf32, #tpu.memory_space<vmem>> -> memref<80x128xf32, #tpu.memory_space<vmem>>
      tpu.enqueue_dma source(%dma_start3A_291 : memref<80x128xf32, #tpu.memory_space<vmem>>) target(%dma_start3A_287 : memref<80x128xf32, #tpu.memory_space<vmem_shared>>) target_semaphore(%run_scoped3A_279 : memref<!tpu.dma_semaphore, #tpu.memory_space<semaphore_mem>>)
      %dma_wait3A_292 = arith.constant 0 : i32
      %dma_wait3A_293 = arith.constant 0 : i32
      %dma_wait3A_294 = tpu.memref_slice %arg18[%run_scoped3A_13, %dma_wait3A_292, %dma_wait3A_293] : memref<4x80x128xf32, #tpu.memory_space<vmem>> -> memref<1x80x128xf32, #tpu.memory_space<vmem>>
      %dma_wait3A_295 = tpu.memref_squeeze %dma_wait3A_294 : memref<1x80x128xf32, #tpu.memory_space<vmem>> -> memref<80x128xf32, #tpu.memory_space<vmem>>
      %dma_wait3A_296 = arith.constant 0 : i32
      %dma_wait3A_297 = tpu.memref_slice %arg19[%add3A_12, %dma_wait3A_296] : memref<10240x128xf32, #tpu.memory_space<vmem_shared>> -> memref<80x128xf32, #tpu.memory_space<vmem_shared>>
      %dma_wait3A_298 = arith.constant 0 : i32
      %dma_wait3A_299 = tpu.memref_slice %arg19[%add3A_12, %dma_wait3A_298] : memref<10240x128xf32, #tpu.memory_space<vmem_shared>> -> memref<80x128xf32, #tpu.memory_space<vmem_shared>>
      %dma_wait3A_300 = arith.constant 0 : i32
      %dma_wait3A_301 = arith.constant 0 : i32
      %dma_wait3A_302 = tpu.memref_slice %arg18[%run_scoped3A_13, %dma_wait3A_300, %dma_wait3A_301] : memref<4x80x128xf32, #tpu.memory_space<vmem>> -> memref<1x80x128xf32, #tpu.memory_space<vmem>>
      %dma_wait3A_303 = tpu.memref_squeeze %dma_wait3A_302 : memref<1x80x128xf32, #tpu.memory_space<vmem>> -> memref<80x128xf32, #tpu.memory_space<vmem>>
      tpu.wait_dma2 semaphore(%run_scoped3A_279 : memref<!tpu.dma_semaphore, #tpu.memory_space<semaphore_mem>>) src(%dma_wait3A_303 : memref<80x128xf32, #tpu.memory_space<vmem>>) dst(%dma_wait3A_299 : memref<80x128xf32, #tpu.memory_space<vmem_shared>>)
      tpu.yield
    }) : () -> ()
    %mul3A_14 = arith.constant 640 : i32
    %mul3A_15 = arith.muli %arg1, %mul3A_14 : i32
    %add3A_16 = arith.constant 160 : i32
    %add3A_17 = arith.addi %mul3A_15, %add3A_16 : i32
    %run_scoped3A_18 = arith.constant 0 : i32
    "tpu.region"() ({
      %run_scoped3A_279 = tpu.sem_alloc : memref<!tpu.dma_semaphore, #tpu.memory_space<semaphore_mem>>
      %dma_start3A_280 = arith.constant 0 : i32
      %dma_start3A_281 = arith.constant 0 : i32
      %dma_start3A_282 = tpu.memref_slice %arg18[%run_scoped3A_18, %dma_start3A_280, %dma_start3A_281] : memref<4x80x128xf32, #tpu.memory_space<vmem>> -> memref<1x80x128xf32, #tpu.memory_space<vmem>>
      %dma_start3A_283 = tpu.memref_squeeze %dma_start3A_282 : memref<1x80x128xf32, #tpu.memory_space<vmem>> -> memref<80x128xf32, #tpu.memory_space<vmem>>
      %dma_start3A_284 = arith.constant 0 : i32
      %dma_start3A_285 = tpu.memref_slice %arg19[%add3A_17, %dma_start3A_284] : memref<10240x128xf32, #tpu.memory_space<vmem_shared>> -> memref<80x128xf32, #tpu.memory_space<vmem_shared>>
      %dma_start3A_286 = arith.constant 0 : i32
      %dma_start3A_287 = tpu.memref_slice %arg19[%add3A_17, %dma_start3A_286] : memref<10240x128xf32, #tpu.memory_space<vmem_shared>> -> memref<80x128xf32, #tpu.memory_space<vmem_shared>>
      %dma_start3A_288 = arith.constant 0 : i32
      %dma_start3A_289 = arith.constant 0 : i32
      %dma_start3A_290 = tpu.memref_slice %arg18[%run_scoped3A_18, %dma_start3A_288, %dma_start3A_289] : memref<4x80x128xf32, #tpu.memory_space<vmem>> -> memref<1x80x128xf32, #tpu.memory_space<vmem>>
      %dma_start3A_291 = tpu.memref_squeeze %dma_start3A_290 : memref<1x80x128xf32, #tpu.memory_space<vmem>> -> memref<80x128xf32, #tpu.memory_space<vmem>>
      tpu.enqueue_dma source(%dma_start3A_291 : memref<80x128xf32, #tpu.memory_space<vmem>>) target(%dma_start3A_287 : memref<80x128xf32, #tpu.memory_space<vmem_shared>>) target_semaphore(%run_scoped3A_279 : memref<!tpu.dma_semaphore, #tpu.memory_space<semaphore_mem>>)
      %dma_wait3A_292 = arith.constant 0 : i32
      %dma_wait3A_293 = arith.constant 0 : i32
      %dma_wait3A_294 = tpu.memref_slice %arg18[%run_scoped3A_18, %dma_wait3A_292, %dma_wait3A_293] : memref<4x80x128xf32, #tpu.memory_space<vmem>> -> memref<1x80x128xf32, #tpu.memory_space<vmem>>
      %dma_wait3A_295 = tpu.memref_squeeze %dma_wait3A_294 : memref<1x80x128xf32, #tpu.memory_space<vmem>> -> memref<80x128xf32, #tpu.memory_space<vmem>>
      %dma_wait3A_296 = arith.constant 0 : i32
      %dma_wait3A_297 = tpu.memref_slice %arg19[%add3A_17, %dma_wait3A_296] : memref<10240x128xf32, #tpu.memory_space<vmem_shared>> -> memref<80x128xf32, #tpu.memory_space<vmem_shared>>
      %dma_wait3A_298 = arith.constant 0 : i32
      %dma_wait3A_299 = tpu.memref_slice %arg19[%add3A_17, %dma_wait3A_298] : memref<10240x128xf32, #tpu.memory_space<vmem_shared>> -> memref<80x128xf32, #tpu.memory_space<vmem_shared>>
      %dma_wait3A_300 = arith.constant 0 : i32
      %dma_wait3A_301 = arith.constant 0 : i32
      %dma_wait3A_302 = tpu.memref_slice %arg18[%run_scoped3A_18, %dma_wait3A_300, %dma_wait3A_301] : memref<4x80x128xf32, #tpu.memory_space<vmem>> -> memref<1x80x128xf32, #tpu.memory_space<vmem>>
      %dma_wait3A_303 = tpu.memref_squeeze %dma_wait3A_302 : memref<1x80x128xf32, #tpu.memory_space<vmem>> -> memref<80x128xf32, #tpu.memory_space<vmem>>
      tpu.wait_dma2 semaphore(%run_scoped3A_279 : memref<!tpu.dma_semaphore, #tpu.memory_space<semaphore_mem>>) src(%dma_wait3A_303 : memref<80x128xf32, #tpu.memory_space<vmem>>) dst(%dma_wait3A_299 : memref<80x128xf32, #tpu.memory_space<vmem_shared>>)
      tpu.yield
    }) : () -> ()
    %mul3A_19 = arith.constant 640 : i32
    %mul3A_20 = arith.muli %arg1, %mul3A_19 : i32
    %add3A_21 = arith.constant 240 : i32
    %add3A_22 = arith.addi %mul3A_20, %add3A_21 : i32
    %run_scoped3A_23 = arith.constant 0 : i32
    "tpu.region"() ({
      %run_scoped3A_279 = tpu.sem_alloc : memref<!tpu.dma_semaphore, #tpu.memory_space<semaphore_mem>>
      %dma_start3A_280 = arith.constant 0 : i32
      %dma_start3A_281 = arith.constant 0 : i32
      %dma_start3A_282 = tpu.memref_slice %arg18[%run_scoped3A_23, %dma_start3A_280, %dma_start3A_281] : memref<4x80x128xf32, #tpu.memory_space<vmem>> -> memref<1x80x128xf32, #tpu.memory_space<vmem>>
      %dma_start3A_283 = tpu.memref_squeeze %dma_start3A_282 : memref<1x80x128xf32, #tpu.memory_space<vmem>> -> memref<80x128xf32, #tpu.memory_space<vmem>>
      %dma_start3A_284 = arith.constant 0 : i32
      %dma_start3A_285 = tpu.memref_slice %arg19[%add3A_22, %dma_start3A_284] : memref<10240x128xf32, #tpu.memory_space<vmem_shared>> -> memref<80x128xf32, #tpu.memory_space<vmem_shared>>
      %dma_start3A_286 = arith.constant 0 : i32
      %dma_start3A_287 = tpu.memref_slice %arg19[%add3A_22, %dma_start3A_286] : memref<10240x128xf32, #tpu.memory_space<vmem_shared>> -> memref<80x128xf32, #tpu.memory_space<vmem_shared>>
      %dma_start3A_288 = arith.constant 0 : i32
      %dma_start3A_289 = arith.constant 0 : i32
      %dma_start3A_290 = tpu.memref_slice %arg18[%run_scoped3A_23, %dma_start3A_288, %dma_start3A_289] : memref<4x80x128xf32, #tpu.memory_space<vmem>> -> memref<1x80x128xf32, #tpu.memory_space<vmem>>
      %dma_start3A_291 = tpu.memref_squeeze %dma_start3A_290 : memref<1x80x128xf32, #tpu.memory_space<vmem>> -> memref<80x128xf32, #tpu.memory_space<vmem>>
      tpu.enqueue_dma source(%dma_start3A_291 : memref<80x128xf32, #tpu.memory_space<vmem>>) target(%dma_start3A_287 : memref<80x128xf32, #tpu.memory_space<vmem_shared>>) target_semaphore(%run_scoped3A_279 : memref<!tpu.dma_semaphore, #tpu.memory_space<semaphore_mem>>)
      %dma_wait3A_292 = arith.constant 0 : i32
      %dma_wait3A_293 = arith.constant 0 : i32
      %dma_wait3A_294 = tpu.memref_slice %arg18[%run_scoped3A_23, %dma_wait3A_292, %dma_wait3A_293] : memref<4x80x128xf32, #tpu.memory_space<vmem>> -> memref<1x80x128xf32, #tpu.memory_space<vmem>>
      %dma_wait3A_295 = tpu.memref_squeeze %dma_wait3A_294 : memref<1x80x128xf32, #tpu.memory_space<vmem>> -> memref<80x128xf32, #tpu.memory_space<vmem>>
      %dma_wait3A_296 = arith.constant 0 : i32
      %dma_wait3A_297 = tpu.memref_slice %arg19[%add3A_22, %dma_wait3A_296] : memref<10240x128xf32, #tpu.memory_space<vmem_shared>> -> memref<80x128xf32, #tpu.memory_space<vmem_shared>>
      %dma_wait3A_298 = arith.constant 0 : i32
      %dma_wait3A_299 = tpu.memref_slice %arg19[%add3A_22, %dma_wait3A_298] : memref<10240x128xf32, #tpu.memory_space<vmem_shared>> -> memref<80x128xf32, #tpu.memory_space<vmem_shared>>
      %dma_wait3A_300 = arith.constant 0 : i32
      %dma_wait3A_301 = arith.constant 0 : i32
      %dma_wait3A_302 = tpu.memref_slice %arg18[%run_scoped3A_23, %dma_wait3A_300, %dma_wait3A_301] : memref<4x80x128xf32, #tpu.memory_space<vmem>> -> memref<1x80x128xf32, #tpu.memory_space<vmem>>
      %dma_wait3A_303 = tpu.memref_squeeze %dma_wait3A_302 : memref<1x80x128xf32, #tpu.memory_space<vmem>> -> memref<80x128xf32, #tpu.memory_space<vmem>>
      tpu.wait_dma2 semaphore(%run_scoped3A_279 : memref<!tpu.dma_semaphore, #tpu.memory_space<semaphore_mem>>) src(%dma_wait3A_303 : memref<80x128xf32, #tpu.memory_space<vmem>>) dst(%dma_wait3A_299 : memref<80x128xf32, #tpu.memory_space<vmem_shared>>)
      tpu.yield
    }) : () -> ()
    %mul3A_24 = arith.constant 640 : i32
    %mul3A_25 = arith.muli %arg1, %mul3A_24 : i32
    %add3A_26 = arith.constant 320 : i32
    %add3A_27 = arith.addi %mul3A_25, %add3A_26 : i32
    %run_scoped3A_28 = arith.constant 0 : i32
    "tpu.region"() ({
      %run_scoped3A_279 = tpu.sem_alloc : memref<!tpu.dma_semaphore, #tpu.memory_space<semaphore_mem>>
      %dma_start3A_280 = arith.constant 0 : i32
      %dma_start3A_281 = arith.constant 0 : i32
      %dma_start3A_282 = tpu.memref_slice %arg18[%run_scoped3A_28, %dma_start3A_280, %dma_start3A_281] : memref<4x80x128xf32, #tpu.memory_space<vmem>> -> memref<1x80x128xf32, #tpu.memory_space<vmem>>
      %dma_start3A_283 = tpu.memref_squeeze %dma_start3A_282 : memref<1x80x128xf32, #tpu.memory_space<vmem>> -> memref<80x128xf32, #tpu.memory_space<vmem>>
      %dma_start3A_284 = arith.constant 0 : i32
      %dma_start3A_285 = tpu.memref_slice %arg19[%add3A_27, %dma_start3A_284] : memref<10240x128xf32, #tpu.memory_space<vmem_shared>> -> memref<80x128xf32, #tpu.memory_space<vmem_shared>>
      %dma_start3A_286 = arith.constant 0 : i32
      %dma_start3A_287 = tpu.memref_slice %arg19[%add3A_27, %dma_start3A_286] : memref<10240x128xf32, #tpu.memory_space<vmem_shared>> -> memref<80x128xf32, #tpu.memory_space<vmem_shared>>
      %dma_start3A_288 = arith.constant 0 : i32
      %dma_start3A_289 = arith.constant 0 : i32
      %dma_start3A_290 = tpu.memref_slice %arg18[%run_scoped3A_28, %dma_start3A_288, %dma_start3A_289] : memref<4x80x128xf32, #tpu.memory_space<vmem>> -> memref<1x80x128xf32, #tpu.memory_space<vmem>>
      %dma_start3A_291 = tpu.memref_squeeze %dma_start3A_290 : memref<1x80x128xf32, #tpu.memory_space<vmem>> -> memref<80x128xf32, #tpu.memory_space<vmem>>
      tpu.enqueue_dma source(%dma_start3A_291 : memref<80x128xf32, #tpu.memory_space<vmem>>) target(%dma_start3A_287 : memref<80x128xf32, #tpu.memory_space<vmem_shared>>) target_semaphore(%run_scoped3A_279 : memref<!tpu.dma_semaphore, #tpu.memory_space<semaphore_mem>>)
      %dma_wait3A_292 = arith.constant 0 : i32
      %dma_wait3A_293 = arith.constant 0 : i32
      %dma_wait3A_294 = tpu.memref_slice %arg18[%run_scoped3A_28, %dma_wait3A_292, %dma_wait3A_293] : memref<4x80x128xf32, #tpu.memory_space<vmem>> -> memref<1x80x128xf32, #tpu.memory_space<vmem>>
      %dma_wait3A_295 = tpu.memref_squeeze %dma_wait3A_294 : memref<1x80x128xf32, #tpu.memory_space<vmem>> -> memref<80x128xf32, #tpu.memory_space<vmem>>
      %dma_wait3A_296 = arith.constant 0 : i32
      %dma_wait3A_297 = tpu.memref_slice %arg19[%add3A_27, %dma_wait3A_296] : memref<10240x128xf32, #tpu.memory_space<vmem_shared>> -> memref<80x128xf32, #tpu.memory_space<vmem_shared>>
      %dma_wait3A_298 = arith.constant 0 : i32
      %dma_wait3A_299 = tpu.memref_slice %arg19[%add3A_27, %dma_wait3A_298] : memref<10240x128xf32, #tpu.memory_space<vmem_shared>> -> memref<80x128xf32, #tpu.memory_space<vmem_shared>>
      %dma_wait3A_300 = arith.constant 0 : i32
      %dma_wait3A_301 = arith.constant 0 : i32
      %dma_wait3A_302 = tpu.memref_slice %arg18[%run_scoped3A_28, %dma_wait3A_300, %dma_wait3A_301] : memref<4x80x128xf32, #tpu.memory_space<vmem>> -> memref<1x80x128xf32, #tpu.memory_space<vmem>>
      %dma_wait3A_303 = tpu.memref_squeeze %dma_wait3A_302 : memref<1x80x128xf32, #tpu.memory_space<vmem>> -> memref<80x128xf32, #tpu.memory_space<vmem>>
      tpu.wait_dma2 semaphore(%run_scoped3A_279 : memref<!tpu.dma_semaphore, #tpu.memory_space<semaphore_mem>>) src(%dma_wait3A_303 : memref<80x128xf32, #tpu.memory_space<vmem>>) dst(%dma_wait3A_299 : memref<80x128xf32, #tpu.memory_space<vmem_shared>>)
      tpu.yield
    }) : () -> ()
    %mul3A_29 = arith.constant 640 : i32
    %mul3A_30 = arith.muli %arg1, %mul3A_29 : i32
    %add3A_31 = arith.constant 400 : i32
    %add3A_32 = arith.addi %mul3A_30, %add3A_31 : i32
    %run_scoped3A_33 = arith.constant 0 : i32
    "tpu.region"() ({
      %run_scoped3A_279 = tpu.sem_alloc : memref<!tpu.dma_semaphore, #tpu.memory_space<semaphore_mem>>
      %dma_start3A_280 = arith.constant 0 : i32
      %dma_start3A_281 = arith.constant 0 : i32
      %dma_start3A_282 = tpu.memref_slice %arg18[%run_scoped3A_33, %dma_start3A_280, %dma_start3A_281] : memref<4x80x128xf32, #tpu.memory_space<vmem>> -> memref<1x80x128xf32, #tpu.memory_space<vmem>>
      %dma_start3A_283 = tpu.memref_squeeze %dma_start3A_282 : memref<1x80x128xf32, #tpu.memory_space<vmem>> -> memref<80x128xf32, #tpu.memory_space<vmem>>
      %dma_start3A_284 = arith.constant 0 : i32
      %dma_start3A_285 = tpu.memref_slice %arg19[%add3A_32, %dma_start3A_284] : memref<10240x128xf32, #tpu.memory_space<vmem_shared>> -> memref<80x128xf32, #tpu.memory_space<vmem_shared>>
      %dma_start3A_286 = arith.constant 0 : i32
      %dma_start3A_287 = tpu.memref_slice %arg19[%add3A_32, %dma_start3A_286] : memref<10240x128xf32, #tpu.memory_space<vmem_shared>> -> memref<80x128xf32, #tpu.memory_space<vmem_shared>>
      %dma_start3A_288 = arith.constant 0 : i32
      %dma_start3A_289 = arith.constant 0 : i32
      %dma_start3A_290 = tpu.memref_slice %arg18[%run_scoped3A_33, %dma_start3A_288, %dma_start3A_289] : memref<4x80x128xf32, #tpu.memory_space<vmem>> -> memref<1x80x128xf32, #tpu.memory_space<vmem>>
      %dma_start3A_291 = tpu.memref_squeeze %dma_start3A_290 : memref<1x80x128xf32, #tpu.memory_space<vmem>> -> memref<80x128xf32, #tpu.memory_space<vmem>>
      tpu.enqueue_dma source(%dma_start3A_291 : memref<80x128xf32, #tpu.memory_space<vmem>>) target(%dma_start3A_287 : memref<80x128xf32, #tpu.memory_space<vmem_shared>>) target_semaphore(%run_scoped3A_279 : memref<!tpu.dma_semaphore, #tpu.memory_space<semaphore_mem>>)
      %dma_wait3A_292 = arith.constant 0 : i32
      %dma_wait3A_293 = arith.constant 0 : i32
      %dma_wait3A_294 = tpu.memref_slice %arg18[%run_scoped3A_33, %dma_wait3A_292, %dma_wait3A_293] : memref<4x80x128xf32, #tpu.memory_space<vmem>> -> memref<1x80x128xf32, #tpu.memory_space<vmem>>
      %dma_wait3A_295 = tpu.memref_squeeze %dma_wait3A_294 : memref<1x80x128xf32, #tpu.memory_space<vmem>> -> memref<80x128xf32, #tpu.memory_space<vmem>>
      %dma_wait3A_296 = arith.constant 0 : i32
      %dma_wait3A_297 = tpu.memref_slice %arg19[%add3A_32, %dma_wait3A_296] : memref<10240x128xf32, #tpu.memory_space<vmem_shared>> -> memref<80x128xf32, #tpu.memory_space<vmem_shared>>
      %dma_wait3A_298 = arith.constant 0 : i32
      %dma_wait3A_299 = tpu.memref_slice %arg19[%add3A_32, %dma_wait3A_298] : memref<10240x128xf32, #tpu.memory_space<vmem_shared>> -> memref<80x128xf32, #tpu.memory_space<vmem_shared>>
      %dma_wait3A_300 = arith.constant 0 : i32
      %dma_wait3A_301 = arith.constant 0 : i32
      %dma_wait3A_302 = tpu.memref_slice %arg18[%run_scoped3A_33, %dma_wait3A_300, %dma_wait3A_301] : memref<4x80x128xf32, #tpu.memory_space<vmem>> -> memref<1x80x128xf32, #tpu.memory_space<vmem>>
      %dma_wait3A_303 = tpu.memref_squeeze %dma_wait3A_302 : memref<1x80x128xf32, #tpu.memory_space<vmem>> -> memref<80x128xf32, #tpu.memory_space<vmem>>
      tpu.wait_dma2 semaphore(%run_scoped3A_279 : memref<!tpu.dma_semaphore, #tpu.memory_space<semaphore_mem>>) src(%dma_wait3A_303 : memref<80x128xf32, #tpu.memory_space<vmem>>) dst(%dma_wait3A_299 : memref<80x128xf32, #tpu.memory_space<vmem_shared>>)
      tpu.yield
    }) : () -> ()
    %mul3A_34 = arith.constant 640 : i32
    %mul3A_35 = arith.muli %arg1, %mul3A_34 : i32
    %add3A_36 = arith.constant 480 : i32
    %add3A_37 = arith.addi %mul3A_35, %add3A_36 : i32
    %run_scoped3A_38 = arith.constant 0 : i32
    "tpu.region"() ({
      %run_scoped3A_279 = tpu.sem_alloc : memref<!tpu.dma_semaphore, #tpu.memory_space<semaphore_mem>>
      %dma_start3A_280 = arith.constant 0 : i32
      %dma_start3A_281 = arith.constant 0 : i32
      %dma_start3A_282 = tpu.memref_slice %arg18[%run_scoped3A_38, %dma_start3A_280, %dma_start3A_281] : memref<4x80x128xf32, #tpu.memory_space<vmem>> -> memref<1x80x128xf32, #tpu.memory_space<vmem>>
      %dma_start3A_283 = tpu.memref_squeeze %dma_start3A_282 : memref<1x80x128xf32, #tpu.memory_space<vmem>> -> memref<80x128xf32, #tpu.memory_space<vmem>>
      %dma_start3A_284 = arith.constant 0 : i32
      %dma_start3A_285 = tpu.memref_slice %arg19[%add3A_37, %dma_start3A_284] : memref<10240x128xf32, #tpu.memory_space<vmem_shared>> -> memref<80x128xf32, #tpu.memory_space<vmem_shared>>
      %dma_start3A_286 = arith.constant 0 : i32
      %dma_start3A_287 = tpu.memref_slice %arg19[%add3A_37, %dma_start3A_286] : memref<10240x128xf32, #tpu.memory_space<vmem_shared>> -> memref<80x128xf32, #tpu.memory_space<vmem_shared>>
      %dma_start3A_288 = arith.constant 0 : i32
      %dma_start3A_289 = arith.constant 0 : i32
      %dma_start3A_290 = tpu.memref_slice %arg18[%run_scoped3A_38, %dma_start3A_288, %dma_start3A_289] : memref<4x80x128xf32, #tpu.memory_space<vmem>> -> memref<1x80x128xf32, #tpu.memory_space<vmem>>
      %dma_start3A_291 = tpu.memref_squeeze %dma_start3A_290 : memref<1x80x128xf32, #tpu.memory_space<vmem>> -> memref<80x128xf32, #tpu.memory_space<vmem>>
      tpu.enqueue_dma source(%dma_start3A_291 : memref<80x128xf32, #tpu.memory_space<vmem>>) target(%dma_start3A_287 : memref<80x128xf32, #tpu.memory_space<vmem_shared>>) target_semaphore(%run_scoped3A_279 : memref<!tpu.dma_semaphore, #tpu.memory_space<semaphore_mem>>)
      %dma_wait3A_292 = arith.constant 0 : i32
      %dma_wait3A_293 = arith.constant 0 : i32
      %dma_wait3A_294 = tpu.memref_slice %arg18[%run_scoped3A_38, %dma_wait3A_292, %dma_wait3A_293] : memref<4x80x128xf32, #tpu.memory_space<vmem>> -> memref<1x80x128xf32, #tpu.memory_space<vmem>>
      %dma_wait3A_295 = tpu.memref_squeeze %dma_wait3A_294 : memref<1x80x128xf32, #tpu.memory_space<vmem>> -> memref<80x128xf32, #tpu.memory_space<vmem>>
      %dma_wait3A_296 = arith.constant 0 : i32
      %dma_wait3A_297 = tpu.memref_slice %arg19[%add3A_37, %dma_wait3A_296] : memref<10240x128xf32, #tpu.memory_space<vmem_shared>> -> memref<80x128xf32, #tpu.memory_space<vmem_shared>>
      %dma_wait3A_298 = arith.constant 0 : i32
      %dma_wait3A_299 = tpu.memref_slice %arg19[%add3A_37, %dma_wait3A_298] : memref<10240x128xf32, #tpu.memory_space<vmem_shared>> -> memref<80x128xf32, #tpu.memory_space<vmem_shared>>
      %dma_wait3A_300 = arith.constant 0 : i32
      %dma_wait3A_301 = arith.constant 0 : i32
      %dma_wait3A_302 = tpu.memref_slice %arg18[%run_scoped3A_38, %dma_wait3A_300, %dma_wait3A_301] : memref<4x80x128xf32, #tpu.memory_space<vmem>> -> memref<1x80x128xf32, #tpu.memory_space<vmem>>
      %dma_wait3A_303 = tpu.memref_squeeze %dma_wait3A_302 : memref<1x80x128xf32, #tpu.memory_space<vmem>> -> memref<80x128xf32, #tpu.memory_space<vmem>>
      tpu.wait_dma2 semaphore(%run_scoped3A_279 : memref<!tpu.dma_semaphore, #tpu.memory_space<semaphore_mem>>) src(%dma_wait3A_303 : memref<80x128xf32, #tpu.memory_space<vmem>>) dst(%dma_wait3A_299 : memref<80x128xf32, #tpu.memory_space<vmem_shared>>)
      tpu.yield
    }) : () -> ()
    %mul3A_39 = arith.constant 640 : i32
    %mul3A_40 = arith.muli %arg1, %mul3A_39 : i32
    %add3A_41 = arith.constant 560 : i32
    %add3A_42 = arith.addi %mul3A_40, %add3A_41 : i32
    %run_scoped3A_43 = arith.constant 0 : i32
    "tpu.region"() ({
      %run_scoped3A_279 = tpu.sem_alloc : memref<!tpu.dma_semaphore, #tpu.memory_space<semaphore_mem>>
      %dma_start3A_280 = arith.constant 0 : i32
      %dma_start3A_281 = arith.constant 0 : i32
      %dma_start3A_282 = tpu.memref_slice %arg18[%run_scoped3A_43, %dma_start3A_280, %dma_start3A_281] : memref<4x80x128xf32, #tpu.memory_space<vmem>> -> memref<1x80x128xf32, #tpu.memory_space<vmem>>
      %dma_start3A_283 = tpu.memref_squeeze %dma_start3A_282 : memref<1x80x128xf32, #tpu.memory_space<vmem>> -> memref<80x128xf32, #tpu.memory_space<vmem>>
      %dma_start3A_284 = arith.constant 0 : i32
      %dma_start3A_285 = tpu.memref_slice %arg19[%add3A_42, %dma_start3A_284] : memref<10240x128xf32, #tpu.memory_space<vmem_shared>> -> memref<80x128xf32, #tpu.memory_space<vmem_shared>>
      %dma_start3A_286 = arith.constant 0 : i32
      %dma_start3A_287 = tpu.memref_slice %arg19[%add3A_42, %dma_start3A_286] : memref<10240x128xf32, #tpu.memory_space<vmem_shared>> -> memref<80x128xf32, #tpu.memory_space<vmem_shared>>
      %dma_start3A_288 = arith.constant 0 : i32
      %dma_start3A_289 = arith.constant 0 : i32
      %dma_start3A_290 = tpu.memref_slice %arg18[%run_scoped3A_43, %dma_start3A_288, %dma_start3A_289] : memref<4x80x128xf32, #tpu.memory_space<vmem>> -> memref<1x80x128xf32, #tpu.memory_space<vmem>>
      %dma_start3A_291 = tpu.memref_squeeze %dma_start3A_290 : memref<1x80x128xf32, #tpu.memory_space<vmem>> -> memref<80x128xf32, #tpu.memory_space<vmem>>
      tpu.enqueue_dma source(%dma_start3A_291 : memref<80x128xf32, #tpu.memory_space<vmem>>) target(%dma_start3A_287 : memref<80x128xf32, #tpu.memory_space<vmem_shared>>) target_semaphore(%run_scoped3A_279 : memref<!tpu.dma_semaphore, #tpu.memory_space<semaphore_mem>>)
      %dma_wait3A_292 = arith.constant 0 : i32
      %dma_wait3A_293 = arith.constant 0 : i32
      %dma_wait3A_294 = tpu.memref_slice %arg18[%run_scoped3A_43, %dma_wait3A_292, %dma_wait3A_293] : memref<4x80x128xf32, #tpu.memory_space<vmem>> -> memref<1x80x128xf32, #tpu.memory_space<vmem>>
      %dma_wait3A_295 = tpu.memref_squeeze %dma_wait3A_294 : memref<1x80x128xf32, #tpu.memory_space<vmem>> -> memref<80x128xf32, #tpu.memory_space<vmem>>
      %dma_wait3A_296 = arith.constant 0 : i32
      %dma_wait3A_297 = tpu.memref_slice %arg19[%add3A_42, %dma_wait3A_296] : memref<10240x128xf32, #tpu.memory_space<vmem_shared>> -> memref<80x128xf32, #tpu.memory_space<vmem_shared>>
      %dma_wait3A_298 = arith.constant 0 : i32
      %dma_wait3A_299 = tpu.memref_slice %arg19[%add3A_42, %dma_wait3A_298] : memref<10240x128xf32, #tpu.memory_space<vmem_shared>> -> memref<80x128xf32, #tpu.memory_space<vmem_shared>>
      %dma_wait3A_300 = arith.constant 0 : i32
      %dma_wait3A_301 = arith.constant 0 : i32
      %dma_wait3A_302 = tpu.memref_slice %arg18[%run_scoped3A_43, %dma_wait3A_300, %dma_wait3A_301] : memref<4x80x128xf32, #tpu.memory_space<vmem>> -> memref<1x80x128xf32, #tpu.memory_space<vmem>>
      %dma_wait3A_303 = tpu.memref_squeeze %dma_wait3A_302 : memref<1x80x128xf32, #tpu.memory_space<vmem>> -> memref<80x128xf32, #tpu.memory_space<vmem>>
      tpu.wait_dma2 semaphore(%run_scoped3A_279 : memref<!tpu.dma_semaphore, #tpu.memory_space<semaphore_mem>>) src(%dma_wait3A_303 : memref<80x128xf32, #tpu.memory_space<vmem>>) dst(%dma_wait3A_299 : memref<80x128xf32, #tpu.memory_space<vmem_shared>>)
      tpu.yield
    }) : () -> ()
    %barrier3A = arith.constant 0 : index
    tpu.barrier barrier_id(%barrier3A)
    %mul3A_44 = arith.constant 10000 : i32
    %mul3A_45 = arith.muli %arg1, %mul3A_44 : i32
    %add3A_46 = arith.constant 0 : i32
    %add3A_47 = arith.addi %mul3A_45, %add3A_46 : i32
    %dma_start3A = tpu.memref_slice %arg3[%add3A_47] : memref<160000xi32, #tpu.memory_space<hbm>> -> memref<80xi32, #tpu.memory_space<hbm>>
    %dma_start3A_48 = tpu.memref_slice %arg3[%add3A_47] : memref<160000xi32, #tpu.memory_space<hbm>> -> memref<80xi32, #tpu.memory_space<hbm>>
    tpu.enqueue_dma source(%dma_start3A_48 : memref<80xi32, #tpu.memory_space<hbm>>) target(%arg6 : memref<80xi32, #tpu.memory_space<vmem>>) target_semaphore(%arg20 : memref<!tpu.dma_semaphore, #tpu.memory_space<semaphore_mem>>)
    %dma_start3A_49 = tpu.memref_slice %arg4[%add3A_47] : memref<160000xi32, #tpu.memory_space<hbm>> -> memref<80xi32, #tpu.memory_space<hbm>>
    %dma_start3A_50 = tpu.memref_slice %arg4[%add3A_47] : memref<160000xi32, #tpu.memory_space<hbm>> -> memref<80xi32, #tpu.memory_space<hbm>>
    tpu.enqueue_dma source(%dma_start3A_50 : memref<80xi32, #tpu.memory_space<hbm>>) target(%arg10 : memref<80xi32, #tpu.memory_space<vmem>>) target_semaphore(%arg20 : memref<!tpu.dma_semaphore, #tpu.memory_space<semaphore_mem>>)
    %add3A_51 = arith.constant 80 : i32
    %add3A_52 = arith.addi %mul3A_45, %add3A_51 : i32
    %dma_start3A_53 = tpu.memref_slice %arg3[%add3A_52] : memref<160000xi32, #tpu.memory_space<hbm>> -> memref<80xi32, #tpu.memory_space<hbm>>
    %dma_start3A_54 = tpu.memref_slice %arg3[%add3A_52] : memref<160000xi32, #tpu.memory_space<hbm>> -> memref<80xi32, #tpu.memory_space<hbm>>
    tpu.enqueue_dma source(%dma_start3A_54 : memref<80xi32, #tpu.memory_space<hbm>>) target(%arg7 : memref<80xi32, #tpu.memory_space<vmem>>) target_semaphore(%arg21 : memref<!tpu.dma_semaphore, #tpu.memory_space<semaphore_mem>>)
    %dma_start3A_55 = tpu.memref_slice %arg4[%add3A_52] : memref<160000xi32, #tpu.memory_space<hbm>> -> memref<80xi32, #tpu.memory_space<hbm>>
    %dma_start3A_56 = tpu.memref_slice %arg4[%add3A_52] : memref<160000xi32, #tpu.memory_space<hbm>> -> memref<80xi32, #tpu.memory_space<hbm>>
    tpu.enqueue_dma source(%dma_start3A_56 : memref<80xi32, #tpu.memory_space<hbm>>) target(%arg11 : memref<80xi32, #tpu.memory_space<vmem>>) target_semaphore(%arg21 : memref<!tpu.dma_semaphore, #tpu.memory_space<semaphore_mem>>)
    %add3A_57 = arith.constant 160 : i32
    %add3A_58 = arith.addi %mul3A_45, %add3A_57 : i32
    %dma_start3A_59 = tpu.memref_slice %arg3[%add3A_58] : memref<160000xi32, #tpu.memory_space<hbm>> -> memref<80xi32, #tpu.memory_space<hbm>>
    %dma_start3A_60 = tpu.memref_slice %arg3[%add3A_58] : memref<160000xi32, #tpu.memory_space<hbm>> -> memref<80xi32, #tpu.memory_space<hbm>>
    tpu.enqueue_dma source(%dma_start3A_60 : memref<80xi32, #tpu.memory_space<hbm>>) target(%arg8 : memref<80xi32, #tpu.memory_space<vmem>>) target_semaphore(%arg22 : memref<!tpu.dma_semaphore, #tpu.memory_space<semaphore_mem>>)
    %dma_start3A_61 = tpu.memref_slice %arg4[%add3A_58] : memref<160000xi32, #tpu.memory_space<hbm>> -> memref<80xi32, #tpu.memory_space<hbm>>
    %dma_start3A_62 = tpu.memref_slice %arg4[%add3A_58] : memref<160000xi32, #tpu.memory_space<hbm>> -> memref<80xi32, #tpu.memory_space<hbm>>
    tpu.enqueue_dma source(%dma_start3A_62 : memref<80xi32, #tpu.memory_space<hbm>>) target(%arg12 : memref<80xi32, #tpu.memory_space<vmem>>) target_semaphore(%arg22 : memref<!tpu.dma_semaphore, #tpu.memory_space<semaphore_mem>>)
    %add3A_63 = arith.constant 0 : i32
    %add3A_64 = arith.addi %mul3A_45, %add3A_63 : i32
    %dma_wait3A = tpu.memref_slice %arg3[%add3A_64] : memref<160000xi32, #tpu.memory_space<hbm>> -> memref<80xi32, #tpu.memory_space<hbm>>
    %dma_wait3A_65 = tpu.memref_slice %arg3[%add3A_64] : memref<160000xi32, #tpu.memory_space<hbm>> -> memref<80xi32, #tpu.memory_space<hbm>>
    tpu.wait_dma2 semaphore(%arg20 : memref<!tpu.dma_semaphore, #tpu.memory_space<semaphore_mem>>) src(%dma_wait3A_65 : memref<80xi32, #tpu.memory_space<hbm>>) dst(%arg6 : memref<80xi32, #tpu.memory_space<vmem>>)
    %dma_wait3A_66 = tpu.memref_slice %arg4[%add3A_64] : memref<160000xi32, #tpu.memory_space<hbm>> -> memref<80xi32, #tpu.memory_space<hbm>>
    %dma_wait3A_67 = tpu.memref_slice %arg4[%add3A_64] : memref<160000xi32, #tpu.memory_space<hbm>> -> memref<80xi32, #tpu.memory_space<hbm>>
    tpu.wait_dma2 semaphore(%arg20 : memref<!tpu.dma_semaphore, #tpu.memory_space<semaphore_mem>>) src(%dma_wait3A_67 : memref<80xi32, #tpu.memory_space<hbm>>) dst(%arg10 : memref<80xi32, #tpu.memory_space<vmem>>)
    %get3A = arith.constant 0 : index
    %get3A_68 = tpu.vector_load %arg10[%get3A] {strides = array<i32>} : memref<80xi32, #tpu.memory_space<vmem>>, vector<16xi32>,
    %get3A_69 = vector.shape_cast %get3A_68 : vector<16xi32> to vector<16xi32>
    %swap3A = arith.constant 0 : index
    %swap3A_70 = tpu.vector_load %arg14[%swap3A] {strides = array<i32>} : memref<80xi32, #tpu.memory_space<vmem>>, vector<16xi32>,
    %swap3A_71 = vector.shape_cast %swap3A_70 : vector<16xi32> to vector<16xi32>
    %swap3A_72 = vector.shape_cast %get3A_69 : vector<16xi32> to vector<16xi32>
    tpu.vector_store %arg14[%swap3A], %swap3A_72 {strides = array<i32>} : memref<80xi32, #tpu.memory_space<vmem>>, vector<16xi32>,
    %get3A_73 = arith.constant 0 : index
    %get3A_74 = tpu.vector_load %arg6[%get3A_73] {strides = array<i32>} : memref<80xi32, #tpu.memory_space<vmem>>, vector<16xi32>,
    %get3A_75 = vector.shape_cast %get3A_74 : vector<16xi32> to vector<16xi32>
    %mul3A_76 = arith.constant 2 : i32
    %mul3A_77 = vector.broadcast %mul3A_76 : i32 to vector<16xi32>
    %mul3A_78 = arith.muli %get3A_75, %mul3A_77 : vector<16xi32>
    %add3A_79 = vector.broadcast %arg0 : i32 to vector<16xi32>
    %add3A_80 = arith.addi %mul3A_78, %add3A_79 : vector<16xi32>
    %swap3A_81 = arith.constant 0 : index
    %swap3A_82 = tpu.vector_load %arg6[%swap3A_81] {strides = array<i32>} : memref<80xi32, #tpu.memory_space<vmem>>, vector<16xi32>,
    %swap3A_83 = vector.shape_cast %swap3A_82 : vector<16xi32> to vector<16xi32>
    %swap3A_84 = vector.shape_cast %add3A_80 : vector<16xi32> to vector<16xi32>
    tpu.vector_store %arg6[%swap3A_81], %swap3A_84 {strides = array<i32>} : memref<80xi32, #tpu.memory_space<vmem>>, vector<16xi32>,
    %get3A_85 = arith.constant 16 : index
    %get3A_86 = tpu.vector_load %arg10[%get3A_85] {strides = array<i32>} : memref<80xi32, #tpu.memory_space<vmem>>, vector<16xi32>,
    %get3A_87 = vector.shape_cast %get3A_86 : vector<16xi32> to vector<16xi32>
    %swap3A_88 = arith.constant 16 : index
    %swap3A_89 = tpu.vector_load %arg14[%swap3A_88] {strides = array<i32>} : memref<80xi32, #tpu.memory_space<vmem>>, vector<16xi32>,
    %swap3A_90 = vector.shape_cast %swap3A_89 : vector<16xi32> to vector<16xi32>
    %swap3A_91 = vector.shape_cast %get3A_87 : vector<16xi32> to vector<16xi32>
    tpu.vector_store %arg14[%swap3A_88], %swap3A_91 {strides = array<i32>} : memref<80xi32, #tpu.memory_space<vmem>>, vector<16xi32>,
    %get3A_92 = arith.constant 16 : index
    %get3A_93 = tpu.vector_load %arg6[%get3A_92] {strides = array<i32>} : memref<80xi32, #tpu.memory_space<vmem>>, vector<16xi32>,
    %get3A_94 = vector.shape_cast %get3A_93 : vector<16xi32> to vector<16xi32>
    %mul3A_95 = arith.constant 2 : i32
    %mul3A_96 = vector.broadcast %mul3A_95 : i32 to vector<16xi32>
    %mul3A_97 = arith.muli %get3A_94, %mul3A_96 : vector<16xi32>
    %add3A_98 = vector.broadcast %arg0 : i32 to vector<16xi32>
    %add3A_99 = arith.addi %mul3A_97, %add3A_98 : vector<16xi32>
    %swap3A_100 = arith.constant 16 : index
    %swap3A_101 = tpu.vector_load %arg6[%swap3A_100] {strides = array<i32>} : memref<80xi32, #tpu.memory_space<vmem>>, vector<16xi32>,
    %swap3A_102 = vector.shape_cast %swap3A_101 : vector<16xi32> to vector<16xi32>
    %swap3A_103 = vector.shape_cast %add3A_99 : vector<16xi32> to vector<16xi32>
    tpu.vector_store %arg6[%swap3A_100], %swap3A_103 {strides = array<i32>} : memref<80xi32, #tpu.memory_space<vmem>>, vector<16xi32>,
    %get3A_104 = arith.constant 32 : index
    %get3A_105 = tpu.vector_load %arg10[%get3A_104] {strides = array<i32>} : memref<80xi32, #tpu.memory_space<vmem>>, vector<16xi32>,
    %get3A_106 = vector.shape_cast %get3A_105 : vector<16xi32> to vector<16xi32>
    %swap3A_107 = arith.constant 32 : index
    %swap3A_108 = tpu.vector_load %arg14[%swap3A_107] {strides = array<i32>} : memref<80xi32, #tpu.memory_space<vmem>>, vector<16xi32>,
    %swap3A_109 = vector.shape_cast %swap3A_108 : vector<16xi32> to vector<16xi32>
    %swap3A_110 = vector.shape_cast %get3A_106 : vector<16xi32> to vector<16xi32>
    tpu.vector_store %arg14[%swap3A_107], %swap3A_110 {strides = array<i32>} : memref<80xi32, #tpu.memory_space<vmem>>, vector<16xi32>,
    %get3A_111 = arith.constant 32 : index
    %get3A_112 = tpu.vector_load %arg6[%get3A_111] {strides = array<i32>} : memref<80xi32, #tpu.memory_space<vmem>>, vector<16xi32>,
    %get3A_113 = vector.shape_cast %get3A_112 : vector<16xi32> to vector<16xi32>
    %mul3A_114 = arith.constant 2 : i32
    %mul3A_115 = vector.broadcast %mul3A_114 : i32 to vector<16xi32>
    %mul3A_116 = arith.muli %get3A_113, %mul3A_115 : vector<16xi32>
    %add3A_117 = vector.broadcast %arg0 : i32 to vector<16xi32>
    %add3A_118 = arith.addi %mul3A_116, %add3A_117 : vector<16xi32>
    %swap3A_119 = arith.constant 32 : index
    %swap3A_120 = tpu.vector_load %arg6[%swap3A_119] {strides = array<i32>} : memref<80xi32, #tpu.memory_space<vmem>>, vector<16xi32>,
    %swap3A_121 = vector.shape_cast %swap3A_120 : vector<16xi32> to vector<16xi32>
    %swap3A_122 = vector.shape_cast %add3A_118 : vector<16xi32> to vector<16xi32>
    tpu.vector_store %arg6[%swap3A_119], %swap3A_122 {strides = array<i32>} : memref<80xi32, #tpu.memory_space<vmem>>, vector<16xi32>,
    %get3A_123 = arith.constant 48 : index
    %get3A_124 = tpu.vector_load %arg10[%get3A_123] {strides = array<i32>} : memref<80xi32, #tpu.memory_space<vmem>>, vector<16xi32>,
    %get3A_125 = vector.shape_cast %get3A_124 : vector<16xi32> to vector<16xi32>
    %swap3A_126 = arith.constant 48 : index
    %swap3A_127 = tpu.vector_load %arg14[%swap3A_126] {strides = array<i32>} : memref<80xi32, #tpu.memory_space<vmem>>, vector<16xi32>,
    %swap3A_128 = vector.shape_cast %swap3A_127 : vector<16xi32> to vector<16xi32>
    %swap3A_129 = vector.shape_cast %get3A_125 : vector<16xi32> to vector<16xi32>
    tpu.vector_store %arg14[%swap3A_126], %swap3A_129 {strides = array<i32>} : memref<80xi32, #tpu.memory_space<vmem>>, vector<16xi32>,
    %get3A_130 = arith.constant 48 : index
    %get3A_131 = tpu.vector_load %arg6[%get3A_130] {strides = array<i32>} : memref<80xi32, #tpu.memory_space<vmem>>, vector<16xi32>,
    %get3A_132 = vector.shape_cast %get3A_131 : vector<16xi32> to vector<16xi32>
    %mul3A_133 = arith.constant 2 : i32
    %mul3A_134 = vector.broadcast %mul3A_133 : i32 to vector<16xi32>
    %mul3A_135 = arith.muli %get3A_132, %mul3A_134 : vector<16xi32>
    %add3A_136 = vector.broadcast %arg0 : i32 to vector<16xi32>
    %add3A_137 = arith.addi %mul3A_135, %add3A_136 : vector<16xi32>
    %swap3A_138 = arith.constant 48 : index
    %swap3A_139 = tpu.vector_load %arg6[%swap3A_138] {strides = array<i32>} : memref<80xi32, #tpu.memory_space<vmem>>, vector<16xi32>,
    %swap3A_140 = vector.shape_cast %swap3A_139 : vector<16xi32> to vector<16xi32>
    %swap3A_141 = vector.shape_cast %add3A_137 : vector<16xi32> to vector<16xi32>
    tpu.vector_store %arg6[%swap3A_138], %swap3A_141 {strides = array<i32>} : memref<80xi32, #tpu.memory_space<vmem>>, vector<16xi32>,
    %get3A_142 = arith.constant 64 : index
    %get3A_143 = tpu.vector_load %arg10[%get3A_142] {strides = array<i32>} : memref<80xi32, #tpu.memory_space<vmem>>, vector<16xi32>,
    %get3A_144 = vector.shape_cast %get3A_143 : vector<16xi32> to vector<16xi32>
    %swap3A_145 = arith.constant 64 : index
    %swap3A_146 = tpu.vector_load %arg14[%swap3A_145] {strides = array<i32>} : memref<80xi32, #tpu.memory_space<vmem>>, vector<16xi32>,
    %swap3A_147 = vector.shape_cast %swap3A_146 : vector<16xi32> to vector<16xi32>
    %swap3A_148 = vector.shape_cast %get3A_144 : vector<16xi32> to vector<16xi32>
    tpu.vector_store %arg14[%swap3A_145], %swap3A_148 {strides = array<i32>} : memref<80xi32, #tpu.memory_space<vmem>>, vector<16xi32>,
    %get3A_149 = arith.constant 64 : index
    %get3A_150 = tpu.vector_load %arg6[%get3A_149] {strides = array<i32>} : memref<80xi32, #tpu.memory_space<vmem>>, vector<16xi32>,
    %get3A_151 = vector.shape_cast %get3A_150 : vector<16xi32> to vector<16xi32>
    %mul3A_152 = arith.constant 2 : i32
    %mul3A_153 = vector.broadcast %mul3A_152 : i32 to vector<16xi32>
    %mul3A_154 = arith.muli %get3A_151, %mul3A_153 : vector<16xi32>
    %add3A_155 = vector.broadcast %arg0 : i32 to vector<16xi32>
    %add3A_156 = arith.addi %mul3A_154, %add3A_155 : vector<16xi32>
    %swap3A_157 = arith.constant 64 : index
    %swap3A_158 = tpu.vector_load %arg6[%swap3A_157] {strides = array<i32>} : memref<80xi32, #tpu.memory_space<vmem>>, vector<16xi32>,
    %swap3A_159 = vector.shape_cast %swap3A_158 : vector<16xi32> to vector<16xi32>
    %swap3A_160 = vector.shape_cast %add3A_156 : vector<16xi32> to vector<16xi32>
    tpu.vector_store %arg6[%swap3A_157], %swap3A_160 {strides = array<i32>} : memref<80xi32, #tpu.memory_space<vmem>>, vector<16xi32>,
    %dma_start3A_161 = arith.constant 0 : i32
    %dma_start3A_162 = arith.constant 0 : i32
    %dma_start3A_163 = arith.constant 0 : i32
    %dma_start3A_164 = tpu.memref_slice %arg18[%dma_start3A_161, %dma_start3A_162, %dma_start3A_163] : memref<4x80x128xf32, #tpu.memory_space<vmem>> -> memref<1x80x128xf32, #tpu.memory_space<vmem>>
    %dma_start3A_165 = tpu.memref_squeeze %dma_start3A_164 : memref<1x80x128xf32, #tpu.memory_space<vmem>> -> memref<80x128xf32, #tpu.memory_space<vmem>>
    %dma_start3A_166 = arith.constant 0 : i32
    %dma_start3A_167 = arith.constant 0 : i32
    %dma_start3A_168 = tpu.memref_slice %arg2[%dma_start3A_166, %dma_start3A_167] : memref<20000x128xf32, #tpu.memory_space<hbm>> -> memref<20000x128xf32, #tpu.memory_space<hbm>>
    tpu.enqueue_indirect_dma source(%dma_start3A_168 : memref<20000x128xf32, #tpu.memory_space<hbm>>) target(%dma_start3A_165 : memref<80x128xf32, #tpu.memory_space<vmem>>) offsets(%arg6 : memref<80xi32, #tpu.memory_space<vmem>>) semaphore(%arg24 : memref<!tpu.dma_semaphore, #tpu.memory_space<semaphore_mem>>)
    %add3A_169 = arith.constant 240 : i32
    %add3A_170 = arith.addi %mul3A_45, %add3A_169 : i32
    %dma_start3A_171 = tpu.memref_slice %arg3[%add3A_170] : memref<160000xi32, #tpu.memory_space<hbm>> -> memref<80xi32, #tpu.memory_space<hbm>>
    %dma_start3A_172 = tpu.memref_slice %arg3[%add3A_170] : memref<160000xi32, #tpu.memory_space<hbm>> -> memref<80xi32, #tpu.memory_space<hbm>>
    tpu.enqueue_dma source(%dma_start3A_172 : memref<80xi32, #tpu.memory_space<hbm>>) target(%arg9 : memref<80xi32, #tpu.memory_space<vmem>>) target_semaphore(%arg23 : memref<!tpu.dma_semaphore, #tpu.memory_space<semaphore_mem>>)
    %dma_start3A_173 = tpu.memref_slice %arg4[%add3A_170] : memref<160000xi32, #tpu.memory_space<hbm>> -> memref<80xi32, #tpu.memory_space<hbm>>
    %dma_start3A_174 = tpu.memref_slice %arg4[%add3A_170] : memref<160000xi32, #tpu.memory_space<hbm>> -> memref<80xi32, #tpu.memory_space<hbm>>
    tpu.enqueue_dma source(%dma_start3A_174 : memref<80xi32, #tpu.memory_space<hbm>>) target(%arg13 : memref<80xi32, #tpu.memory_space<vmem>>) target_semaphore(%arg23 : memref<!tpu.dma_semaphore, #tpu.memory_space<semaphore_mem>>)
    %scan3A_175 = arith.constant 0 : i32
    %scan3A_176 = arith.constant 0 : i32
    %scan3A_177 = arith.constant 31 : i32
    %scan3A_178 = arith.addi %scan3A_176, %scan3A_177 : i32
    %scan3A_179 = arith.constant 1 : i32
    %scan3A_180 = scf.for %scan3A_279 = %scan3A_176 to %scan3A_178 step %scan3A_179 iter_args(%scan3A_280 = %scan3A_175) -> (i32)  : i32 {
      %mul3A_281 = arith.constant 4 : i32
      %mul3A_282 = arith.muli %mul3A_281, %scan3A_279 : i32
      %add3A_283 = arith.constant 1 : i32
      %add3A_284 = arith.addi %mul3A_282, %add3A_283 : i32
      %ge3A = arith.constant 1 : i32
      %ge3A_285 = arith.cmpi sge, %scan3A_279, %ge3A : i32
      %convert_element_type3A = arith.extui %ge3A_285 : i1 to i32
      %cond3A = arith.constant 0 : i32
      %cond3A_286 = arith.cmpi ne, %convert_element_type3A, %cond3A : i32
      scf.if %cond3A_286 {
        %dma_wait3A_843 = arith.constant 1 : i32
        %dma_wait3A_844 = arith.constant 0 : i32
        %dma_wait3A_845 = arith.constant 0 : i32
        %dma_wait3A_846 = tpu.memref_slice %arg18[%dma_wait3A_843, %dma_wait3A_844, %dma_wait3A_845] : memref<4x80x128xf32, #tpu.memory_space<vmem>> -> memref<1x80x128xf32, #tpu.memory_space<vmem>>
        %dma_wait3A_847 = tpu.memref_squeeze %dma_wait3A_846 : memref<1x80x128xf32, #tpu.memory_space<vmem>> -> memref<80x128xf32, #tpu.memory_space<vmem>>
        %dma_wait3A_848 = arith.constant 0 : i32
        %dma_wait3A_849 = arith.constant 0 : i32
        %dma_wait3A_850 = tpu.memref_slice %arg19[%dma_wait3A_848, %dma_wait3A_849] : memref<10240x128xf32, #tpu.memory_space<vmem_shared>> -> memref<10240x128xf32, #tpu.memory_space<vmem_shared>>
        tpu.wait_indirect_dma semaphore(%arg29 : memref<!tpu.dma_semaphore, #tpu.memory_space<semaphore_mem>>) src(%dma_wait3A_847 : memref<80x128xf32, #tpu.memory_space<vmem>>) dst(%dma_wait3A_850 : memref<10240x128xf32, #tpu.memory_space<vmem_shared>>)
      } else {
      }
      %mul3A_287 = arith.constant 80 : i32
      %mul3A_288 = arith.muli %add3A_284, %mul3A_287 : i32
      %add3A_289 = arith.addi %mul3A_45, %mul3A_288 : i32
      %dma_wait3A_290 = tpu.memref_slice %arg3[%add3A_289] : memref<160000xi32, #tpu.memory_space<hbm>> -> memref<80xi32, #tpu.memory_space<hbm>>
      %dma_wait3A_291 = tpu.memref_slice %arg3[%add3A_289] : memref<160000xi32, #tpu.memory_space<hbm>> -> memref<80xi32, #tpu.memory_space<hbm>>
      tpu.wait_dma2 semaphore(%arg21 : memref<!tpu.dma_semaphore, #tpu.memory_space<semaphore_mem>>) src(%dma_wait3A_291 : memref<80xi32, #tpu.memory_space<hbm>>) dst(%arg7 : memref<80xi32, #tpu.memory_space<vmem>>)
      %dma_wait3A_292 = tpu.memref_slice %arg4[%add3A_289] : memref<160000xi32, #tpu.memory_space<hbm>> -> memref<80xi32, #tpu.memory_space<hbm>>
      %dma_wait3A_293 = tpu.memref_slice %arg4[%add3A_289] : memref<160000xi32, #tpu.memory_space<hbm>> -> memref<80xi32, #tpu.memory_space<hbm>>
      tpu.wait_dma2 semaphore(%arg21 : memref<!tpu.dma_semaphore, #tpu.memory_space<semaphore_mem>>) src(%dma_wait3A_293 : memref<80xi32, #tpu.memory_space<hbm>>) dst(%arg11 : memref<80xi32, #tpu.memory_space<vmem>>)
      %get3A_294 = arith.constant 0 : index
      %get3A_295 = tpu.vector_load %arg11[%get3A_294] {strides = array<i32>} : memref<80xi32, #tpu.memory_space<vmem>>, vector<16xi32>,
      %get3A_296 = vector.shape_cast %get3A_295 : vector<16xi32> to vector<16xi32>
      %swap3A_297 = arith.constant 0 : index
      %swap3A_298 = tpu.vector_load %arg15[%swap3A_297] {strides = array<i32>} : memref<80xi32, #tpu.memory_space<vmem>>, vector<16xi32>,
      %swap3A_299 = vector.shape_cast %swap3A_298 : vector<16xi32> to vector<16xi32>
      %swap3A_300 = vector.shape_cast %get3A_296 : vector<16xi32> to vector<16xi32>
      tpu.vector_store %arg15[%swap3A_297], %swap3A_300 {strides = array<i32>} : memref<80xi32, #tpu.memory_space<vmem>>, vector<16xi32>,
      %get3A_301 = arith.constant 0 : index
      %get3A_302 = tpu.vector_load %arg7[%get3A_301] {strides = array<i32>} : memref<80xi32, #tpu.memory_space<vmem>>, vector<16xi32>,
      %get3A_303 = vector.shape_cast %get3A_302 : vector<16xi32> to vector<16xi32>
      %mul3A_304 = arith.constant 2 : i32
      %mul3A_305 = vector.broadcast %mul3A_304 : i32 to vector<16xi32>
      %mul3A_306 = arith.muli %get3A_303, %mul3A_305 : vector<16xi32>
      %add3A_307 = vector.broadcast %arg0 : i32 to vector<16xi32>
      %add3A_308 = arith.addi %mul3A_306, %add3A_307 : vector<16xi32>
      %swap3A_309 = arith.constant 0 : index
      %swap3A_310 = tpu.vector_load %arg7[%swap3A_309] {strides = array<i32>} : memref<80xi32, #tpu.memory_space<vmem>>, vector<16xi32>,
      %swap3A_311 = vector.shape_cast %swap3A_310 : vector<16xi32> to vector<16xi32>
      %swap3A_312 = vector.shape_cast %add3A_308 : vector<16xi32> to vector<16xi32>
      tpu.vector_store %arg7[%swap3A_309], %swap3A_312 {strides = array<i32>} : memref<80xi32, #tpu.memory_space<vmem>>, vector<16xi32>,
      %get3A_313 = arith.constant 16 : index
      %get3A_314 = tpu.vector_load %arg11[%get3A_313] {strides = array<i32>} : memref<80xi32, #tpu.memory_space<vmem>>, vector<16xi32>,
      %get3A_315 = vector.shape_cast %get3A_314 : vector<16xi32> to vector<16xi32>
      %swap3A_316 = arith.constant 16 : index
      %swap3A_317 = tpu.vector_load %arg15[%swap3A_316] {strides = array<i32>} : memref<80xi32, #tpu.memory_space<vmem>>, vector<16xi32>,
      %swap3A_318 = vector.shape_cast %swap3A_317 : vector<16xi32> to vector<16xi32>
      %swap3A_319 = vector.shape_cast %get3A_315 : vector<16xi32> to vector<16xi32>
      tpu.vector_store %arg15[%swap3A_316], %swap3A_319 {strides = array<i32>} : memref<80xi32, #tpu.memory_space<vmem>>, vector<16xi32>,
      %get3A_320 = arith.constant 16 : index
      %get3A_321 = tpu.vector_load %arg7[%get3A_320] {strides = array<i32>} : memref<80xi32, #tpu.memory_space<vmem>>, vector<16xi32>,
      %get3A_322 = vector.shape_cast %get3A_321 : vector<16xi32> to vector<16xi32>
      %mul3A_323 = arith.constant 2 : i32
      %mul3A_324 = vector.broadcast %mul3A_323 : i32 to vector<16xi32>
      %mul3A_325 = arith.muli %get3A_322, %mul3A_324 : vector<16xi32>
      %add3A_326 = vector.broadcast %arg0 : i32 to vector<16xi32>
      %add3A_327 = arith.addi %mul3A_325, %add3A_326 : vector<16xi32>
      %swap3A_328 = arith.constant 16 : index
      %swap3A_329 = tpu.vector_load %arg7[%swap3A_328] {strides = array<i32>} : memref<80xi32, #tpu.memory_space<vmem>>, vector<16xi32>,
      %swap3A_330 = vector.shape_cast %swap3A_329 : vector<16xi32> to vector<16xi32>
      %swap3A_331 = vector.shape_cast %add3A_327 : vector<16xi32> to vector<16xi32>
      tpu.vector_store %arg7[%swap3A_328], %swap3A_331 {strides = array<i32>} : memref<80xi32, #tpu.memory_space<vmem>>, vector<16xi32>,
      %get3A_332 = arith.constant 32 : index
      %get3A_333 = tpu.vector_load %arg11[%get3A_332] {strides = array<i32>} : memref<80xi32, #tpu.memory_space<vmem>>, vector<16xi32>,
      %get3A_334 = vector.shape_cast %get3A_333 : vector<16xi32> to vector<16xi32>
      %swap3A_335 = arith.constant 32 : index
      %swap3A_336 = tpu.vector_load %arg15[%swap3A_335] {strides = array<i32>} : memref<80xi32, #tpu.memory_space<vmem>>, vector<16xi32>,
      %swap3A_337 = vector.shape_cast %swap3A_336 : vector<16xi32> to vector<16xi32>
      %swap3A_338 = vector.shape_cast %get3A_334 : vector<16xi32> to vector<16xi32>
      tpu.vector_store %arg15[%swap3A_335], %swap3A_338 {strides = array<i32>} : memref<80xi32, #tpu.memory_space<vmem>>, vector<16xi32>,
      %get3A_339 = arith.constant 32 : index
      %get3A_340 = tpu.vector_load %arg7[%get3A_339] {strides = array<i32>} : memref<80xi32, #tpu.memory_space<vmem>>, vector<16xi32>,
      %get3A_341 = vector.shape_cast %get3A_340 : vector<16xi32> to vector<16xi32>
      %mul3A_342 = arith.constant 2 : i32
      %mul3A_343 = vector.broadcast %mul3A_342 : i32 to vector<16xi32>
      %mul3A_344 = arith.muli %get3A_341, %mul3A_343 : vector<16xi32>
      %add3A_345 = vector.broadcast %arg0 : i32 to vector<16xi32>
      %add3A_346 = arith.addi %mul3A_344, %add3A_345 : vector<16xi32>
      %swap3A_347 = arith.constant 32 : index
      %swap3A_348 = tpu.vector_load %arg7[%swap3A_347] {strides = array<i32>} : memref<80xi32, #tpu.memory_space<vmem>>, vector<16xi32>,
      %swap3A_349 = vector.shape_cast %swap3A_348 : vector<16xi32> to vector<16xi32>
      %swap3A_350 = vector.shape_cast %add3A_346 : vector<16xi32> to vector<16xi32>
      tpu.vector_store %arg7[%swap3A_347], %swap3A_350 {strides = array<i32>} : memref<80xi32, #tpu.memory_space<vmem>>, vector<16xi32>,
      %get3A_351 = arith.constant 48 : index
      %get3A_352 = tpu.vector_load %arg11[%get3A_351] {strides = array<i32>} : memref<80xi32, #tpu.memory_space<vmem>>, vector<16xi32>,
      %get3A_353 = vector.shape_cast %get3A_352 : vector<16xi32> to vector<16xi32>
      %swap3A_354 = arith.constant 48 : index
      %swap3A_355 = tpu.vector_load %arg15[%swap3A_354] {strides = array<i32>} : memref<80xi32, #tpu.memory_space<vmem>>, vector<16xi32>,
      %swap3A_356 = vector.shape_cast %swap3A_355 : vector<16xi32> to vector<16xi32>
      %swap3A_357 = vector.shape_cast %get3A_353 : vector<16xi32> to vector<16xi32>
      tpu.vector_store %arg15[%swap3A_354], %swap3A_357 {strides = array<i32>} : memref<80xi32, #tpu.memory_space<vmem>>, vector<16xi32>,
      %get3A_358 = arith.constant 48 : index
      %get3A_359 = tpu.vector_load %arg7[%get3A_358] {strides = array<i32>} : memref<80xi32, #tpu.memory_space<vmem>>, vector<16xi32>,
      %get3A_360 = vector.shape_cast %get3A_359 : vector<16xi32> to vector<16xi32>
      %mul3A_361 = arith.constant 2 : i32
      %mul3A_362 = vector.broadcast %mul3A_361 : i32 to vector<16xi32>
      %mul3A_363 = arith.muli %get3A_360, %mul3A_362 : vector<16xi32>
      %add3A_364 = vector.broadcast %arg0 : i32 to vector<16xi32>
      %add3A_365 = arith.addi %mul3A_363, %add3A_364 : vector<16xi32>
      %swap3A_366 = arith.constant 48 : index
      %swap3A_367 = tpu.vector_load %arg7[%swap3A_366] {strides = array<i32>} : memref<80xi32, #tpu.memory_space<vmem>>, vector<16xi32>,
      %swap3A_368 = vector.shape_cast %swap3A_367 : vector<16xi32> to vector<16xi32>
      %swap3A_369 = vector.shape_cast %add3A_365 : vector<16xi32> to vector<16xi32>
      tpu.vector_store %arg7[%swap3A_366], %swap3A_369 {strides = array<i32>} : memref<80xi32, #tpu.memory_space<vmem>>, vector<16xi32>,
      %get3A_370 = arith.constant 64 : index
      %get3A_371 = tpu.vector_load %arg11[%get3A_370] {strides = array<i32>} : memref<80xi32, #tpu.memory_space<vmem>>, vector<16xi32>,
      %get3A_372 = vector.shape_cast %get3A_371 : vector<16xi32> to vector<16xi32>
      %swap3A_373 = arith.constant 64 : index
      %swap3A_374 = tpu.vector_load %arg15[%swap3A_373] {strides = array<i32>} : memref<80xi32, #tpu.memory_space<vmem>>, vector<16xi32>,
      %swap3A_375 = vector.shape_cast %swap3A_374 : vector<16xi32> to vector<16xi32>
      %swap3A_376 = vector.shape_cast %get3A_372 : vector<16xi32> to vector<16xi32>
      tpu.vector_store %arg15[%swap3A_373], %swap3A_376 {strides = array<i32>} : memref<80xi32, #tpu.memory_space<vmem>>, vector<16xi32>,
      %get3A_377 = arith.constant 64 : index
      %get3A_378 = tpu.vector_load %arg7[%get3A_377] {strides = array<i32>} : memref<80xi32, #tpu.memory_space<vmem>>, vector<16xi32>,
      %get3A_379 = vector.shape_cast %get3A_378 : vector<16xi32> to vector<16xi32>
      %mul3A_380 = arith.constant 2 : i32
      %mul3A_381 = vector.broadcast %mul3A_380 : i32 to vector<16xi32>
      %mul3A_382 = arith.muli %get3A_379, %mul3A_381 : vector<16xi32>
      %add3A_383 = vector.broadcast %arg0 : i32 to vector<16xi32>
      %add3A_384 = arith.addi %mul3A_382, %add3A_383 : vector<16xi32>
      %swap3A_385 = arith.constant 64 : index
      %swap3A_386 = tpu.vector_load %arg7[%swap3A_385] {strides = array<i32>} : memref<80xi32, #tpu.memory_space<vmem>>, vector<16xi32>,
      %swap3A_387 = vector.shape_cast %swap3A_386 : vector<16xi32> to vector<16xi32>
      %swap3A_388 = vector.shape_cast %add3A_384 : vector<16xi32> to vector<16xi32>
      tpu.vector_store %arg7[%swap3A_385], %swap3A_388 {strides = array<i32>} : memref<80xi32, #tpu.memory_space<vmem>>, vector<16xi32>,
      %dma_start3A_389 = arith.constant 1 : i32
      %dma_start3A_390 = arith.constant 0 : i32
      %dma_start3A_391 = arith.constant 0 : i32
      %dma_start3A_392 = tpu.memref_slice %arg18[%dma_start3A_389, %dma_start3A_390, %dma_start3A_391] : memref<4x80x128xf32, #tpu.memory_space<vmem>> -> memref<1x80x128xf32, #tpu.memory_space<vmem>>
      %dma_start3A_393 = tpu.memref_squeeze %dma_start3A_392 : memref<1x80x128xf32, #tpu.memory_space<vmem>> -> memref<80x128xf32, #tpu.memory_space<vmem>>
      %dma_start3A_394 = arith.constant 0 : i32
      %dma_start3A_395 = arith.constant 0 : i32
      %dma_start3A_396 = tpu.memref_slice %arg2[%dma_start3A_394, %dma_start3A_395] : memref<20000x128xf32, #tpu.memory_space<hbm>> -> memref<20000x128xf32, #tpu.memory_space<hbm>>
      tpu.enqueue_indirect_dma source(%dma_start3A_396 : memref<20000x128xf32, #tpu.memory_space<hbm>>) target(%dma_start3A_393 : memref<80x128xf32, #tpu.memory_space<vmem>>) offsets(%arg7 : memref<80xi32, #tpu.memory_space<vmem>>) semaphore(%arg25 : memref<!tpu.dma_semaphore, #tpu.memory_space<semaphore_mem>>)
      %dma_wait3A_397 = arith.constant 0 : i32
      %dma_wait3A_398 = arith.constant 0 : i32
      %dma_wait3A_399 = arith.constant 0 : i32
      %dma_wait3A_400 = tpu.memref_slice %arg18[%dma_wait3A_397, %dma_wait3A_398, %dma_wait3A_399] : memref<4x80x128xf32, #tpu.memory_space<vmem>> -> memref<1x80x128xf32, #tpu.memory_space<vmem>>
      %dma_wait3A_401 = tpu.memref_squeeze %dma_wait3A_400 : memref<1x80x128xf32, #tpu.memory_space<vmem>> -> memref<80x128xf32, #tpu.memory_space<vmem>>
      %dma_wait3A_402 = arith.constant 0 : i32
      %dma_wait3A_403 = arith.constant 0 : i32
      %dma_wait3A_404 = tpu.memref_slice %arg2[%dma_wait3A_402, %dma_wait3A_403] : memref<20000x128xf32, #tpu.memory_space<hbm>> -> memref<20000x128xf32, #tpu.memory_space<hbm>>
      tpu.wait_indirect_dma semaphore(%arg24 : memref<!tpu.dma_semaphore, #tpu.memory_space<semaphore_mem>>) src(%dma_wait3A_404 : memref<20000x128xf32, #tpu.memory_space<hbm>>) dst(%dma_wait3A_401 : memref<80x128xf32, #tpu.memory_space<vmem>>)
      %dma_start3A_405 = arith.constant 0 : i32
      %dma_start3A_406 = arith.constant 0 : i32
      %dma_start3A_407 = arith.constant 0 : i32
      %dma_start3A_408 = tpu.memref_slice %arg18[%dma_start3A_405, %dma_start3A_406, %dma_start3A_407] : memref<4x80x128xf32, #tpu.memory_space<vmem>> -> memref<1x80x128xf32, #tpu.memory_space<vmem>>
      %dma_start3A_409 = tpu.memref_squeeze %dma_start3A_408 : memref<1x80x128xf32, #tpu.memory_space<vmem>> -> memref<80x128xf32, #tpu.memory_space<vmem>>
      %dma_start3A_410 = arith.constant 0 : i32
      %dma_start3A_411 = arith.constant 0 : i32
      %dma_start3A_412 = tpu.memref_slice %arg19[%dma_start3A_410, %dma_start3A_411] : memref<10240x128xf32, #tpu.memory_space<vmem_shared>> -> memref<10240x128xf32, #tpu.memory_space<vmem_shared>>
      tpu.enqueue_indirect_dma source(%dma_start3A_409 : memref<80x128xf32, #tpu.memory_space<vmem>>) target(%dma_start3A_412 : memref<10240x128xf32, #tpu.memory_space<vmem_shared>>) offsets(%arg14 : memref<80xi32, #tpu.memory_space<vmem>>) semaphore(%arg28 : memref<!tpu.dma_semaphore, #tpu.memory_space<semaphore_mem>>) {add = true}
      %add3A_413 = arith.constant 3 : i32
      %add3A_414 = arith.addi %add3A_284, %add3A_413 : i32
      %lt3A = arith.constant 125 : i32
      %lt3A_415 = arith.cmpi slt, %add3A_414, %lt3A : i32
      %convert_element_type3A_416 = arith.extui %lt3A_415 : i1 to i32
      %cond3A_417 = arith.constant 0 : i32
      %cond3A_418 = arith.cmpi ne, %convert_element_type3A_416, %cond3A_417 : i32
      scf.if %cond3A_418 {
        %add3A_843 = arith.constant 3 : i32
        %add3A_844 = arith.addi %add3A_284, %add3A_843 : i32
        %mul3A_845 = arith.constant 80 : i32
        %mul3A_846 = arith.muli %add3A_844, %mul3A_845 : i32
        %add3A_847 = arith.addi %mul3A_45, %mul3A_846 : i32
        %dma_start3A_848 = tpu.memref_slice %arg3[%add3A_847] : memref<160000xi32, #tpu.memory_space<hbm>> -> memref<80xi32, #tpu.memory_space<hbm>>
        %dma_start3A_849 = tpu.memref_slice %arg3[%add3A_847] : memref<160000xi32, #tpu.memory_space<hbm>> -> memref<80xi32, #tpu.memory_space<hbm>>
        tpu.enqueue_dma source(%dma_start3A_849 : memref<80xi32, #tpu.memory_space<hbm>>) target(%arg6 : memref<80xi32, #tpu.memory_space<vmem>>) target_semaphore(%arg20 : memref<!tpu.dma_semaphore, #tpu.memory_space<semaphore_mem>>)
        %dma_start3A_850 = tpu.memref_slice %arg4[%add3A_847] : memref<160000xi32, #tpu.memory_space<hbm>> -> memref<80xi32, #tpu.memory_space<hbm>>
        %dma_start3A_851 = tpu.memref_slice %arg4[%add3A_847] : memref<160000xi32, #tpu.memory_space<hbm>> -> memref<80xi32, #tpu.memory_space<hbm>>
        tpu.enqueue_dma source(%dma_start3A_851 : memref<80xi32, #tpu.memory_space<hbm>>) target(%arg10 : memref<80xi32, #tpu.memory_space<vmem>>) target_semaphore(%arg20 : memref<!tpu.dma_semaphore, #tpu.memory_space<semaphore_mem>>)
      } else {
      }
      %add3A_419 = arith.constant 2 : i32
      %add3A_420 = arith.addi %mul3A_282, %add3A_419 : i32
      %ge3A_421 = arith.constant 1 : i32
      %ge3A_422 = arith.cmpi sge, %scan3A_279, %ge3A_421 : i32
      %convert_element_type3A_423 = arith.extui %ge3A_422 : i1 to i32
      %cond3A_424 = arith.constant 0 : i32
      %cond3A_425 = arith.cmpi ne, %convert_element_type3A_423, %cond3A_424 : i32
      scf.if %cond3A_425 {
        %dma_wait3A_843 = arith.constant 2 : i32
        %dma_wait3A_844 = arith.constant 0 : i32
        %dma_wait3A_845 = arith.constant 0 : i32
        %dma_wait3A_846 = tpu.memref_slice %arg18[%dma_wait3A_843, %dma_wait3A_844, %dma_wait3A_845] : memref<4x80x128xf32, #tpu.memory_space<vmem>> -> memref<1x80x128xf32, #tpu.memory_space<vmem>>
        %dma_wait3A_847 = tpu.memref_squeeze %dma_wait3A_846 : memref<1x80x128xf32, #tpu.memory_space<vmem>> -> memref<80x128xf32, #tpu.memory_space<vmem>>
        %dma_wait3A_848 = arith.constant 0 : i32
        %dma_wait3A_849 = arith.constant 0 : i32
        %dma_wait3A_850 = tpu.memref_slice %arg19[%dma_wait3A_848, %dma_wait3A_849] : memref<10240x128xf32, #tpu.memory_space<vmem_shared>> -> memref<10240x128xf32, #tpu.memory_space<vmem_shared>>
        tpu.wait_indirect_dma semaphore(%arg30 : memref<!tpu.dma_semaphore, #tpu.memory_space<semaphore_mem>>) src(%dma_wait3A_847 : memref<80x128xf32, #tpu.memory_space<vmem>>) dst(%dma_wait3A_850 : memref<10240x128xf32, #tpu.memory_space<vmem_shared>>)
      } else {
      }
      %mul3A_426 = arith.constant 80 : i32
      %mul3A_427 = arith.muli %add3A_420, %mul3A_426 : i32
      %add3A_428 = arith.addi %mul3A_45, %mul3A_427 : i32
      %dma_wait3A_429 = tpu.memref_slice %arg3[%add3A_428] : memref<160000xi32, #tpu.memory_space<hbm>> -> memref<80xi32, #tpu.memory_space<hbm>>
      %dma_wait3A_430 = tpu.memref_slice %arg3[%add3A_428] : memref<160000xi32, #tpu.memory_space<hbm>> -> memref<80xi32, #tpu.memory_space<hbm>>
      tpu.wait_dma2 semaphore(%arg22 : memref<!tpu.dma_semaphore, #tpu.memory_space<semaphore_mem>>) src(%dma_wait3A_430 : memref<80xi32, #tpu.memory_space<hbm>>) dst(%arg8 : memref<80xi32, #tpu.memory_space<vmem>>)
      %dma_wait3A_431 = tpu.memref_slice %arg4[%add3A_428] : memref<160000xi32, #tpu.memory_space<hbm>> -> memref<80xi32, #tpu.memory_space<hbm>>
      %dma_wait3A_432 = tpu.memref_slice %arg4[%add3A_428] : memref<160000xi32, #tpu.memory_space<hbm>> -> memref<80xi32, #tpu.memory_space<hbm>>
      tpu.wait_dma2 semaphore(%arg22 : memref<!tpu.dma_semaphore, #tpu.memory_space<semaphore_mem>>) src(%dma_wait3A_432 : memref<80xi32, #tpu.memory_space<hbm>>) dst(%arg12 : memref<80xi32, #tpu.memory_space<vmem>>)
      %get3A_433 = arith.constant 0 : index
      %get3A_434 = tpu.vector_load %arg12[%get3A_433] {strides = array<i32>} : memref<80xi32, #tpu.memory_space<vmem>>, vector<16xi32>,
      %get3A_435 = vector.shape_cast %get3A_434 : vector<16xi32> to vector<16xi32>
      %swap3A_436 = arith.constant 0 : index
      %swap3A_437 = tpu.vector_load %arg16[%swap3A_436] {strides = array<i32>} : memref<80xi32, #tpu.memory_space<vmem>>, vector<16xi32>,
      %swap3A_438 = vector.shape_cast %swap3A_437 : vector<16xi32> to vector<16xi32>
      %swap3A_439 = vector.shape_cast %get3A_435 : vector<16xi32> to vector<16xi32>
      tpu.vector_store %arg16[%swap3A_436], %swap3A_439 {strides = array<i32>} : memref<80xi32, #tpu.memory_space<vmem>>, vector<16xi32>,
      %get3A_440 = arith.constant 0 : index
      %get3A_441 = tpu.vector_load %arg8[%get3A_440] {strides = array<i32>} : memref<80xi32, #tpu.memory_space<vmem>>, vector<16xi32>,
      %get3A_442 = vector.shape_cast %get3A_441 : vector<16xi32> to vector<16xi32>
      %mul3A_443 = arith.constant 2 : i32
      %mul3A_444 = vector.broadcast %mul3A_443 : i32 to vector<16xi32>
      %mul3A_445 = arith.muli %get3A_442, %mul3A_444 : vector<16xi32>
      %add3A_446 = vector.broadcast %arg0 : i32 to vector<16xi32>
      %add3A_447 = arith.addi %mul3A_445, %add3A_446 : vector<16xi32>
      %swap3A_448 = arith.constant 0 : index
      %swap3A_449 = tpu.vector_load %arg8[%swap3A_448] {strides = array<i32>} : memref<80xi32, #tpu.memory_space<vmem>>, vector<16xi32>,
      %swap3A_450 = vector.shape_cast %swap3A_449 : vector<16xi32> to vector<16xi32>
      %swap3A_451 = vector.shape_cast %add3A_447 : vector<16xi32> to vector<16xi32>
      tpu.vector_store %arg8[%swap3A_448], %swap3A_451 {strides = array<i32>} : memref<80xi32, #tpu.memory_space<vmem>>, vector<16xi32>,
      %get3A_452 = arith.constant 16 : index
      %get3A_453 = tpu.vector_load %arg12[%get3A_452] {strides = array<i32>} : memref<80xi32, #tpu.memory_space<vmem>>, vector<16xi32>,
      %get3A_454 = vector.shape_cast %get3A_453 : vector<16xi32> to vector<16xi32>
      %swap3A_455 = arith.constant 16 : index
      %swap3A_456 = tpu.vector_load %arg16[%swap3A_455] {strides = array<i32>} : memref<80xi32, #tpu.memory_space<vmem>>, vector<16xi32>,
      %swap3A_457 = vector.shape_cast %swap3A_456 : vector<16xi32> to vector<16xi32>
      %swap3A_458 = vector.shape_cast %get3A_454 : vector<16xi32> to vector<16xi32>
      tpu.vector_store %arg16[%swap3A_455], %swap3A_458 {strides = array<i32>} : memref<80xi32, #tpu.memory_space<vmem>>, vector<16xi32>,
      %get3A_459 = arith.constant 16 : index
      %get3A_460 = tpu.vector_load %arg8[%get3A_459] {strides = array<i32>} : memref<80xi32, #tpu.memory_space<vmem>>, vector<16xi32>,
      %get3A_461 = vector.shape_cast %get3A_460 : vector<16xi32> to vector<16xi32>
      %mul3A_462 = arith.constant 2 : i32
      %mul3A_463 = vector.broadcast %mul3A_462 : i32 to vector<16xi32>
      %mul3A_464 = arith.muli %get3A_461, %mul3A_463 : vector<16xi32>
      %add3A_465 = vector.broadcast %arg0 : i32 to vector<16xi32>
      %add3A_466 = arith.addi %mul3A_464, %add3A_465 : vector<16xi32>
      %swap3A_467 = arith.constant 16 : index
      %swap3A_468 = tpu.vector_load %arg8[%swap3A_467] {strides = array<i32>} : memref<80xi32, #tpu.memory_space<vmem>>, vector<16xi32>,
      %swap3A_469 = vector.shape_cast %swap3A_468 : vector<16xi32> to vector<16xi32>
      %swap3A_470 = vector.shape_cast %add3A_466 : vector<16xi32> to vector<16xi32>
      tpu.vector_store %arg8[%swap3A_467], %swap3A_470 {strides = array<i32>} : memref<80xi32, #tpu.memory_space<vmem>>, vector<16xi32>,
      %get3A_471 = arith.constant 32 : index
      %get3A_472 = tpu.vector_load %arg12[%get3A_471] {strides = array<i32>} : memref<80xi32, #tpu.memory_space<vmem>>, vector<16xi32>,
      %get3A_473 = vector.shape_cast %get3A_472 : vector<16xi32> to vector<16xi32>
      %swap3A_474 = arith.constant 32 : index
      %swap3A_475 = tpu.vector_load %arg16[%swap3A_474] {strides = array<i32>} : memref<80xi32, #tpu.memory_space<vmem>>, vector<16xi32>,
      %swap3A_476 = vector.shape_cast %swap3A_475 : vector<16xi32> to vector<16xi32>
      %swap3A_477 = vector.shape_cast %get3A_473 : vector<16xi32> to vector<16xi32>
      tpu.vector_store %arg16[%swap3A_474], %swap3A_477 {strides = array<i32>} : memref<80xi32, #tpu.memory_space<vmem>>, vector<16xi32>,
      %get3A_478 = arith.constant 32 : index
      %get3A_479 = tpu.vector_load %arg8[%get3A_478] {strides = array<i32>} : memref<80xi32, #tpu.memory_space<vmem>>, vector<16xi32>,
      %get3A_480 = vector.shape_cast %get3A_479 : vector<16xi32> to vector<16xi32>
      %mul3A_481 = arith.constant 2 : i32
      %mul3A_482 = vector.broadcast %mul3A_481 : i32 to vector<16xi32>
      %mul3A_483 = arith.muli %get3A_480, %mul3A_482 : vector<16xi32>
      %add3A_484 = vector.broadcast %arg0 : i32 to vector<16xi32>
      %add3A_485 = arith.addi %mul3A_483, %add3A_484 : vector<16xi32>
      %swap3A_486 = arith.constant 32 : index
      %swap3A_487 = tpu.vector_load %arg8[%swap3A_486] {strides = array<i32>} : memref<80xi32, #tpu.memory_space<vmem>>, vector<16xi32>,
      %swap3A_488 = vector.shape_cast %swap3A_487 : vector<16xi32> to vector<16xi32>
      %swap3A_489 = vector.shape_cast %add3A_485 : vector<16xi32> to vector<16xi32>
      tpu.vector_store %arg8[%swap3A_486], %swap3A_489 {strides = array<i32>} : memref<80xi32, #tpu.memory_space<vmem>>, vector<16xi32>,
      %get3A_490 = arith.constant 48 : index
      %get3A_491 = tpu.vector_load %arg12[%get3A_490] {strides = array<i32>} : memref<80xi32, #tpu.memory_space<vmem>>, vector<16xi32>,
      %get3A_492 = vector.shape_cast %get3A_491 : vector<16xi32> to vector<16xi32>
      %swap3A_493 = arith.constant 48 : index
      %swap3A_494 = tpu.vector_load %arg16[%swap3A_493] {strides = array<i32>} : memref<80xi32, #tpu.memory_space<vmem>>, vector<16xi32>,
      %swap3A_495 = vector.shape_cast %swap3A_494 : vector<16xi32> to vector<16xi32>
      %swap3A_496 = vector.shape_cast %get3A_492 : vector<16xi32> to vector<16xi32>
      tpu.vector_store %arg16[%swap3A_493], %swap3A_496 {strides = array<i32>} : memref<80xi32, #tpu.memory_space<vmem>>, vector<16xi32>,
      %get3A_497 = arith.constant 48 : index
      %get3A_498 = tpu.vector_load %arg8[%get3A_497] {strides = array<i32>} : memref<80xi32, #tpu.memory_space<vmem>>, vector<16xi32>,
      %get3A_499 = vector.shape_cast %get3A_498 : vector<16xi32> to vector<16xi32>
      %mul3A_500 = arith.constant 2 : i32
      %mul3A_501 = vector.broadcast %mul3A_500 : i32 to vector<16xi32>
      %mul3A_502 = arith.muli %get3A_499, %mul3A_501 : vector<16xi32>
      %add3A_503 = vector.broadcast %arg0 : i32 to vector<16xi32>
      %add3A_504 = arith.addi %mul3A_502, %add3A_503 : vector<16xi32>
      %swap3A_505 = arith.constant 48 : index
      %swap3A_506 = tpu.vector_load %arg8[%swap3A_505] {strides = array<i32>} : memref<80xi32, #tpu.memory_space<vmem>>, vector<16xi32>,
      %swap3A_507 = vector.shape_cast %swap3A_506 : vector<16xi32> to vector<16xi32>
      %swap3A_508 = vector.shape_cast %add3A_504 : vector<16xi32> to vector<16xi32>
      tpu.vector_store %arg8[%swap3A_505], %swap3A_508 {strides = array<i32>} : memref<80xi32, #tpu.memory_space<vmem>>, vector<16xi32>,
      %get3A_509 = arith.constant 64 : index
      %get3A_510 = tpu.vector_load %arg12[%get3A_509] {strides = array<i32>} : memref<80xi32, #tpu.memory_space<vmem>>, vector<16xi32>,
      %get3A_511 = vector.shape_cast %get3A_510 : vector<16xi32> to vector<16xi32>
      %swap3A_512 = arith.constant 64 : index
      %swap3A_513 = tpu.vector_load %arg16[%swap3A_512] {strides = array<i32>} : memref<80xi32, #tpu.memory_space<vmem>>, vector<16xi32>,
      %swap3A_514 = vector.shape_cast %swap3A_513 : vector<16xi32> to vector<16xi32>
      %swap3A_515 = vector.shape_cast %get3A_511 : vector<16xi32> to vector<16xi32>
      tpu.vector_store %arg16[%swap3A_512], %swap3A_515 {strides = array<i32>} : memref<80xi32, #tpu.memory_space<vmem>>, vector<16xi32>,
      %get3A_516 = arith.constant 64 : index
      %get3A_517 = tpu.vector_load %arg8[%get3A_516] {strides = array<i32>} : memref<80xi32, #tpu.memory_space<vmem>>, vector<16xi32>,
      %get3A_518 = vector.shape_cast %get3A_517 : vector<16xi32> to vector<16xi32>
      %mul3A_519 = arith.constant 2 : i32
      %mul3A_520 = vector.broadcast %mul3A_519 : i32 to vector<16xi32>
      %mul3A_521 = arith.muli %get3A_518, %mul3A_520 : vector<16xi32>
      %add3A_522 = vector.broadcast %arg0 : i32 to vector<16xi32>
      %add3A_523 = arith.addi %mul3A_521, %add3A_522 : vector<16xi32>
      %swap3A_524 = arith.constant 64 : index
      %swap3A_525 = tpu.vector_load %arg8[%swap3A_524] {strides = array<i32>} : memref<80xi32, #tpu.memory_space<vmem>>, vector<16xi32>,
      %swap3A_526 = vector.shape_cast %swap3A_525 : vector<16xi32> to vector<16xi32>
      %swap3A_527 = vector.shape_cast %add3A_523 : vector<16xi32> to vector<16xi32>
      tpu.vector_store %arg8[%swap3A_524], %swap3A_527 {strides = array<i32>} : memref<80xi32, #tpu.memory_space<vmem>>, vector<16xi32>,
      %dma_start3A_528 = arith.constant 2 : i32
      %dma_start3A_529 = arith.constant 0 : i32
      %dma_start3A_530 = arith.constant 0 : i32
      %dma_start3A_531 = tpu.memref_slice %arg18[%dma_start3A_528, %dma_start3A_529, %dma_start3A_530] : memref<4x80x128xf32, #tpu.memory_space<vmem>> -> memref<1x80x128xf32, #tpu.memory_space<vmem>>
      %dma_start3A_532 = tpu.memref_squeeze %dma_start3A_531 : memref<1x80x128xf32, #tpu.memory_space<vmem>> -> memref<80x128xf32, #tpu.memory_space<vmem>>
      %dma_start3A_533 = arith.constant 0 : i32
      %dma_start3A_534 = arith.constant 0 : i32
      %dma_start3A_535 = tpu.memref_slice %arg2[%dma_start3A_533, %dma_start3A_534] : memref<20000x128xf32, #tpu.memory_space<hbm>> -> memref<20000x128xf32, #tpu.memory_space<hbm>>
      tpu.enqueue_indirect_dma source(%dma_start3A_535 : memref<20000x128xf32, #tpu.memory_space<hbm>>) target(%dma_start3A_532 : memref<80x128xf32, #tpu.memory_space<vmem>>) offsets(%arg8 : memref<80xi32, #tpu.memory_space<vmem>>) semaphore(%arg26 : memref<!tpu.dma_semaphore, #tpu.memory_space<semaphore_mem>>)
      %dma_wait3A_536 = arith.constant 1 : i32
      %dma_wait3A_537 = arith.constant 0 : i32
      %dma_wait3A_538 = arith.constant 0 : i32
      %dma_wait3A_539 = tpu.memref_slice %arg18[%dma_wait3A_536, %dma_wait3A_537, %dma_wait3A_538] : memref<4x80x128xf32, #tpu.memory_space<vmem>> -> memref<1x80x128xf32, #tpu.memory_space<vmem>>
      %dma_wait3A_540 = tpu.memref_squeeze %dma_wait3A_539 : memref<1x80x128xf32, #tpu.memory_space<vmem>> -> memref<80x128xf32, #tpu.memory_space<vmem>>
      %dma_wait3A_541 = arith.constant 0 : i32
      %dma_wait3A_542 = arith.constant 0 : i32
      %dma_wait3A_543 = tpu.memref_slice %arg2[%dma_wait3A_541, %dma_wait3A_542] : memref<20000x128xf32, #tpu.memory_space<hbm>> -> memref<20000x128xf32, #tpu.memory_space<hbm>>
      tpu.wait_indirect_dma semaphore(%arg25 : memref<!tpu.dma_semaphore, #tpu.memory_space<semaphore_mem>>) src(%dma_wait3A_543 : memref<20000x128xf32, #tpu.memory_space<hbm>>) dst(%dma_wait3A_540 : memref<80x128xf32, #tpu.memory_space<vmem>>)
      %dma_start3A_544 = arith.constant 1 : i32
      %dma_start3A_545 = arith.constant 0 : i32
      %dma_start3A_546 = arith.constant 0 : i32
      %dma_start3A_547 = tpu.memref_slice %arg18[%dma_start3A_544, %dma_start3A_545, %dma_start3A_546] : memref<4x80x128xf32, #tpu.memory_space<vmem>> -> memref<1x80x128xf32, #tpu.memory_space<vmem>>
      %dma_start3A_548 = tpu.memref_squeeze %dma_start3A_547 : memref<1x80x128xf32, #tpu.memory_space<vmem>> -> memref<80x128xf32, #tpu.memory_space<vmem>>
      %dma_start3A_549 = arith.constant 0 : i32
      %dma_start3A_550 = arith.constant 0 : i32
      %dma_start3A_551 = tpu.memref_slice %arg19[%dma_start3A_549, %dma_start3A_550] : memref<10240x128xf32, #tpu.memory_space<vmem_shared>> -> memref<10240x128xf32, #tpu.memory_space<vmem_shared>>
      tpu.enqueue_indirect_dma source(%dma_start3A_548 : memref<80x128xf32, #tpu.memory_space<vmem>>) target(%dma_start3A_551 : memref<10240x128xf32, #tpu.memory_space<vmem_shared>>) offsets(%arg15 : memref<80xi32, #tpu.memory_space<vmem>>) semaphore(%arg29 : memref<!tpu.dma_semaphore, #tpu.memory_space<semaphore_mem>>) {add = true}
      %add3A_552 = arith.constant 3 : i32
      %add3A_553 = arith.addi %add3A_420, %add3A_552 : i32
      %lt3A_554 = arith.constant 125 : i32
      %lt3A_555 = arith.cmpi slt, %add3A_553, %lt3A_554 : i32
      %convert_element_type3A_556 = arith.extui %lt3A_555 : i1 to i32
      %cond3A_557 = arith.constant 0 : i32
      %cond3A_558 = arith.cmpi ne, %convert_element_type3A_556, %cond3A_557 : i32
      scf.if %cond3A_558 {
        %add3A_843 = arith.constant 3 : i32
        %add3A_844 = arith.addi %add3A_420, %add3A_843 : i32
        %mul3A_845 = arith.constant 80 : i32
        %mul3A_846 = arith.muli %add3A_844, %mul3A_845 : i32
        %add3A_847 = arith.addi %mul3A_45, %mul3A_846 : i32
        %dma_start3A_848 = tpu.memref_slice %arg3[%add3A_847] : memref<160000xi32, #tpu.memory_space<hbm>> -> memref<80xi32, #tpu.memory_space<hbm>>
        %dma_start3A_849 = tpu.memref_slice %arg3[%add3A_847] : memref<160000xi32, #tpu.memory_space<hbm>> -> memref<80xi32, #tpu.memory_space<hbm>>
        tpu.enqueue_dma source(%dma_start3A_849 : memref<80xi32, #tpu.memory_space<hbm>>) target(%arg7 : memref<80xi32, #tpu.memory_space<vmem>>) target_semaphore(%arg21 : memref<!tpu.dma_semaphore, #tpu.memory_space<semaphore_mem>>)
        %dma_start3A_850 = tpu.memref_slice %arg4[%add3A_847] : memref<160000xi32, #tpu.memory_space<hbm>> -> memref<80xi32, #tpu.memory_space<hbm>>
        %dma_start3A_851 = tpu.memref_slice %arg4[%add3A_847] : memref<160000xi32, #tpu.memory_space<hbm>> -> memref<80xi32, #tpu.memory_space<hbm>>
        tpu.enqueue_dma source(%dma_start3A_851 : memref<80xi32, #tpu.memory_space<hbm>>) target(%arg11 : memref<80xi32, #tpu.memory_space<vmem>>) target_semaphore(%arg21 : memref<!tpu.dma_semaphore, #tpu.memory_space<semaphore_mem>>)
      } else {
      }
      %add3A_559 = arith.constant 3 : i32
      %add3A_560 = arith.addi %mul3A_282, %add3A_559 : i32
      %ge3A_561 = arith.constant 1 : i32
      %ge3A_562 = arith.cmpi sge, %scan3A_279, %ge3A_561 : i32
      %convert_element_type3A_563 = arith.extui %ge3A_562 : i1 to i32
      %cond3A_564 = arith.constant 0 : i32
      %cond3A_565 = arith.cmpi ne, %convert_element_type3A_563, %cond3A_564 : i32
      scf.if %cond3A_565 {
        %dma_wait3A_843 = arith.constant 3 : i32
        %dma_wait3A_844 = arith.constant 0 : i32
        %dma_wait3A_845 = arith.constant 0 : i32
        %dma_wait3A_846 = tpu.memref_slice %arg18[%dma_wait3A_843, %dma_wait3A_844, %dma_wait3A_845] : memref<4x80x128xf32, #tpu.memory_space<vmem>> -> memref<1x80x128xf32, #tpu.memory_space<vmem>>
        %dma_wait3A_847 = tpu.memref_squeeze %dma_wait3A_846 : memref<1x80x128xf32, #tpu.memory_space<vmem>> -> memref<80x128xf32, #tpu.memory_space<vmem>>
        %dma_wait3A_848 = arith.constant 0 : i32
        %dma_wait3A_849 = arith.constant 0 : i32
        %dma_wait3A_850 = tpu.memref_slice %arg19[%dma_wait3A_848, %dma_wait3A_849] : memref<10240x128xf32, #tpu.memory_space<vmem_shared>> -> memref<10240x128xf32, #tpu.memory_space<vmem_shared>>
        tpu.wait_indirect_dma semaphore(%arg31 : memref<!tpu.dma_semaphore, #tpu.memory_space<semaphore_mem>>) src(%dma_wait3A_847 : memref<80x128xf32, #tpu.memory_space<vmem>>) dst(%dma_wait3A_850 : memref<10240x128xf32, #tpu.memory_space<vmem_shared>>)
      } else {
      }
      %mul3A_566 = arith.constant 80 : i32
      %mul3A_567 = arith.muli %add3A_560, %mul3A_566 : i32
      %add3A_568 = arith.addi %mul3A_45, %mul3A_567 : i32
      %dma_wait3A_569 = tpu.memref_slice %arg3[%add3A_568] : memref<160000xi32, #tpu.memory_space<hbm>> -> memref<80xi32, #tpu.memory_space<hbm>>
      %dma_wait3A_570 = tpu.memref_slice %arg3[%add3A_568] : memref<160000xi32, #tpu.memory_space<hbm>> -> memref<80xi32, #tpu.memory_space<hbm>>
      tpu.wait_dma2 semaphore(%arg23 : memref<!tpu.dma_semaphore, #tpu.memory_space<semaphore_mem>>) src(%dma_wait3A_570 : memref<80xi32, #tpu.memory_space<hbm>>) dst(%arg9 : memref<80xi32, #tpu.memory_space<vmem>>)
      %dma_wait3A_571 = tpu.memref_slice %arg4[%add3A_568] : memref<160000xi32, #tpu.memory_space<hbm>> -> memref<80xi32, #tpu.memory_space<hbm>>
      %dma_wait3A_572 = tpu.memref_slice %arg4[%add3A_568] : memref<160000xi32, #tpu.memory_space<hbm>> -> memref<80xi32, #tpu.memory_space<hbm>>
      tpu.wait_dma2 semaphore(%arg23 : memref<!tpu.dma_semaphore, #tpu.memory_space<semaphore_mem>>) src(%dma_wait3A_572 : memref<80xi32, #tpu.memory_space<hbm>>) dst(%arg13 : memref<80xi32, #tpu.memory_space<vmem>>)
      %get3A_573 = arith.constant 0 : index
      %get3A_574 = tpu.vector_load %arg13[%get3A_573] {strides = array<i32>} : memref<80xi32, #tpu.memory_space<vmem>>, vector<16xi32>,
      %get3A_575 = vector.shape_cast %get3A_574 : vector<16xi32> to vector<16xi32>
      %swap3A_576 = arith.constant 0 : index
      %swap3A_577 = tpu.vector_load %arg17[%swap3A_576] {strides = array<i32>} : memref<80xi32, #tpu.memory_space<vmem>>, vector<16xi32>,
      %swap3A_578 = vector.shape_cast %swap3A_577 : vector<16xi32> to vector<16xi32>
      %swap3A_579 = vector.shape_cast %get3A_575 : vector<16xi32> to vector<16xi32>
      tpu.vector_store %arg17[%swap3A_576], %swap3A_579 {strides = array<i32>} : memref<80xi32, #tpu.memory_space<vmem>>, vector<16xi32>,
      %get3A_580 = arith.constant 0 : index
      %get3A_581 = tpu.vector_load %arg9[%get3A_580] {strides = array<i32>} : memref<80xi32, #tpu.memory_space<vmem>>, vector<16xi32>,
      %get3A_582 = vector.shape_cast %get3A_581 : vector<16xi32> to vector<16xi32>
      %mul3A_583 = arith.constant 2 : i32
      %mul3A_584 = vector.broadcast %mul3A_583 : i32 to vector<16xi32>
      %mul3A_585 = arith.muli %get3A_582, %mul3A_584 : vector<16xi32>
      %add3A_586 = vector.broadcast %arg0 : i32 to vector<16xi32>
      %add3A_587 = arith.addi %mul3A_585, %add3A_586 : vector<16xi32>
      %swap3A_588 = arith.constant 0 : index
      %swap3A_589 = tpu.vector_load %arg9[%swap3A_588] {strides = array<i32>} : memref<80xi32, #tpu.memory_space<vmem>>, vector<16xi32>,
      %swap3A_590 = vector.shape_cast %swap3A_589 : vector<16xi32> to vector<16xi32>
      %swap3A_591 = vector.shape_cast %add3A_587 : vector<16xi32> to vector<16xi32>
      tpu.vector_store %arg9[%swap3A_588], %swap3A_591 {strides = array<i32>} : memref<80xi32, #tpu.memory_space<vmem>>, vector<16xi32>,
      %get3A_592 = arith.constant 16 : index
      %get3A_593 = tpu.vector_load %arg13[%get3A_592] {strides = array<i32>} : memref<80xi32, #tpu.memory_space<vmem>>, vector<16xi32>,
      %get3A_594 = vector.shape_cast %get3A_593 : vector<16xi32> to vector<16xi32>
      %swap3A_595 = arith.constant 16 : index
      %swap3A_596 = tpu.vector_load %arg17[%swap3A_595] {strides = array<i32>} : memref<80xi32, #tpu.memory_space<vmem>>, vector<16xi32>,
      %swap3A_597 = vector.shape_cast %swap3A_596 : vector<16xi32> to vector<16xi32>
      %swap3A_598 = vector.shape_cast %get3A_594 : vector<16xi32> to vector<16xi32>
      tpu.vector_store %arg17[%swap3A_595], %swap3A_598 {strides = array<i32>} : memref<80xi32, #tpu.memory_space<vmem>>, vector<16xi32>,
      %get3A_599 = arith.constant 16 : index
      %get3A_600 = tpu.vector_load %arg9[%get3A_599] {strides = array<i32>} : memref<80xi32, #tpu.memory_space<vmem>>, vector<16xi32>,
      %get3A_601 = vector.shape_cast %get3A_600 : vector<16xi32> to vector<16xi32>
      %mul3A_602 = arith.constant 2 : i32
      %mul3A_603 = vector.broadcast %mul3A_602 : i32 to vector<16xi32>
      %mul3A_604 = arith.muli %get3A_601, %mul3A_603 : vector<16xi32>
      %add3A_605 = vector.broadcast %arg0 : i32 to vector<16xi32>
      %add3A_606 = arith.addi %mul3A_604, %add3A_605 : vector<16xi32>
      %swap3A_607 = arith.constant 16 : index
      %swap3A_608 = tpu.vector_load %arg9[%swap3A_607] {strides = array<i32>} : memref<80xi32, #tpu.memory_space<vmem>>, vector<16xi32>,
      %swap3A_609 = vector.shape_cast %swap3A_608 : vector<16xi32> to vector<16xi32>
      %swap3A_610 = vector.shape_cast %add3A_606 : vector<16xi32> to vector<16xi32>
      tpu.vector_store %arg9[%swap3A_607], %swap3A_610 {strides = array<i32>} : memref<80xi32, #tpu.memory_space<vmem>>, vector<16xi32>,
      %get3A_611 = arith.constant 32 : index
      %get3A_612 = tpu.vector_load %arg13[%get3A_611] {strides = array<i32>} : memref<80xi32, #tpu.memory_space<vmem>>, vector<16xi32>,
      %get3A_613 = vector.shape_cast %get3A_612 : vector<16xi32> to vector<16xi32>
      %swap3A_614 = arith.constant 32 : index
      %swap3A_615 = tpu.vector_load %arg17[%swap3A_614] {strides = array<i32>} : memref<80xi32, #tpu.memory_space<vmem>>, vector<16xi32>,
      %swap3A_616 = vector.shape_cast %swap3A_615 : vector<16xi32> to vector<16xi32>
      %swap3A_617 = vector.shape_cast %get3A_613 : vector<16xi32> to vector<16xi32>
      tpu.vector_store %arg17[%swap3A_614], %swap3A_617 {strides = array<i32>} : memref<80xi32, #tpu.memory_space<vmem>>, vector<16xi32>,
      %get3A_618 = arith.constant 32 : index
      %get3A_619 = tpu.vector_load %arg9[%get3A_618] {strides = array<i32>} : memref<80xi32, #tpu.memory_space<vmem>>, vector<16xi32>,
      %get3A_620 = vector.shape_cast %get3A_619 : vector<16xi32> to vector<16xi32>
      %mul3A_621 = arith.constant 2 : i32
      %mul3A_622 = vector.broadcast %mul3A_621 : i32 to vector<16xi32>
      %mul3A_623 = arith.muli %get3A_620, %mul3A_622 : vector<16xi32>
      %add3A_624 = vector.broadcast %arg0 : i32 to vector<16xi32>
      %add3A_625 = arith.addi %mul3A_623, %add3A_624 : vector<16xi32>
      %swap3A_626 = arith.constant 32 : index
      %swap3A_627 = tpu.vector_load %arg9[%swap3A_626] {strides = array<i32>} : memref<80xi32, #tpu.memory_space<vmem>>, vector<16xi32>,
      %swap3A_628 = vector.shape_cast %swap3A_627 : vector<16xi32> to vector<16xi32>
      %swap3A_629 = vector.shape_cast %add3A_625 : vector<16xi32> to vector<16xi32>
      tpu.vector_store %arg9[%swap3A_626], %swap3A_629 {strides = array<i32>} : memref<80xi32, #tpu.memory_space<vmem>>, vector<16xi32>,
      %get3A_630 = arith.constant 48 : index
      %get3A_631 = tpu.vector_load %arg13[%get3A_630] {strides = array<i32>} : memref<80xi32, #tpu.memory_space<vmem>>, vector<16xi32>,
      %get3A_632 = vector.shape_cast %get3A_631 : vector<16xi32> to vector<16xi32>
      %swap3A_633 = arith.constant 48 : index
      %swap3A_634 = tpu.vector_load %arg17[%swap3A_633] {strides = array<i32>} : memref<80xi32, #tpu.memory_space<vmem>>, vector<16xi32>,
      %swap3A_635 = vector.shape_cast %swap3A_634 : vector<16xi32> to vector<16xi32>
      %swap3A_636 = vector.shape_cast %get3A_632 : vector<16xi32> to vector<16xi32>
      tpu.vector_store %arg17[%swap3A_633], %swap3A_636 {strides = array<i32>} : memref<80xi32, #tpu.memory_space<vmem>>, vector<16xi32>,
      %get3A_637 = arith.constant 48 : index
      %get3A_638 = tpu.vector_load %arg9[%get3A_637] {strides = array<i32>} : memref<80xi32, #tpu.memory_space<vmem>>, vector<16xi32>,
      %get3A_639 = vector.shape_cast %get3A_638 : vector<16xi32> to vector<16xi32>
      %mul3A_640 = arith.constant 2 : i32
      %mul3A_641 = vector.broadcast %mul3A_640 : i32 to vector<16xi32>
      %mul3A_642 = arith.muli %get3A_639, %mul3A_641 : vector<16xi32>
      %add3A_643 = vector.broadcast %arg0 : i32 to vector<16xi32>
      %add3A_644 = arith.addi %mul3A_642, %add3A_643 : vector<16xi32>
      %swap3A_645 = arith.constant 48 : index
      %swap3A_646 = tpu.vector_load %arg9[%swap3A_645] {strides = array<i32>} : memref<80xi32, #tpu.memory_space<vmem>>, vector<16xi32>,
      %swap3A_647 = vector.shape_cast %swap3A_646 : vector<16xi32> to vector<16xi32>
      %swap3A_648 = vector.shape_cast %add3A_644 : vector<16xi32> to vector<16xi32>
      tpu.vector_store %arg9[%swap3A_645], %swap3A_648 {strides = array<i32>} : memref<80xi32, #tpu.memory_space<vmem>>, vector<16xi32>,
      %get3A_649 = arith.constant 64 : index
      %get3A_650 = tpu.vector_load %arg13[%get3A_649] {strides = array<i32>} : memref<80xi32, #tpu.memory_space<vmem>>, vector<16xi32>,
      %get3A_651 = vector.shape_cast %get3A_650 : vector<16xi32> to vector<16xi32>
      %swap3A_652 = arith.constant 64 : index
      %swap3A_653 = tpu.vector_load %arg17[%swap3A_652] {strides = array<i32>} : memref<80xi32, #tpu.memory_space<vmem>>, vector<16xi32>,
      %swap3A_654 = vector.shape_cast %swap3A_653 : vector<16xi32> to vector<16xi32>
      %swap3A_655 = vector.shape_cast %get3A_651 : vector<16xi32> to vector<16xi32>
      tpu.vector_store %arg17[%swap3A_652], %swap3A_655 {strides = array<i32>} : memref<80xi32, #tpu.memory_space<vmem>>, vector<16xi32>,
      %get3A_656 = arith.constant 64 : index
      %get3A_657 = tpu.vector_load %arg9[%get3A_656] {strides = array<i32>} : memref<80xi32, #tpu.memory_space<vmem>>, vector<16xi32>,
      %get3A_658 = vector.shape_cast %get3A_657 : vector<16xi32> to vector<16xi32>
      %mul3A_659 = arith.constant 2 : i32
      %mul3A_660 = vector.broadcast %mul3A_659 : i32 to vector<16xi32>
      %mul3A_661 = arith.muli %get3A_658, %mul3A_660 : vector<16xi32>
      %add3A_662 = vector.broadcast %arg0 : i32 to vector<16xi32>
      %add3A_663 = arith.addi %mul3A_661, %add3A_662 : vector<16xi32>
      %swap3A_664 = arith.constant 64 : index
      %swap3A_665 = tpu.vector_load %arg9[%swap3A_664] {strides = array<i32>} : memref<80xi32, #tpu.memory_space<vmem>>, vector<16xi32>,
      %swap3A_666 = vector.shape_cast %swap3A_665 : vector<16xi32> to vector<16xi32>
      %swap3A_667 = vector.shape_cast %add3A_663 : vector<16xi32> to vector<16xi32>
      tpu.vector_store %arg9[%swap3A_664], %swap3A_667 {strides = array<i32>} : memref<80xi32, #tpu.memory_space<vmem>>, vector<16xi32>,
      %dma_start3A_668 = arith.constant 3 : i32
      %dma_start3A_669 = arith.constant 0 : i32
      %dma_start3A_670 = arith.constant 0 : i32
      %dma_start3A_671 = tpu.memref_slice %arg18[%dma_start3A_668, %dma_start3A_669, %dma_start3A_670] : memref<4x80x128xf32, #tpu.memory_space<vmem>> -> memref<1x80x128xf32, #tpu.memory_space<vmem>>
      %dma_start3A_672 = tpu.memref_squeeze %dma_start3A_671 : memref<1x80x128xf32, #tpu.memory_space<vmem>> -> memref<80x128xf32, #tpu.memory_space<vmem>>
      %dma_start3A_673 = arith.constant 0 : i32
      %dma_start3A_674 = arith.constant 0 : i32
      %dma_start3A_675 = tpu.memref_slice %arg2[%dma_start3A_673, %dma_start3A_674] : memref<20000x128xf32, #tpu.memory_space<hbm>> -> memref<20000x128xf32, #tpu.memory_space<hbm>>
      tpu.enqueue_indirect_dma source(%dma_start3A_675 : memref<20000x128xf32, #tpu.memory_space<hbm>>) target(%dma_start3A_672 : memref<80x128xf32, #tpu.memory_space<vmem>>) offsets(%arg9 : memref<80xi32, #tpu.memory_space<vmem>>) semaphore(%arg27 : memref<!tpu.dma_semaphore, #tpu.memory_space<semaphore_mem>>)
      %dma_wait3A_676 = arith.constant 2 : i32
      %dma_wait3A_677 = arith.constant 0 : i32
      %dma_wait3A_678 = arith.constant 0 : i32
      %dma_wait3A_679 = tpu.memref_slice %arg18[%dma_wait3A_676, %dma_wait3A_677, %dma_wait3A_678] : memref<4x80x128xf32, #tpu.memory_space<vmem>> -> memref<1x80x128xf32, #tpu.memory_space<vmem>>
      %dma_wait3A_680 = tpu.memref_squeeze %dma_wait3A_679 : memref<1x80x128xf32, #tpu.memory_space<vmem>> -> memref<80x128xf32, #tpu.memory_space<vmem>>
      %dma_wait3A_681 = arith.constant 0 : i32
      %dma_wait3A_682 = arith.constant 0 : i32
      %dma_wait3A_683 = tpu.memref_slice %arg2[%dma_wait3A_681, %dma_wait3A_682] : memref<20000x128xf32, #tpu.memory_space<hbm>> -> memref<20000x128xf32, #tpu.memory_space<hbm>>
      tpu.wait_indirect_dma semaphore(%arg26 : memref<!tpu.dma_semaphore, #tpu.memory_space<semaphore_mem>>) src(%dma_wait3A_683 : memref<20000x128xf32, #tpu.memory_space<hbm>>) dst(%dma_wait3A_680 : memref<80x128xf32, #tpu.memory_space<vmem>>)
      %dma_start3A_684 = arith.constant 2 : i32
      %dma_start3A_685 = arith.constant 0 : i32
      %dma_start3A_686 = arith.constant 0 : i32
      %dma_start3A_687 = tpu.memref_slice %arg18[%dma_start3A_684, %dma_start3A_685, %dma_start3A_686] : memref<4x80x128xf32, #tpu.memory_space<vmem>> -> memref<1x80x128xf32, #tpu.memory_space<vmem>>
      %dma_start3A_688 = tpu.memref_squeeze %dma_start3A_687 : memref<1x80x128xf32, #tpu.memory_space<vmem>> -> memref<80x128xf32, #tpu.memory_space<vmem>>
      %dma_start3A_689 = arith.constant 0 : i32
      %dma_start3A_690 = arith.constant 0 : i32
      %dma_start3A_691 = tpu.memref_slice %arg19[%dma_start3A_689, %dma_start3A_690] : memref<10240x128xf32, #tpu.memory_space<vmem_shared>> -> memref<10240x128xf32, #tpu.memory_space<vmem_shared>>
      tpu.enqueue_indirect_dma source(%dma_start3A_688 : memref<80x128xf32, #tpu.memory_space<vmem>>) target(%dma_start3A_691 : memref<10240x128xf32, #tpu.memory_space<vmem_shared>>) offsets(%arg16 : memref<80xi32, #tpu.memory_space<vmem>>) semaphore(%arg30 : memref<!tpu.dma_semaphore, #tpu.memory_space<semaphore_mem>>) {add = true}
      %add3A_692 = arith.constant 3 : i32
      %add3A_693 = arith.addi %add3A_560, %add3A_692 : i32
      %lt3A_694 = arith.constant 125 : i32
      %lt3A_695 = arith.cmpi slt, %add3A_693, %lt3A_694 : i32
      %convert_element_type3A_696 = arith.extui %lt3A_695 : i1 to i32
      %cond3A_697 = arith.constant 0 : i32
      %cond3A_698 = arith.cmpi ne, %convert_element_type3A_696, %cond3A_697 : i32
      scf.if %cond3A_698 {
        %add3A_843 = arith.constant 3 : i32
        %add3A_844 = arith.addi %add3A_560, %add3A_843 : i32
        %mul3A_845 = arith.constant 80 : i32
        %mul3A_846 = arith.muli %add3A_844, %mul3A_845 : i32
        %add3A_847 = arith.addi %mul3A_45, %mul3A_846 : i32
        %dma_start3A_848 = tpu.memref_slice %arg3[%add3A_847] : memref<160000xi32, #tpu.memory_space<hbm>> -> memref<80xi32, #tpu.memory_space<hbm>>
        %dma_start3A_849 = tpu.memref_slice %arg3[%add3A_847] : memref<160000xi32, #tpu.memory_space<hbm>> -> memref<80xi32, #tpu.memory_space<hbm>>
        tpu.enqueue_dma source(%dma_start3A_849 : memref<80xi32, #tpu.memory_space<hbm>>) target(%arg8 : memref<80xi32, #tpu.memory_space<vmem>>) target_semaphore(%arg22 : memref<!tpu.dma_semaphore, #tpu.memory_space<semaphore_mem>>)
        %dma_start3A_850 = tpu.memref_slice %arg4[%add3A_847] : memref<160000xi32, #tpu.memory_space<hbm>> -> memref<80xi32, #tpu.memory_space<hbm>>
        %dma_start3A_851 = tpu.memref_slice %arg4[%add3A_847] : memref<160000xi32, #tpu.memory_space<hbm>> -> memref<80xi32, #tpu.memory_space<hbm>>
        tpu.enqueue_dma source(%dma_start3A_851 : memref<80xi32, #tpu.memory_space<hbm>>) target(%arg12 : memref<80xi32, #tpu.memory_space<vmem>>) target_semaphore(%arg22 : memref<!tpu.dma_semaphore, #tpu.memory_space<semaphore_mem>>)
      } else {
      }
      %add3A_699 = arith.constant 4 : i32
      %add3A_700 = arith.addi %mul3A_282, %add3A_699 : i32
      %dma_wait3A_701 = arith.constant 0 : i32
      %dma_wait3A_702 = arith.constant 0 : i32
      %dma_wait3A_703 = arith.constant 0 : i32
      %dma_wait3A_704 = tpu.memref_slice %arg18[%dma_wait3A_701, %dma_wait3A_702, %dma_wait3A_703] : memref<4x80x128xf32, #tpu.memory_space<vmem>> -> memref<1x80x128xf32, #tpu.memory_space<vmem>>
      %dma_wait3A_705 = tpu.memref_squeeze %dma_wait3A_704 : memref<1x80x128xf32, #tpu.memory_space<vmem>> -> memref<80x128xf32, #tpu.memory_space<vmem>>
      %dma_wait3A_706 = arith.constant 0 : i32
      %dma_wait3A_707 = arith.constant 0 : i32
      %dma_wait3A_708 = tpu.memref_slice %arg19[%dma_wait3A_706, %dma_wait3A_707] : memref<10240x128xf32, #tpu.memory_space<vmem_shared>> -> memref<10240x128xf32, #tpu.memory_space<vmem_shared>>
      tpu.wait_indirect_dma semaphore(%arg28 : memref<!tpu.dma_semaphore, #tpu.memory_space<semaphore_mem>>) src(%dma_wait3A_705 : memref<80x128xf32, #tpu.memory_space<vmem>>) dst(%dma_wait3A_708 : memref<10240x128xf32, #tpu.memory_space<vmem_shared>>)
      %mul3A_709 = arith.constant 80 : i32
      %mul3A_710 = arith.muli %add3A_700, %mul3A_709 : i32
      %add3A_711 = arith.addi %mul3A_45, %mul3A_710 : i32
      %dma_wait3A_712 = tpu.memref_slice %arg3[%add3A_711] : memref<160000xi32, #tpu.memory_space<hbm>> -> memref<80xi32, #tpu.memory_space<hbm>>
      %dma_wait3A_713 = tpu.memref_slice %arg3[%add3A_711] : memref<160000xi32, #tpu.memory_space<hbm>> -> memref<80xi32, #tpu.memory_space<hbm>>
      tpu.wait_dma2 semaphore(%arg20 : memref<!tpu.dma_semaphore, #tpu.memory_space<semaphore_mem>>) src(%dma_wait3A_713 : memref<80xi32, #tpu.memory_space<hbm>>) dst(%arg6 : memref<80xi32, #tpu.memory_space<vmem>>)
      %dma_wait3A_714 = tpu.memref_slice %arg4[%add3A_711] : memref<160000xi32, #tpu.memory_space<hbm>> -> memref<80xi32, #tpu.memory_space<hbm>>
      %dma_wait3A_715 = tpu.memref_slice %arg4[%add3A_711] : memref<160000xi32, #tpu.memory_space<hbm>> -> memref<80xi32, #tpu.memory_space<hbm>>
      tpu.wait_dma2 semaphore(%arg20 : memref<!tpu.dma_semaphore, #tpu.memory_space<semaphore_mem>>) src(%dma_wait3A_715 : memref<80xi32, #tpu.memory_space<hbm>>) dst(%arg10 : memref<80xi32, #tpu.memory_space<vmem>>)
      %get3A_716 = arith.constant 0 : index
      %get3A_717 = tpu.vector_load %arg10[%get3A_716] {strides = array<i32>} : memref<80xi32, #tpu.memory_space<vmem>>, vector<16xi32>,
      %get3A_718 = vector.shape_cast %get3A_717 : vector<16xi32> to vector<16xi32>
      %swap3A_719 = arith.constant 0 : index
      %swap3A_720 = tpu.vector_load %arg14[%swap3A_719] {strides = array<i32>} : memref<80xi32, #tpu.memory_space<vmem>>, vector<16xi32>,
      %swap3A_721 = vector.shape_cast %swap3A_720 : vector<16xi32> to vector<16xi32>
      %swap3A_722 = vector.shape_cast %get3A_718 : vector<16xi32> to vector<16xi32>
      tpu.vector_store %arg14[%swap3A_719], %swap3A_722 {strides = array<i32>} : memref<80xi32, #tpu.memory_space<vmem>>, vector<16xi32>,
      %get3A_723 = arith.constant 0 : index
      %get3A_724 = tpu.vector_load %arg6[%get3A_723] {strides = array<i32>} : memref<80xi32, #tpu.memory_space<vmem>>, vector<16xi32>,
      %get3A_725 = vector.shape_cast %get3A_724 : vector<16xi32> to vector<16xi32>
      %mul3A_726 = arith.constant 2 : i32
      %mul3A_727 = vector.broadcast %mul3A_726 : i32 to vector<16xi32>
      %mul3A_728 = arith.muli %get3A_725, %mul3A_727 : vector<16xi32>
      %add3A_729 = vector.broadcast %arg0 : i32 to vector<16xi32>
      %add3A_730 = arith.addi %mul3A_728, %add3A_729 : vector<16xi32>
      %swap3A_731 = arith.constant 0 : index
      %swap3A_732 = tpu.vector_load %arg6[%swap3A_731] {strides = array<i32>} : memref<80xi32, #tpu.memory_space<vmem>>, vector<16xi32>,
      %swap3A_733 = vector.shape_cast %swap3A_732 : vector<16xi32> to vector<16xi32>
      %swap3A_734 = vector.shape_cast %add3A_730 : vector<16xi32> to vector<16xi32>
      tpu.vector_store %arg6[%swap3A_731], %swap3A_734 {strides = array<i32>} : memref<80xi32, #tpu.memory_space<vmem>>, vector<16xi32>,
      %get3A_735 = arith.constant 16 : index
      %get3A_736 = tpu.vector_load %arg10[%get3A_735] {strides = array<i32>} : memref<80xi32, #tpu.memory_space<vmem>>, vector<16xi32>,
      %get3A_737 = vector.shape_cast %get3A_736 : vector<16xi32> to vector<16xi32>
      %swap3A_738 = arith.constant 16 : index
      %swap3A_739 = tpu.vector_load %arg14[%swap3A_738] {strides = array<i32>} : memref<80xi32, #tpu.memory_space<vmem>>, vector<16xi32>,
      %swap3A_740 = vector.shape_cast %swap3A_739 : vector<16xi32> to vector<16xi32>
      %swap3A_741 = vector.shape_cast %get3A_737 : vector<16xi32> to vector<16xi32>
      tpu.vector_store %arg14[%swap3A_738], %swap3A_741 {strides = array<i32>} : memref<80xi32, #tpu.memory_space<vmem>>, vector<16xi32>,
      %get3A_742 = arith.constant 16 : index
      %get3A_743 = tpu.vector_load %arg6[%get3A_742] {strides = array<i32>} : memref<80xi32, #tpu.memory_space<vmem>>, vector<16xi32>,
      %get3A_744 = vector.shape_cast %get3A_743 : vector<16xi32> to vector<16xi32>
      %mul3A_745 = arith.constant 2 : i32
      %mul3A_746 = vector.broadcast %mul3A_745 : i32 to vector<16xi32>
      %mul3A_747 = arith.muli %get3A_744, %mul3A_746 : vector<16xi32>
      %add3A_748 = vector.broadcast %arg0 : i32 to vector<16xi32>
      %add3A_749 = arith.addi %mul3A_747, %add3A_748 : vector<16xi32>
      %swap3A_750 = arith.constant 16 : index
      %swap3A_751 = tpu.vector_load %arg6[%swap3A_750] {strides = array<i32>} : memref<80xi32, #tpu.memory_space<vmem>>, vector<16xi32>,
      %swap3A_752 = vector.shape_cast %swap3A_751 : vector<16xi32> to vector<16xi32>
      %swap3A_753 = vector.shape_cast %add3A_749 : vector<16xi32> to vector<16xi32>
      tpu.vector_store %arg6[%swap3A_750], %swap3A_753 {strides = array<i32>} : memref<80xi32, #tpu.memory_space<vmem>>, vector<16xi32>,
      %get3A_754 = arith.constant 32 : index
      %get3A_755 = tpu.vector_load %arg10[%get3A_754] {strides = array<i32>} : memref<80xi32, #tpu.memory_space<vmem>>, vector<16xi32>,
      %get3A_756 = vector.shape_cast %get3A_755 : vector<16xi32> to vector<16xi32>
      %swap3A_757 = arith.constant 32 : index
      %swap3A_758 = tpu.vector_load %arg14[%swap3A_757] {strides = array<i32>} : memref<80xi32, #tpu.memory_space<vmem>>, vector<16xi32>,
      %swap3A_759 = vector.shape_cast %swap3A_758 : vector<16xi32> to vector<16xi32>
      %swap3A_760 = vector.shape_cast %get3A_756 : vector<16xi32> to vector<16xi32>
      tpu.vector_store %arg14[%swap3A_757], %swap3A_760 {strides = array<i32>} : memref<80xi32, #tpu.memory_space<vmem>>, vector<16xi32>,
      %get3A_761 = arith.constant 32 : index
      %get3A_762 = tpu.vector_load %arg6[%get3A_761] {strides = array<i32>} : memref<80xi32, #tpu.memory_space<vmem>>, vector<16xi32>,
      %get3A_763 = vector.shape_cast %get3A_762 : vector<16xi32> to vector<16xi32>
      %mul3A_764 = arith.constant 2 : i32
      %mul3A_765 = vector.broadcast %mul3A_764 : i32 to vector<16xi32>
      %mul3A_766 = arith.muli %get3A_763, %mul3A_765 : vector<16xi32>
      %add3A_767 = vector.broadcast %arg0 : i32 to vector<16xi32>
      %add3A_768 = arith.addi %mul3A_766, %add3A_767 : vector<16xi32>
      %swap3A_769 = arith.constant 32 : index
      %swap3A_770 = tpu.vector_load %arg6[%swap3A_769] {strides = array<i32>} : memref<80xi32, #tpu.memory_space<vmem>>, vector<16xi32>,
      %swap3A_771 = vector.shape_cast %swap3A_770 : vector<16xi32> to vector<16xi32>
      %swap3A_772 = vector.shape_cast %add3A_768 : vector<16xi32> to vector<16xi32>
      tpu.vector_store %arg6[%swap3A_769], %swap3A_772 {strides = array<i32>} : memref<80xi32, #tpu.memory_space<vmem>>, vector<16xi32>,
      %get3A_773 = arith.constant 48 : index
      %get3A_774 = tpu.vector_load %arg10[%get3A_773] {strides = array<i32>} : memref<80xi32, #tpu.memory_space<vmem>>, vector<16xi32>,
      %get3A_775 = vector.shape_cast %get3A_774 : vector<16xi32> to vector<16xi32>
      %swap3A_776 = arith.constant 48 : index
      %swap3A_777 = tpu.vector_load %arg14[%swap3A_776] {strides = array<i32>} : memref<80xi32, #tpu.memory_space<vmem>>, vector<16xi32>,
      %swap3A_778 = vector.shape_cast %swap3A_777 : vector<16xi32> to vector<16xi32>
      %swap3A_779 = vector.shape_cast %get3A_775 : vector<16xi32> to vector<16xi32>
      tpu.vector_store %arg14[%swap3A_776], %swap3A_779 {strides = array<i32>} : memref<80xi32, #tpu.memory_space<vmem>>, vector<16xi32>,
      %get3A_780 = arith.constant 48 : index
      %get3A_781 = tpu.vector_load %arg6[%get3A_780] {strides = array<i32>} : memref<80xi32, #tpu.memory_space<vmem>>, vector<16xi32>,
      %get3A_782 = vector.shape_cast %get3A_781 : vector<16xi32> to vector<16xi32>
      %mul3A_783 = arith.constant 2 : i32
      %mul3A_784 = vector.broadcast %mul3A_783 : i32 to vector<16xi32>
      %mul3A_785 = arith.muli %get3A_782, %mul3A_784 : vector<16xi32>
      %add3A_786 = vector.broadcast %arg0 : i32 to vector<16xi32>
      %add3A_787 = arith.addi %mul3A_785, %add3A_786 : vector<16xi32>
      %swap3A_788 = arith.constant 48 : index
      %swap3A_789 = tpu.vector_load %arg6[%swap3A_788] {strides = array<i32>} : memref<80xi32, #tpu.memory_space<vmem>>, vector<16xi32>,
      %swap3A_790 = vector.shape_cast %swap3A_789 : vector<16xi32> to vector<16xi32>
      %swap3A_791 = vector.shape_cast %add3A_787 : vector<16xi32> to vector<16xi32>
      tpu.vector_store %arg6[%swap3A_788], %swap3A_791 {strides = array<i32>} : memref<80xi32, #tpu.memory_space<vmem>>, vector<16xi32>,
      %get3A_792 = arith.constant 64 : index
      %get3A_793 = tpu.vector_load %arg10[%get3A_792] {strides = array<i32>} : memref<80xi32, #tpu.memory_space<vmem>>, vector<16xi32>,
      %get3A_794 = vector.shape_cast %get3A_793 : vector<16xi32> to vector<16xi32>
      %swap3A_795 = arith.constant 64 : index
      %swap3A_796 = tpu.vector_load %arg14[%swap3A_795] {strides = array<i32>} : memref<80xi32, #tpu.memory_space<vmem>>, vector<16xi32>,
      %swap3A_797 = vector.shape_cast %swap3A_796 : vector<16xi32> to vector<16xi32>
      %swap3A_798 = vector.shape_cast %get3A_794 : vector<16xi32> to vector<16xi32>
      tpu.vector_store %arg14[%swap3A_795], %swap3A_798 {strides = array<i32>} : memref<80xi32, #tpu.memory_space<vmem>>, vector<16xi32>,
      %get3A_799 = arith.constant 64 : index
      %get3A_800 = tpu.vector_load %arg6[%get3A_799] {strides = array<i32>} : memref<80xi32, #tpu.memory_space<vmem>>, vector<16xi32>,
      %get3A_801 = vector.shape_cast %get3A_800 : vector<16xi32> to vector<16xi32>
      %mul3A_802 = arith.constant 2 : i32
      %mul3A_803 = vector.broadcast %mul3A_802 : i32 to vector<16xi32>
      %mul3A_804 = arith.muli %get3A_801, %mul3A_803 : vector<16xi32>
      %add3A_805 = vector.broadcast %arg0 : i32 to vector<16xi32>
      %add3A_806 = arith.addi %mul3A_804, %add3A_805 : vector<16xi32>
      %swap3A_807 = arith.constant 64 : index
      %swap3A_808 = tpu.vector_load %arg6[%swap3A_807] {strides = array<i32>} : memref<80xi32, #tpu.memory_space<vmem>>, vector<16xi32>,
      %swap3A_809 = vector.shape_cast %swap3A_808 : vector<16xi32> to vector<16xi32>
      %swap3A_810 = vector.shape_cast %add3A_806 : vector<16xi32> to vector<16xi32>
      tpu.vector_store %arg6[%swap3A_807], %swap3A_810 {strides = array<i32>} : memref<80xi32, #tpu.memory_space<vmem>>, vector<16xi32>,
      %dma_start3A_811 = arith.constant 0 : i32
      %dma_start3A_812 = arith.constant 0 : i32
      %dma_start3A_813 = arith.constant 0 : i32
      %dma_start3A_814 = tpu.memref_slice %arg18[%dma_start3A_811, %dma_start3A_812, %dma_start3A_813] : memref<4x80x128xf32, #tpu.memory_space<vmem>> -> memref<1x80x128xf32, #tpu.memory_space<vmem>>
      %dma_start3A_815 = tpu.memref_squeeze %dma_start3A_814 : memref<1x80x128xf32, #tpu.memory_space<vmem>> -> memref<80x128xf32, #tpu.memory_space<vmem>>
      %dma_start3A_816 = arith.constant 0 : i32
      %dma_start3A_817 = arith.constant 0 : i32
      %dma_start3A_818 = tpu.memref_slice %arg2[%dma_start3A_816, %dma_start3A_817] : memref<20000x128xf32, #tpu.memory_space<hbm>> -> memref<20000x128xf32, #tpu.memory_space<hbm>>
      tpu.enqueue_indirect_dma source(%dma_start3A_818 : memref<20000x128xf32, #tpu.memory_space<hbm>>) target(%dma_start3A_815 : memref<80x128xf32, #tpu.memory_space<vmem>>) offsets(%arg6 : memref<80xi32, #tpu.memory_space<vmem>>) semaphore(%arg24 : memref<!tpu.dma_semaphore, #tpu.memory_space<semaphore_mem>>)
      %dma_wait3A_819 = arith.constant 3 : i32
      %dma_wait3A_820 = arith.constant 0 : i32
      %dma_wait3A_821 = arith.constant 0 : i32
      %dma_wait3A_822 = tpu.memref_slice %arg18[%dma_wait3A_819, %dma_wait3A_820, %dma_wait3A_821] : memref<4x80x128xf32, #tpu.memory_space<vmem>> -> memref<1x80x128xf32, #tpu.memory_space<vmem>>
      %dma_wait3A_823 = tpu.memref_squeeze %dma_wait3A_822 : memref<1x80x128xf32, #tpu.memory_space<vmem>> -> memref<80x128xf32, #tpu.memory_space<vmem>>
      %dma_wait3A_824 = arith.constant 0 : i32
      %dma_wait3A_825 = arith.constant 0 : i32
      %dma_wait3A_826 = tpu.memref_slice %arg2[%dma_wait3A_824, %dma_wait3A_825] : memref<20000x128xf32, #tpu.memory_space<hbm>> -> memref<20000x128xf32, #tpu.memory_space<hbm>>
      tpu.wait_indirect_dma semaphore(%arg27 : memref<!tpu.dma_semaphore, #tpu.memory_space<semaphore_mem>>) src(%dma_wait3A_826 : memref<20000x128xf32, #tpu.memory_space<hbm>>) dst(%dma_wait3A_823 : memref<80x128xf32, #tpu.memory_space<vmem>>)
      %dma_start3A_827 = arith.constant 3 : i32
      %dma_start3A_828 = arith.constant 0 : i32
      %dma_start3A_829 = arith.constant 0 : i32
      %dma_start3A_830 = tpu.memref_slice %arg18[%dma_start3A_827, %dma_start3A_828, %dma_start3A_829] : memref<4x80x128xf32, #tpu.memory_space<vmem>> -> memref<1x80x128xf32, #tpu.memory_space<vmem>>
      %dma_start3A_831 = tpu.memref_squeeze %dma_start3A_830 : memref<1x80x128xf32, #tpu.memory_space<vmem>> -> memref<80x128xf32, #tpu.memory_space<vmem>>
      %dma_start3A_832 = arith.constant 0 : i32
      %dma_start3A_833 = arith.constant 0 : i32
      %dma_start3A_834 = tpu.memref_slice %arg19[%dma_start3A_832, %dma_start3A_833] : memref<10240x128xf32, #tpu.memory_space<vmem_shared>> -> memref<10240x128xf32, #tpu.memory_space<vmem_shared>>
      tpu.enqueue_indirect_dma source(%dma_start3A_831 : memref<80x128xf32, #tpu.memory_space<vmem>>) target(%dma_start3A_834 : memref<10240x128xf32, #tpu.memory_space<vmem_shared>>) offsets(%arg17 : memref<80xi32, #tpu.memory_space<vmem>>) semaphore(%arg31 : memref<!tpu.dma_semaphore, #tpu.memory_space<semaphore_mem>>) {add = true}
      %add3A_835 = arith.constant 3 : i32
      %add3A_836 = arith.addi %add3A_700, %add3A_835 : i32
      %lt3A_837 = arith.constant 125 : i32
      %lt3A_838 = arith.cmpi slt, %add3A_836, %lt3A_837 : i32
      %convert_element_type3A_839 = arith.extui %lt3A_838 : i1 to i32
      %cond3A_840 = arith.constant 0 : i32
      %cond3A_841 = arith.cmpi ne, %convert_element_type3A_839, %cond3A_840 : i32
      scf.if %cond3A_841 {
        %add3A_843 = arith.constant 3 : i32
        %add3A_844 = arith.addi %add3A_700, %add3A_843 : i32
        %mul3A_845 = arith.constant 80 : i32
        %mul3A_846 = arith.muli %add3A_844, %mul3A_845 : i32
        %add3A_847 = arith.addi %mul3A_45, %mul3A_846 : i32
        %dma_start3A_848 = tpu.memref_slice %arg3[%add3A_847] : memref<160000xi32, #tpu.memory_space<hbm>> -> memref<80xi32, #tpu.memory_space<hbm>>
        %dma_start3A_849 = tpu.memref_slice %arg3[%add3A_847] : memref<160000xi32, #tpu.memory_space<hbm>> -> memref<80xi32, #tpu.memory_space<hbm>>
        tpu.enqueue_dma source(%dma_start3A_849 : memref<80xi32, #tpu.memory_space<hbm>>) target(%arg9 : memref<80xi32, #tpu.memory_space<vmem>>) target_semaphore(%arg23 : memref<!tpu.dma_semaphore, #tpu.memory_space<semaphore_mem>>)
        %dma_start3A_850 = tpu.memref_slice %arg4[%add3A_847] : memref<160000xi32, #tpu.memory_space<hbm>> -> memref<80xi32, #tpu.memory_space<hbm>>
        %dma_start3A_851 = tpu.memref_slice %arg4[%add3A_847] : memref<160000xi32, #tpu.memory_space<hbm>> -> memref<80xi32, #tpu.memory_space<hbm>>
        tpu.enqueue_dma source(%dma_start3A_851 : memref<80xi32, #tpu.memory_space<hbm>>) target(%arg13 : memref<80xi32, #tpu.memory_space<vmem>>) target_semaphore(%arg23 : memref<!tpu.dma_semaphore, #tpu.memory_space<semaphore_mem>>)
      } else {
      }
      %scan3A_842 = arith.constant 0 : i32
      scf.yield %scan3A_842 : i32
    }
    %scan3A_181 = arith.constant 31 : i32
    %dma_wait3A_182 = arith.constant 0 : i32
    %dma_wait3A_183 = arith.constant 0 : i32
    %dma_wait3A_184 = arith.constant 0 : i32
    %dma_wait3A_185 = tpu.memref_slice %arg18[%dma_wait3A_182, %dma_wait3A_183, %dma_wait3A_184] : memref<4x80x128xf32, #tpu.memory_space<vmem>> -> memref<1x80x128xf32, #tpu.memory_space<vmem>>
    %dma_wait3A_186 = tpu.memref_squeeze %dma_wait3A_185 : memref<1x80x128xf32, #tpu.memory_space<vmem>> -> memref<80x128xf32, #tpu.memory_space<vmem>>
    %dma_wait3A_187 = arith.constant 0 : i32
    %dma_wait3A_188 = arith.constant 0 : i32
    %dma_wait3A_189 = tpu.memref_slice %arg2[%dma_wait3A_187, %dma_wait3A_188] : memref<20000x128xf32, #tpu.memory_space<hbm>> -> memref<20000x128xf32, #tpu.memory_space<hbm>>
    tpu.wait_indirect_dma semaphore(%arg24 : memref<!tpu.dma_semaphore, #tpu.memory_space<semaphore_mem>>) src(%dma_wait3A_189 : memref<20000x128xf32, #tpu.memory_space<hbm>>) dst(%dma_wait3A_186 : memref<80x128xf32, #tpu.memory_space<vmem>>)
    %dma_start3A_190 = arith.constant 0 : i32
    %dma_start3A_191 = arith.constant 0 : i32
    %dma_start3A_192 = arith.constant 0 : i32
    %dma_start3A_193 = tpu.memref_slice %arg18[%dma_start3A_190, %dma_start3A_191, %dma_start3A_192] : memref<4x80x128xf32, #tpu.memory_space<vmem>> -> memref<1x80x128xf32, #tpu.memory_space<vmem>>
    %dma_start3A_194 = tpu.memref_squeeze %dma_start3A_193 : memref<1x80x128xf32, #tpu.memory_space<vmem>> -> memref<80x128xf32, #tpu.memory_space<vmem>>
    %dma_start3A_195 = arith.constant 0 : i32
    %dma_start3A_196 = arith.constant 0 : i32
    %dma_start3A_197 = tpu.memref_slice %arg19[%dma_start3A_195, %dma_start3A_196] : memref<10240x128xf32, #tpu.memory_space<vmem_shared>> -> memref<10240x128xf32, #tpu.memory_space<vmem_shared>>
    tpu.enqueue_indirect_dma source(%dma_start3A_194 : memref<80x128xf32, #tpu.memory_space<vmem>>) target(%dma_start3A_197 : memref<10240x128xf32, #tpu.memory_space<vmem_shared>>) offsets(%arg14 : memref<80xi32, #tpu.memory_space<vmem>>) semaphore(%arg28 : memref<!tpu.dma_semaphore, #tpu.memory_space<semaphore_mem>>) {add = true}
    %dma_wait3A_198 = arith.constant 0 : i32
    %dma_wait3A_199 = arith.constant 0 : i32
    %dma_wait3A_200 = arith.constant 0 : i32
    %dma_wait3A_201 = tpu.memref_slice %arg18[%dma_wait3A_198, %dma_wait3A_199, %dma_wait3A_200] : memref<4x80x128xf32, #tpu.memory_space<vmem>> -> memref<1x80x128xf32, #tpu.memory_space<vmem>>
    %dma_wait3A_202 = tpu.memref_squeeze %dma_wait3A_201 : memref<1x80x128xf32, #tpu.memory_space<vmem>> -> memref<80x128xf32, #tpu.memory_space<vmem>>
    %dma_wait3A_203 = arith.constant 0 : i32
    %dma_wait3A_204 = arith.constant 0 : i32
    %dma_wait3A_205 = tpu.memref_slice %arg19[%dma_wait3A_203, %dma_wait3A_204] : memref<10240x128xf32, #tpu.memory_space<vmem_shared>> -> memref<10240x128xf32, #tpu.memory_space<vmem_shared>>
    tpu.wait_indirect_dma semaphore(%arg28 : memref<!tpu.dma_semaphore, #tpu.memory_space<semaphore_mem>>) src(%dma_wait3A_202 : memref<80x128xf32, #tpu.memory_space<vmem>>) dst(%dma_wait3A_205 : memref<10240x128xf32, #tpu.memory_space<vmem_shared>>)
    %dma_wait3A_206 = arith.constant 1 : i32
    %dma_wait3A_207 = arith.constant 0 : i32
    %dma_wait3A_208 = arith.constant 0 : i32
    %dma_wait3A_209 = tpu.memref_slice %arg18[%dma_wait3A_206, %dma_wait3A_207, %dma_wait3A_208] : memref<4x80x128xf32, #tpu.memory_space<vmem>> -> memref<1x80x128xf32, #tpu.memory_space<vmem>>
    %dma_wait3A_210 = tpu.memref_squeeze %dma_wait3A_209 : memref<1x80x128xf32, #tpu.memory_space<vmem>> -> memref<80x128xf32, #tpu.memory_space<vmem>>
    %dma_wait3A_211 = arith.constant 0 : i32
    %dma_wait3A_212 = arith.constant 0 : i32
    %dma_wait3A_213 = tpu.memref_slice %arg19[%dma_wait3A_211, %dma_wait3A_212] : memref<10240x128xf32, #tpu.memory_space<vmem_shared>> -> memref<10240x128xf32, #tpu.memory_space<vmem_shared>>
    tpu.wait_indirect_dma semaphore(%arg29 : memref<!tpu.dma_semaphore, #tpu.memory_space<semaphore_mem>>) src(%dma_wait3A_210 : memref<80x128xf32, #tpu.memory_space<vmem>>) dst(%dma_wait3A_213 : memref<10240x128xf32, #tpu.memory_space<vmem_shared>>)
    %dma_wait3A_214 = arith.constant 2 : i32
    %dma_wait3A_215 = arith.constant 0 : i32
    %dma_wait3A_216 = arith.constant 0 : i32
    %dma_wait3A_217 = tpu.memref_slice %arg18[%dma_wait3A_214, %dma_wait3A_215, %dma_wait3A_216] : memref<4x80x128xf32, #tpu.memory_space<vmem>> -> memref<1x80x128xf32, #tpu.memory_space<vmem>>
    %dma_wait3A_218 = tpu.memref_squeeze %dma_wait3A_217 : memref<1x80x128xf32, #tpu.memory_space<vmem>> -> memref<80x128xf32, #tpu.memory_space<vmem>>
    %dma_wait3A_219 = arith.constant 0 : i32
    %dma_wait3A_220 = arith.constant 0 : i32
    %dma_wait3A_221 = tpu.memref_slice %arg19[%dma_wait3A_219, %dma_wait3A_220] : memref<10240x128xf32, #tpu.memory_space<vmem_shared>> -> memref<10240x128xf32, #tpu.memory_space<vmem_shared>>
    tpu.wait_indirect_dma semaphore(%arg30 : memref<!tpu.dma_semaphore, #tpu.memory_space<semaphore_mem>>) src(%dma_wait3A_218 : memref<80x128xf32, #tpu.memory_space<vmem>>) dst(%dma_wait3A_221 : memref<10240x128xf32, #tpu.memory_space<vmem_shared>>)
    %dma_wait3A_222 = arith.constant 3 : i32
    %dma_wait3A_223 = arith.constant 0 : i32
    %dma_wait3A_224 = arith.constant 0 : i32
    %dma_wait3A_225 = tpu.memref_slice %arg18[%dma_wait3A_222, %dma_wait3A_223, %dma_wait3A_224] : memref<4x80x128xf32, #tpu.memory_space<vmem>> -> memref<1x80x128xf32, #tpu.memory_space<vmem>>
    %dma_wait3A_226 = tpu.memref_squeeze %dma_wait3A_225 : memref<1x80x128xf32, #tpu.memory_space<vmem>> -> memref<80x128xf32, #tpu.memory_space<vmem>>
    %dma_wait3A_227 = arith.constant 0 : i32
    %dma_wait3A_228 = arith.constant 0 : i32
    %dma_wait3A_229 = tpu.memref_slice %arg19[%dma_wait3A_227, %dma_wait3A_228] : memref<10240x128xf32, #tpu.memory_space<vmem_shared>> -> memref<10240x128xf32, #tpu.memory_space<vmem_shared>>
    tpu.wait_indirect_dma semaphore(%arg31 : memref<!tpu.dma_semaphore, #tpu.memory_space<semaphore_mem>>) src(%dma_wait3A_226 : memref<80x128xf32, #tpu.memory_space<vmem>>) dst(%dma_wait3A_229 : memref<10240x128xf32, #tpu.memory_space<vmem_shared>>)
    %barrier3A_230 = arith.constant 0 : index
    tpu.barrier barrier_id(%barrier3A_230)
    %mul3A_231 = arith.constant 640 : i32
    %mul3A_232 = arith.muli %arg1, %mul3A_231 : i32
    %add3A_233 = arith.constant 0 : i32
    %add3A_234 = arith.addi %mul3A_232, %add3A_233 : i32
    %run_scoped3A_235 = arith.constant 0 : i32
    "tpu.region"() ({
      %run_scoped3A_279 = tpu.sem_alloc : memref<!tpu.dma_semaphore, #tpu.memory_space<semaphore_mem>>
      %dma_start3A_280 = arith.constant 0 : i32
      %dma_start3A_281 = arith.constant 0 : i32
      %dma_start3A_282 = tpu.memref_slice %arg18[%run_scoped3A_235, %dma_start3A_280, %dma_start3A_281] : memref<4x80x128xf32, #tpu.memory_space<vmem>> -> memref<1x80x128xf32, #tpu.memory_space<vmem>>
      %dma_start3A_283 = tpu.memref_squeeze %dma_start3A_282 : memref<1x80x128xf32, #tpu.memory_space<vmem>> -> memref<80x128xf32, #tpu.memory_space<vmem>>
      %dma_start3A_284 = arith.constant 0 : i32
      %dma_start3A_285 = tpu.memref_slice %arg19[%add3A_234, %dma_start3A_284] : memref<10240x128xf32, #tpu.memory_space<vmem_shared>> -> memref<80x128xf32, #tpu.memory_space<vmem_shared>>
      %dma_start3A_286 = arith.constant 0 : i32
      %dma_start3A_287 = arith.constant 0 : i32
      %dma_start3A_288 = tpu.memref_slice %arg18[%run_scoped3A_235, %dma_start3A_286, %dma_start3A_287] : memref<4x80x128xf32, #tpu.memory_space<vmem>> -> memref<1x80x128xf32, #tpu.memory_space<vmem>>
      %dma_start3A_289 = tpu.memref_squeeze %dma_start3A_288 : memref<1x80x128xf32, #tpu.memory_space<vmem>> -> memref<80x128xf32, #tpu.memory_space<vmem>>
      %dma_start3A_290 = arith.constant 0 : i32
      %dma_start3A_291 = tpu.memref_slice %arg19[%add3A_234, %dma_start3A_290] : memref<10240x128xf32, #tpu.memory_space<vmem_shared>> -> memref<80x128xf32, #tpu.memory_space<vmem_shared>>
      tpu.enqueue_dma source(%dma_start3A_291 : memref<80x128xf32, #tpu.memory_space<vmem_shared>>) target(%dma_start3A_289 : memref<80x128xf32, #tpu.memory_space<vmem>>) target_semaphore(%run_scoped3A_279 : memref<!tpu.dma_semaphore, #tpu.memory_space<semaphore_mem>>)
      %dma_wait3A_292 = arith.constant 0 : i32
      %dma_wait3A_293 = arith.constant 0 : i32
      %dma_wait3A_294 = tpu.memref_slice %arg18[%run_scoped3A_235, %dma_wait3A_292, %dma_wait3A_293] : memref<4x80x128xf32, #tpu.memory_space<vmem>> -> memref<1x80x128xf32, #tpu.memory_space<vmem>>
      %dma_wait3A_295 = tpu.memref_squeeze %dma_wait3A_294 : memref<1x80x128xf32, #tpu.memory_space<vmem>> -> memref<80x128xf32, #tpu.memory_space<vmem>>
      %dma_wait3A_296 = arith.constant 0 : i32
      %dma_wait3A_297 = tpu.memref_slice %arg19[%add3A_234, %dma_wait3A_296] : memref<10240x128xf32, #tpu.memory_space<vmem_shared>> -> memref<80x128xf32, #tpu.memory_space<vmem_shared>>
      %dma_wait3A_298 = arith.constant 0 : i32
      %dma_wait3A_299 = arith.constant 0 : i32
      %dma_wait3A_300 = tpu.memref_slice %arg18[%run_scoped3A_235, %dma_wait3A_298, %dma_wait3A_299] : memref<4x80x128xf32, #tpu.memory_space<vmem>> -> memref<1x80x128xf32, #tpu.memory_space<vmem>>
      %dma_wait3A_301 = tpu.memref_squeeze %dma_wait3A_300 : memref<1x80x128xf32, #tpu.memory_space<vmem>> -> memref<80x128xf32, #tpu.memory_space<vmem>>
      %dma_wait3A_302 = arith.constant 0 : i32
      %dma_wait3A_303 = tpu.memref_slice %arg19[%add3A_234, %dma_wait3A_302] : memref<10240x128xf32, #tpu.memory_space<vmem_shared>> -> memref<80x128xf32, #tpu.memory_space<vmem_shared>>
      tpu.wait_dma2 semaphore(%run_scoped3A_279 : memref<!tpu.dma_semaphore, #tpu.memory_space<semaphore_mem>>) src(%dma_wait3A_303 : memref<80x128xf32, #tpu.memory_space<vmem_shared>>) dst(%dma_wait3A_301 : memref<80x128xf32, #tpu.memory_space<vmem>>)
      tpu.yield
    }) : () -> ()
    %run_scoped3A_236 = arith.constant 0 : i32
    "tpu.region"() ({
      %run_scoped3A_279 = tpu.sem_alloc : memref<!tpu.dma_semaphore, #tpu.memory_space<semaphore_mem>>
      %dma_start3A_280 = arith.constant 0 : i32
      %dma_start3A_281 = arith.constant 0 : i32
      %dma_start3A_282 = tpu.memref_slice %arg18[%run_scoped3A_236, %dma_start3A_280, %dma_start3A_281] : memref<4x80x128xf32, #tpu.memory_space<vmem>> -> memref<1x80x128xf32, #tpu.memory_space<vmem>>
      %dma_start3A_283 = tpu.memref_squeeze %dma_start3A_282 : memref<1x80x128xf32, #tpu.memory_space<vmem>> -> memref<80x128xf32, #tpu.memory_space<vmem>>
      %dma_start3A_284 = arith.constant 0 : i32
      %dma_start3A_285 = arith.constant 0 : i32
      %dma_start3A_286 = tpu.memref_slice %arg5[%arg0, %dma_start3A_284, %dma_start3A_285] : memref<2x10240x128xf32, #tpu.memory_space<hbm>> -> memref<1x10240x128xf32, #tpu.memory_space<hbm>>
      %dma_start3A_287 = tpu.memref_squeeze %dma_start3A_286 : memref<1x10240x128xf32, #tpu.memory_space<hbm>> -> memref<10240x128xf32, #tpu.memory_space<hbm>>
      %dma_start3A_288 = arith.constant 0 : i32
      %dma_start3A_289 = tpu.memref_slice %dma_start3A_287[%add3A_234, %dma_start3A_288] : memref<10240x128xf32, #tpu.memory_space<hbm>> -> memref<80x128xf32, #tpu.memory_space<hbm>>
      %dma_start3A_290 = arith.constant 0 : i32
      %dma_start3A_291 = arith.constant 0 : i32
      %dma_start3A_292 = tpu.memref_slice %arg5[%arg0, %dma_start3A_290, %dma_start3A_291] : memref<2x10240x128xf32, #tpu.memory_space<hbm>> -> memref<1x10240x128xf32, #tpu.memory_space<hbm>>
      %dma_start3A_293 = tpu.memref_squeeze %dma_start3A_292 : memref<1x10240x128xf32, #tpu.memory_space<hbm>> -> memref<10240x128xf32, #tpu.memory_space<hbm>>
      %dma_start3A_294 = arith.constant 0 : i32
      %dma_start3A_295 = tpu.memref_slice %dma_start3A_293[%add3A_234, %dma_start3A_294] : memref<10240x128xf32, #tpu.memory_space<hbm>> -> memref<80x128xf32, #tpu.memory_space<hbm>>
      %dma_start3A_296 = arith.constant 0 : i32
      %dma_start3A_297 = arith.constant 0 : i32
      %dma_start3A_298 = tpu.memref_slice %arg18[%run_scoped3A_236, %dma_start3A_296, %dma_start3A_297] : memref<4x80x128xf32, #tpu.memory_space<vmem>> -> memref<1x80x128xf32, #tpu.memory_space<vmem>>
      %dma_start3A_299 = tpu.memref_squeeze %dma_start3A_298 : memref<1x80x128xf32, #tpu.memory_space<vmem>> -> memref<80x128xf32, #tpu.memory_space<vmem>>
      tpu.enqueue_dma source(%dma_start3A_299 : memref<80x128xf32, #tpu.memory_space<vmem>>) target(%dma_start3A_295 : memref<80x128xf32, #tpu.memory_space<hbm>>) target_semaphore(%run_scoped3A_279 : memref<!tpu.dma_semaphore, #tpu.memory_space<semaphore_mem>>)
      %dma_wait3A_300 = arith.constant 0 : i32
      %dma_wait3A_301 = arith.constant 0 : i32
      %dma_wait3A_302 = tpu.memref_slice %arg18[%run_scoped3A_236, %dma_wait3A_300, %dma_wait3A_301] : memref<4x80x128xf32, #tpu.memory_space<vmem>> -> memref<1x80x128xf32, #tpu.memory_space<vmem>>
      %dma_wait3A_303 = tpu.memref_squeeze %dma_wait3A_302 : memref<1x80x128xf32, #tpu.memory_space<vmem>> -> memref<80x128xf32, #tpu.memory_space<vmem>>
      %dma_wait3A_304 = arith.constant 0 : i32
      %dma_wait3A_305 = arith.constant 0 : i32
      %dma_wait3A_306 = tpu.memref_slice %arg5[%arg0, %dma_wait3A_304, %dma_wait3A_305] : memref<2x10240x128xf32, #tpu.memory_space<hbm>> -> memref<1x10240x128xf32, #tpu.memory_space<hbm>>
      %dma_wait3A_307 = tpu.memref_squeeze %dma_wait3A_306 : memref<1x10240x128xf32, #tpu.memory_space<hbm>> -> memref<10240x128xf32, #tpu.memory_space<hbm>>
      %dma_wait3A_308 = arith.constant 0 : i32
      %dma_wait3A_309 = tpu.memref_slice %dma_wait3A_307[%add3A_234, %dma_wait3A_308] : memref<10240x128xf32, #tpu.memory_space<hbm>> -> memref<80x128xf32, #tpu.memory_space<hbm>>
      %dma_wait3A_310 = arith.constant 0 : i32
      %dma_wait3A_311 = arith.constant 0 : i32
      %dma_wait3A_312 = tpu.memref_slice %arg5[%arg0, %dma_wait3A_310, %dma_wait3A_311] : memref<2x10240x128xf32, #tpu.memory_space<hbm>> -> memref<1x10240x128xf32, #tpu.memory_space<hbm>>
      %dma_wait3A_313 = tpu.memref_squeeze %dma_wait3A_312 : memref<1x10240x128xf32, #tpu.memory_space<hbm>> -> memref<10240x128xf32, #tpu.memory_space<hbm>>
      %dma_wait3A_314 = arith.constant 0 : i32
      %dma_wait3A_315 = tpu.memref_slice %dma_wait3A_313[%add3A_234, %dma_wait3A_314] : memref<10240x128xf32, #tpu.memory_space<hbm>> -> memref<80x128xf32, #tpu.memory_space<hbm>>
      %dma_wait3A_316 = arith.constant 0 : i32
      %dma_wait3A_317 = arith.constant 0 : i32
      %dma_wait3A_318 = tpu.memref_slice %arg18[%run_scoped3A_236, %dma_wait3A_316, %dma_wait3A_317] : memref<4x80x128xf32, #tpu.memory_space<vmem>> -> memref<1x80x128xf32, #tpu.memory_space<vmem>>
      %dma_wait3A_319 = tpu.memref_squeeze %dma_wait3A_318 : memref<1x80x128xf32, #tpu.memory_space<vmem>> -> memref<80x128xf32, #tpu.memory_space<vmem>>
      tpu.wait_dma2 semaphore(%run_scoped3A_279 : memref<!tpu.dma_semaphore, #tpu.memory_space<semaphore_mem>>) src(%dma_wait3A_319 : memref<80x128xf32, #tpu.memory_space<vmem>>) dst(%dma_wait3A_315 : memref<80x128xf32, #tpu.memory_space<hbm>>)
      tpu.yield
    }) : () -> ()
    %mul3A_237 = arith.constant 640 : i32
    %mul3A_238 = arith.muli %arg1, %mul3A_237 : i32
    %add3A_239 = arith.constant 80 : i32
    %add3A_240 = arith.addi %mul3A_238, %add3A_239 : i32
    %run_scoped3A_241 = arith.constant 0 : i32
    "tpu.region"() ({
      %run_scoped3A_279 = tpu.sem_alloc : memref<!tpu.dma_semaphore, #tpu.memory_space<semaphore_mem>>
      %dma_start3A_280 = arith.constant 0 : i32
      %dma_start3A_281 = arith.constant 0 : i32
      %dma_start3A_282 = tpu.memref_slice %arg18[%run_scoped3A_241, %dma_start3A_280, %dma_start3A_281] : memref<4x80x128xf32, #tpu.memory_space<vmem>> -> memref<1x80x128xf32, #tpu.memory_space<vmem>>
      %dma_start3A_283 = tpu.memref_squeeze %dma_start3A_282 : memref<1x80x128xf32, #tpu.memory_space<vmem>> -> memref<80x128xf32, #tpu.memory_space<vmem>>
      %dma_start3A_284 = arith.constant 0 : i32
      %dma_start3A_285 = tpu.memref_slice %arg19[%add3A_240, %dma_start3A_284] : memref<10240x128xf32, #tpu.memory_space<vmem_shared>> -> memref<80x128xf32, #tpu.memory_space<vmem_shared>>
      %dma_start3A_286 = arith.constant 0 : i32
      %dma_start3A_287 = arith.constant 0 : i32
      %dma_start3A_288 = tpu.memref_slice %arg18[%run_scoped3A_241, %dma_start3A_286, %dma_start3A_287] : memref<4x80x128xf32, #tpu.memory_space<vmem>> -> memref<1x80x128xf32, #tpu.memory_space<vmem>>
      %dma_start3A_289 = tpu.memref_squeeze %dma_start3A_288 : memref<1x80x128xf32, #tpu.memory_space<vmem>> -> memref<80x128xf32, #tpu.memory_space<vmem>>
      %dma_start3A_290 = arith.constant 0 : i32
      %dma_start3A_291 = tpu.memref_slice %arg19[%add3A_240, %dma_start3A_290] : memref<10240x128xf32, #tpu.memory_space<vmem_shared>> -> memref<80x128xf32, #tpu.memory_space<vmem_shared>>
      tpu.enqueue_dma source(%dma_start3A_291 : memref<80x128xf32, #tpu.memory_space<vmem_shared>>) target(%dma_start3A_289 : memref<80x128xf32, #tpu.memory_space<vmem>>) target_semaphore(%run_scoped3A_279 : memref<!tpu.dma_semaphore, #tpu.memory_space<semaphore_mem>>)
      %dma_wait3A_292 = arith.constant 0 : i32
      %dma_wait3A_293 = arith.constant 0 : i32
      %dma_wait3A_294 = tpu.memref_slice %arg18[%run_scoped3A_241, %dma_wait3A_292, %dma_wait3A_293] : memref<4x80x128xf32, #tpu.memory_space<vmem>> -> memref<1x80x128xf32, #tpu.memory_space<vmem>>
      %dma_wait3A_295 = tpu.memref_squeeze %dma_wait3A_294 : memref<1x80x128xf32, #tpu.memory_space<vmem>> -> memref<80x128xf32, #tpu.memory_space<vmem>>
      %dma_wait3A_296 = arith.constant 0 : i32
      %dma_wait3A_297 = tpu.memref_slice %arg19[%add3A_240, %dma_wait3A_296] : memref<10240x128xf32, #tpu.memory_space<vmem_shared>> -> memref<80x128xf32, #tpu.memory_space<vmem_shared>>
      %dma_wait3A_298 = arith.constant 0 : i32
      %dma_wait3A_299 = arith.constant 0 : i32
      %dma_wait3A_300 = tpu.memref_slice %arg18[%run_scoped3A_241, %dma_wait3A_298, %dma_wait3A_299] : memref<4x80x128xf32, #tpu.memory_space<vmem>> -> memref<1x80x128xf32, #tpu.memory_space<vmem>>
      %dma_wait3A_301 = tpu.memref_squeeze %dma_wait3A_300 : memref<1x80x128xf32, #tpu.memory_space<vmem>> -> memref<80x128xf32, #tpu.memory_space<vmem>>
      %dma_wait3A_302 = arith.constant 0 : i32
      %dma_wait3A_303 = tpu.memref_slice %arg19[%add3A_240, %dma_wait3A_302] : memref<10240x128xf32, #tpu.memory_space<vmem_shared>> -> memref<80x128xf32, #tpu.memory_space<vmem_shared>>
      tpu.wait_dma2 semaphore(%run_scoped3A_279 : memref<!tpu.dma_semaphore, #tpu.memory_space<semaphore_mem>>) src(%dma_wait3A_303 : memref<80x128xf32, #tpu.memory_space<vmem_shared>>) dst(%dma_wait3A_301 : memref<80x128xf32, #tpu.memory_space<vmem>>)
      tpu.yield
    }) : () -> ()
    %run_scoped3A_242 = arith.constant 0 : i32
    "tpu.region"() ({
      %run_scoped3A_279 = tpu.sem_alloc : memref<!tpu.dma_semaphore, #tpu.memory_space<semaphore_mem>>
      %dma_start3A_280 = arith.constant 0 : i32
      %dma_start3A_281 = arith.constant 0 : i32
      %dma_start3A_282 = tpu.memref_slice %arg18[%run_scoped3A_242, %dma_start3A_280, %dma_start3A_281] : memref<4x80x128xf32, #tpu.memory_space<vmem>> -> memref<1x80x128xf32, #tpu.memory_space<vmem>>
      %dma_start3A_283 = tpu.memref_squeeze %dma_start3A_282 : memref<1x80x128xf32, #tpu.memory_space<vmem>> -> memref<80x128xf32, #tpu.memory_space<vmem>>
      %dma_start3A_284 = arith.constant 0 : i32
      %dma_start3A_285 = arith.constant 0 : i32
      %dma_start3A_286 = tpu.memref_slice %arg5[%arg0, %dma_start3A_284, %dma_start3A_285] : memref<2x10240x128xf32, #tpu.memory_space<hbm>> -> memref<1x10240x128xf32, #tpu.memory_space<hbm>>
      %dma_start3A_287 = tpu.memref_squeeze %dma_start3A_286 : memref<1x10240x128xf32, #tpu.memory_space<hbm>> -> memref<10240x128xf32, #tpu.memory_space<hbm>>
      %dma_start3A_288 = arith.constant 0 : i32
      %dma_start3A_289 = tpu.memref_slice %dma_start3A_287[%add3A_240, %dma_start3A_288] : memref<10240x128xf32, #tpu.memory_space<hbm>> -> memref<80x128xf32, #tpu.memory_space<hbm>>
      %dma_start3A_290 = arith.constant 0 : i32
      %dma_start3A_291 = arith.constant 0 : i32
      %dma_start3A_292 = tpu.memref_slice %arg5[%arg0, %dma_start3A_290, %dma_start3A_291] : memref<2x10240x128xf32, #tpu.memory_space<hbm>> -> memref<1x10240x128xf32, #tpu.memory_space<hbm>>
      %dma_start3A_293 = tpu.memref_squeeze %dma_start3A_292 : memref<1x10240x128xf32, #tpu.memory_space<hbm>> -> memref<10240x128xf32, #tpu.memory_space<hbm>>
      %dma_start3A_294 = arith.constant 0 : i32
      %dma_start3A_295 = tpu.memref_slice %dma_start3A_293[%add3A_240, %dma_start3A_294] : memref<10240x128xf32, #tpu.memory_space<hbm>> -> memref<80x128xf32, #tpu.memory_space<hbm>>
      %dma_start3A_296 = arith.constant 0 : i32
      %dma_start3A_297 = arith.constant 0 : i32
      %dma_start3A_298 = tpu.memref_slice %arg18[%run_scoped3A_242, %dma_start3A_296, %dma_start3A_297] : memref<4x80x128xf32, #tpu.memory_space<vmem>> -> memref<1x80x128xf32, #tpu.memory_space<vmem>>
      %dma_start3A_299 = tpu.memref_squeeze %dma_start3A_298 : memref<1x80x128xf32, #tpu.memory_space<vmem>> -> memref<80x128xf32, #tpu.memory_space<vmem>>
      tpu.enqueue_dma source(%dma_start3A_299 : memref<80x128xf32, #tpu.memory_space<vmem>>) target(%dma_start3A_295 : memref<80x128xf32, #tpu.memory_space<hbm>>) target_semaphore(%run_scoped3A_279 : memref<!tpu.dma_semaphore, #tpu.memory_space<semaphore_mem>>)
      %dma_wait3A_300 = arith.constant 0 : i32
      %dma_wait3A_301 = arith.constant 0 : i32
      %dma_wait3A_302 = tpu.memref_slice %arg18[%run_scoped3A_242, %dma_wait3A_300, %dma_wait3A_301] : memref<4x80x128xf32, #tpu.memory_space<vmem>> -> memref<1x80x128xf32, #tpu.memory_space<vmem>>
      %dma_wait3A_303 = tpu.memref_squeeze %dma_wait3A_302 : memref<1x80x128xf32, #tpu.memory_space<vmem>> -> memref<80x128xf32, #tpu.memory_space<vmem>>
      %dma_wait3A_304 = arith.constant 0 : i32
      %dma_wait3A_305 = arith.constant 0 : i32
      %dma_wait3A_306 = tpu.memref_slice %arg5[%arg0, %dma_wait3A_304, %dma_wait3A_305] : memref<2x10240x128xf32, #tpu.memory_space<hbm>> -> memref<1x10240x128xf32, #tpu.memory_space<hbm>>
      %dma_wait3A_307 = tpu.memref_squeeze %dma_wait3A_306 : memref<1x10240x128xf32, #tpu.memory_space<hbm>> -> memref<10240x128xf32, #tpu.memory_space<hbm>>
      %dma_wait3A_308 = arith.constant 0 : i32
      %dma_wait3A_309 = tpu.memref_slice %dma_wait3A_307[%add3A_240, %dma_wait3A_308] : memref<10240x128xf32, #tpu.memory_space<hbm>> -> memref<80x128xf32, #tpu.memory_space<hbm>>
      %dma_wait3A_310 = arith.constant 0 : i32
      %dma_wait3A_311 = arith.constant 0 : i32
      %dma_wait3A_312 = tpu.memref_slice %arg5[%arg0, %dma_wait3A_310, %dma_wait3A_311] : memref<2x10240x128xf32, #tpu.memory_space<hbm>> -> memref<1x10240x128xf32, #tpu.memory_space<hbm>>
      %dma_wait3A_313 = tpu.memref_squeeze %dma_wait3A_312 : memref<1x10240x128xf32, #tpu.memory_space<hbm>> -> memref<10240x128xf32, #tpu.memory_space<hbm>>
      %dma_wait3A_314 = arith.constant 0 : i32
      %dma_wait3A_315 = tpu.memref_slice %dma_wait3A_313[%add3A_240, %dma_wait3A_314] : memref<10240x128xf32, #tpu.memory_space<hbm>> -> memref<80x128xf32, #tpu.memory_space<hbm>>
      %dma_wait3A_316 = arith.constant 0 : i32
      %dma_wait3A_317 = arith.constant 0 : i32
      %dma_wait3A_318 = tpu.memref_slice %arg18[%run_scoped3A_242, %dma_wait3A_316, %dma_wait3A_317] : memref<4x80x128xf32, #tpu.memory_space<vmem>> -> memref<1x80x128xf32, #tpu.memory_space<vmem>>
      %dma_wait3A_319 = tpu.memref_squeeze %dma_wait3A_318 : memref<1x80x128xf32, #tpu.memory_space<vmem>> -> memref<80x128xf32, #tpu.memory_space<vmem>>
      tpu.wait_dma2 semaphore(%run_scoped3A_279 : memref<!tpu.dma_semaphore, #tpu.memory_space<semaphore_mem>>) src(%dma_wait3A_319 : memref<80x128xf32, #tpu.memory_space<vmem>>) dst(%dma_wait3A_315 : memref<80x128xf32, #tpu.memory_space<hbm>>)
      tpu.yield
    }) : () -> ()
    %mul3A_243 = arith.constant 640 : i32
    %mul3A_244 = arith.muli %arg1, %mul3A_243 : i32
    %add3A_245 = arith.constant 160 : i32
    %add3A_246 = arith.addi %mul3A_244, %add3A_245 : i32
    %run_scoped3A_247 = arith.constant 0 : i32
    "tpu.region"() ({
      %run_scoped3A_279 = tpu.sem_alloc : memref<!tpu.dma_semaphore, #tpu.memory_space<semaphore_mem>>
      %dma_start3A_280 = arith.constant 0 : i32
      %dma_start3A_281 = arith.constant 0 : i32
      %dma_start3A_282 = tpu.memref_slice %arg18[%run_scoped3A_247, %dma_start3A_280, %dma_start3A_281] : memref<4x80x128xf32, #tpu.memory_space<vmem>> -> memref<1x80x128xf32, #tpu.memory_space<vmem>>
      %dma_start3A_283 = tpu.memref_squeeze %dma_start3A_282 : memref<1x80x128xf32, #tpu.memory_space<vmem>> -> memref<80x128xf32, #tpu.memory_space<vmem>>
      %dma_start3A_284 = arith.constant 0 : i32
      %dma_start3A_285 = tpu.memref_slice %arg19[%add3A_246, %dma_start3A_284] : memref<10240x128xf32, #tpu.memory_space<vmem_shared>> -> memref<80x128xf32, #tpu.memory_space<vmem_shared>>
      %dma_start3A_286 = arith.constant 0 : i32
      %dma_start3A_287 = arith.constant 0 : i32
      %dma_start3A_288 = tpu.memref_slice %arg18[%run_scoped3A_247, %dma_start3A_286, %dma_start3A_287] : memref<4x80x128xf32, #tpu.memory_space<vmem>> -> memref<1x80x128xf32, #tpu.memory_space<vmem>>
      %dma_start3A_289 = tpu.memref_squeeze %dma_start3A_288 : memref<1x80x128xf32, #tpu.memory_space<vmem>> -> memref<80x128xf32, #tpu.memory_space<vmem>>
      %dma_start3A_290 = arith.constant 0 : i32
      %dma_start3A_291 = tpu.memref_slice %arg19[%add3A_246, %dma_start3A_290] : memref<10240x128xf32, #tpu.memory_space<vmem_shared>> -> memref<80x128xf32, #tpu.memory_space<vmem_shared>>
      tpu.enqueue_dma source(%dma_start3A_291 : memref<80x128xf32, #tpu.memory_space<vmem_shared>>) target(%dma_start3A_289 : memref<80x128xf32, #tpu.memory_space<vmem>>) target_semaphore(%run_scoped3A_279 : memref<!tpu.dma_semaphore, #tpu.memory_space<semaphore_mem>>)
      %dma_wait3A_292 = arith.constant 0 : i32
      %dma_wait3A_293 = arith.constant 0 : i32
      %dma_wait3A_294 = tpu.memref_slice %arg18[%run_scoped3A_247, %dma_wait3A_292, %dma_wait3A_293] : memref<4x80x128xf32, #tpu.memory_space<vmem>> -> memref<1x80x128xf32, #tpu.memory_space<vmem>>
      %dma_wait3A_295 = tpu.memref_squeeze %dma_wait3A_294 : memref<1x80x128xf32, #tpu.memory_space<vmem>> -> memref<80x128xf32, #tpu.memory_space<vmem>>
      %dma_wait3A_296 = arith.constant 0 : i32
      %dma_wait3A_297 = tpu.memref_slice %arg19[%add3A_246, %dma_wait3A_296] : memref<10240x128xf32, #tpu.memory_space<vmem_shared>> -> memref<80x128xf32, #tpu.memory_space<vmem_shared>>
      %dma_wait3A_298 = arith.constant 0 : i32
      %dma_wait3A_299 = arith.constant 0 : i32
      %dma_wait3A_300 = tpu.memref_slice %arg18[%run_scoped3A_247, %dma_wait3A_298, %dma_wait3A_299] : memref<4x80x128xf32, #tpu.memory_space<vmem>> -> memref<1x80x128xf32, #tpu.memory_space<vmem>>
      %dma_wait3A_301 = tpu.memref_squeeze %dma_wait3A_300 : memref<1x80x128xf32, #tpu.memory_space<vmem>> -> memref<80x128xf32, #tpu.memory_space<vmem>>
      %dma_wait3A_302 = arith.constant 0 : i32
      %dma_wait3A_303 = tpu.memref_slice %arg19[%add3A_246, %dma_wait3A_302] : memref<10240x128xf32, #tpu.memory_space<vmem_shared>> -> memref<80x128xf32, #tpu.memory_space<vmem_shared>>
      tpu.wait_dma2 semaphore(%run_scoped3A_279 : memref<!tpu.dma_semaphore, #tpu.memory_space<semaphore_mem>>) src(%dma_wait3A_303 : memref<80x128xf32, #tpu.memory_space<vmem_shared>>) dst(%dma_wait3A_301 : memref<80x128xf32, #tpu.memory_space<vmem>>)
      tpu.yield
    }) : () -> ()
    %run_scoped3A_248 = arith.constant 0 : i32
    "tpu.region"() ({
      %run_scoped3A_279 = tpu.sem_alloc : memref<!tpu.dma_semaphore, #tpu.memory_space<semaphore_mem>>
      %dma_start3A_280 = arith.constant 0 : i32
      %dma_start3A_281 = arith.constant 0 : i32
      %dma_start3A_282 = tpu.memref_slice %arg18[%run_scoped3A_248, %dma_start3A_280, %dma_start3A_281] : memref<4x80x128xf32, #tpu.memory_space<vmem>> -> memref<1x80x128xf32, #tpu.memory_space<vmem>>
      %dma_start3A_283 = tpu.memref_squeeze %dma_start3A_282 : memref<1x80x128xf32, #tpu.memory_space<vmem>> -> memref<80x128xf32, #tpu.memory_space<vmem>>
      %dma_start3A_284 = arith.constant 0 : i32
      %dma_start3A_285 = arith.constant 0 : i32
      %dma_start3A_286 = tpu.memref_slice %arg5[%arg0, %dma_start3A_284, %dma_start3A_285] : memref<2x10240x128xf32, #tpu.memory_space<hbm>> -> memref<1x10240x128xf32, #tpu.memory_space<hbm>>
      %dma_start3A_287 = tpu.memref_squeeze %dma_start3A_286 : memref<1x10240x128xf32, #tpu.memory_space<hbm>> -> memref<10240x128xf32, #tpu.memory_space<hbm>>
      %dma_start3A_288 = arith.constant 0 : i32
      %dma_start3A_289 = tpu.memref_slice %dma_start3A_287[%add3A_246, %dma_start3A_288] : memref<10240x128xf32, #tpu.memory_space<hbm>> -> memref<80x128xf32, #tpu.memory_space<hbm>>
      %dma_start3A_290 = arith.constant 0 : i32
      %dma_start3A_291 = arith.constant 0 : i32
      %dma_start3A_292 = tpu.memref_slice %arg5[%arg0, %dma_start3A_290, %dma_start3A_291] : memref<2x10240x128xf32, #tpu.memory_space<hbm>> -> memref<1x10240x128xf32, #tpu.memory_space<hbm>>
      %dma_start3A_293 = tpu.memref_squeeze %dma_start3A_292 : memref<1x10240x128xf32, #tpu.memory_space<hbm>> -> memref<10240x128xf32, #tpu.memory_space<hbm>>
      %dma_start3A_294 = arith.constant 0 : i32
      %dma_start3A_295 = tpu.memref_slice %dma_start3A_293[%add3A_246, %dma_start3A_294] : memref<10240x128xf32, #tpu.memory_space<hbm>> -> memref<80x128xf32, #tpu.memory_space<hbm>>
      %dma_start3A_296 = arith.constant 0 : i32
      %dma_start3A_297 = arith.constant 0 : i32
      %dma_start3A_298 = tpu.memref_slice %arg18[%run_scoped3A_248, %dma_start3A_296, %dma_start3A_297] : memref<4x80x128xf32, #tpu.memory_space<vmem>> -> memref<1x80x128xf32, #tpu.memory_space<vmem>>
      %dma_start3A_299 = tpu.memref_squeeze %dma_start3A_298 : memref<1x80x128xf32, #tpu.memory_space<vmem>> -> memref<80x128xf32, #tpu.memory_space<vmem>>
      tpu.enqueue_dma source(%dma_start3A_299 : memref<80x128xf32, #tpu.memory_space<vmem>>) target(%dma_start3A_295 : memref<80x128xf32, #tpu.memory_space<hbm>>) target_semaphore(%run_scoped3A_279 : memref<!tpu.dma_semaphore, #tpu.memory_space<semaphore_mem>>)
      %dma_wait3A_300 = arith.constant 0 : i32
      %dma_wait3A_301 = arith.constant 0 : i32
      %dma_wait3A_302 = tpu.memref_slice %arg18[%run_scoped3A_248, %dma_wait3A_300, %dma_wait3A_301] : memref<4x80x128xf32, #tpu.memory_space<vmem>> -> memref<1x80x128xf32, #tpu.memory_space<vmem>>
      %dma_wait3A_303 = tpu.memref_squeeze %dma_wait3A_302 : memref<1x80x128xf32, #tpu.memory_space<vmem>> -> memref<80x128xf32, #tpu.memory_space<vmem>>
      %dma_wait3A_304 = arith.constant 0 : i32
      %dma_wait3A_305 = arith.constant 0 : i32
      %dma_wait3A_306 = tpu.memref_slice %arg5[%arg0, %dma_wait3A_304, %dma_wait3A_305] : memref<2x10240x128xf32, #tpu.memory_space<hbm>> -> memref<1x10240x128xf32, #tpu.memory_space<hbm>>
      %dma_wait3A_307 = tpu.memref_squeeze %dma_wait3A_306 : memref<1x10240x128xf32, #tpu.memory_space<hbm>> -> memref<10240x128xf32, #tpu.memory_space<hbm>>
      %dma_wait3A_308 = arith.constant 0 : i32
      %dma_wait3A_309 = tpu.memref_slice %dma_wait3A_307[%add3A_246, %dma_wait3A_308] : memref<10240x128xf32, #tpu.memory_space<hbm>> -> memref<80x128xf32, #tpu.memory_space<hbm>>
      %dma_wait3A_310 = arith.constant 0 : i32
      %dma_wait3A_311 = arith.constant 0 : i32
      %dma_wait3A_312 = tpu.memref_slice %arg5[%arg0, %dma_wait3A_310, %dma_wait3A_311] : memref<2x10240x128xf32, #tpu.memory_space<hbm>> -> memref<1x10240x128xf32, #tpu.memory_space<hbm>>
      %dma_wait3A_313 = tpu.memref_squeeze %dma_wait3A_312 : memref<1x10240x128xf32, #tpu.memory_space<hbm>> -> memref<10240x128xf32, #tpu.memory_space<hbm>>
      %dma_wait3A_314 = arith.constant 0 : i32
      %dma_wait3A_315 = tpu.memref_slice %dma_wait3A_313[%add3A_246, %dma_wait3A_314] : memref<10240x128xf32, #tpu.memory_space<hbm>> -> memref<80x128xf32, #tpu.memory_space<hbm>>
      %dma_wait3A_316 = arith.constant 0 : i32
      %dma_wait3A_317 = arith.constant 0 : i32
      %dma_wait3A_318 = tpu.memref_slice %arg18[%run_scoped3A_248, %dma_wait3A_316, %dma_wait3A_317] : memref<4x80x128xf32, #tpu.memory_space<vmem>> -> memref<1x80x128xf32, #tpu.memory_space<vmem>>
      %dma_wait3A_319 = tpu.memref_squeeze %dma_wait3A_318 : memref<1x80x128xf32, #tpu.memory_space<vmem>> -> memref<80x128xf32, #tpu.memory_space<vmem>>
      tpu.wait_dma2 semaphore(%run_scoped3A_279 : memref<!tpu.dma_semaphore, #tpu.memory_space<semaphore_mem>>) src(%dma_wait3A_319 : memref<80x128xf32, #tpu.memory_space<vmem>>) dst(%dma_wait3A_315 : memref<80x128xf32, #tpu.memory_space<hbm>>)
      tpu.yield
    }) : () -> ()
    %mul3A_249 = arith.constant 640 : i32
    %mul3A_250 = arith.muli %arg1, %mul3A_249 : i32
    %add3A_251 = arith.constant 240 : i32
    %add3A_252 = arith.addi %mul3A_250, %add3A_251 : i32
    %run_scoped3A_253 = arith.constant 0 : i32
    "tpu.region"() ({
      %run_scoped3A_279 = tpu.sem_alloc : memref<!tpu.dma_semaphore, #tpu.memory_space<semaphore_mem>>
      %dma_start3A_280 = arith.constant 0 : i32
      %dma_start3A_281 = arith.constant 0 : i32
      %dma_start3A_282 = tpu.memref_slice %arg18[%run_scoped3A_253, %dma_start3A_280, %dma_start3A_281] : memref<4x80x128xf32, #tpu.memory_space<vmem>> -> memref<1x80x128xf32, #tpu.memory_space<vmem>>
      %dma_start3A_283 = tpu.memref_squeeze %dma_start3A_282 : memref<1x80x128xf32, #tpu.memory_space<vmem>> -> memref<80x128xf32, #tpu.memory_space<vmem>>
      %dma_start3A_284 = arith.constant 0 : i32
      %dma_start3A_285 = tpu.memref_slice %arg19[%add3A_252, %dma_start3A_284] : memref<10240x128xf32, #tpu.memory_space<vmem_shared>> -> memref<80x128xf32, #tpu.memory_space<vmem_shared>>
      %dma_start3A_286 = arith.constant 0 : i32
      %dma_start3A_287 = arith.constant 0 : i32
      %dma_start3A_288 = tpu.memref_slice %arg18[%run_scoped3A_253, %dma_start3A_286, %dma_start3A_287] : memref<4x80x128xf32, #tpu.memory_space<vmem>> -> memref<1x80x128xf32, #tpu.memory_space<vmem>>
      %dma_start3A_289 = tpu.memref_squeeze %dma_start3A_288 : memref<1x80x128xf32, #tpu.memory_space<vmem>> -> memref<80x128xf32, #tpu.memory_space<vmem>>
      %dma_start3A_290 = arith.constant 0 : i32
      %dma_start3A_291 = tpu.memref_slice %arg19[%add3A_252, %dma_start3A_290] : memref<10240x128xf32, #tpu.memory_space<vmem_shared>> -> memref<80x128xf32, #tpu.memory_space<vmem_shared>>
      tpu.enqueue_dma source(%dma_start3A_291 : memref<80x128xf32, #tpu.memory_space<vmem_shared>>) target(%dma_start3A_289 : memref<80x128xf32, #tpu.memory_space<vmem>>) target_semaphore(%run_scoped3A_279 : memref<!tpu.dma_semaphore, #tpu.memory_space<semaphore_mem>>)
      %dma_wait3A_292 = arith.constant 0 : i32
      %dma_wait3A_293 = arith.constant 0 : i32
      %dma_wait3A_294 = tpu.memref_slice %arg18[%run_scoped3A_253, %dma_wait3A_292, %dma_wait3A_293] : memref<4x80x128xf32, #tpu.memory_space<vmem>> -> memref<1x80x128xf32, #tpu.memory_space<vmem>>
      %dma_wait3A_295 = tpu.memref_squeeze %dma_wait3A_294 : memref<1x80x128xf32, #tpu.memory_space<vmem>> -> memref<80x128xf32, #tpu.memory_space<vmem>>
      %dma_wait3A_296 = arith.constant 0 : i32
      %dma_wait3A_297 = tpu.memref_slice %arg19[%add3A_252, %dma_wait3A_296] : memref<10240x128xf32, #tpu.memory_space<vmem_shared>> -> memref<80x128xf32, #tpu.memory_space<vmem_shared>>
      %dma_wait3A_298 = arith.constant 0 : i32
      %dma_wait3A_299 = arith.constant 0 : i32
      %dma_wait3A_300 = tpu.memref_slice %arg18[%run_scoped3A_253, %dma_wait3A_298, %dma_wait3A_299] : memref<4x80x128xf32, #tpu.memory_space<vmem>> -> memref<1x80x128xf32, #tpu.memory_space<vmem>>
      %dma_wait3A_301 = tpu.memref_squeeze %dma_wait3A_300 : memref<1x80x128xf32, #tpu.memory_space<vmem>> -> memref<80x128xf32, #tpu.memory_space<vmem>>
      %dma_wait3A_302 = arith.constant 0 : i32
      %dma_wait3A_303 = tpu.memref_slice %arg19[%add3A_252, %dma_wait3A_302] : memref<10240x128xf32, #tpu.memory_space<vmem_shared>> -> memref<80x128xf32, #tpu.memory_space<vmem_shared>>
      tpu.wait_dma2 semaphore(%run_scoped3A_279 : memref<!tpu.dma_semaphore, #tpu.memory_space<semaphore_mem>>) src(%dma_wait3A_303 : memref<80x128xf32, #tpu.memory_space<vmem_shared>>) dst(%dma_wait3A_301 : memref<80x128xf32, #tpu.memory_space<vmem>>)
      tpu.yield
    }) : () -> ()
    %run_scoped3A_254 = arith.constant 0 : i32
    "tpu.region"() ({
      %run_scoped3A_279 = tpu.sem_alloc : memref<!tpu.dma_semaphore, #tpu.memory_space<semaphore_mem>>
      %dma_start3A_280 = arith.constant 0 : i32
      %dma_start3A_281 = arith.constant 0 : i32
      %dma_start3A_282 = tpu.memref_slice %arg18[%run_scoped3A_254, %dma_start3A_280, %dma_start3A_281] : memref<4x80x128xf32, #tpu.memory_space<vmem>> -> memref<1x80x128xf32, #tpu.memory_space<vmem>>
      %dma_start3A_283 = tpu.memref_squeeze %dma_start3A_282 : memref<1x80x128xf32, #tpu.memory_space<vmem>> -> memref<80x128xf32, #tpu.memory_space<vmem>>
      %dma_start3A_284 = arith.constant 0 : i32
      %dma_start3A_285 = arith.constant 0 : i32
      %dma_start3A_286 = tpu.memref_slice %arg5[%arg0, %dma_start3A_284, %dma_start3A_285] : memref<2x10240x128xf32, #tpu.memory_space<hbm>> -> memref<1x10240x128xf32, #tpu.memory_space<hbm>>
      %dma_start3A_287 = tpu.memref_squeeze %dma_start3A_286 : memref<1x10240x128xf32, #tpu.memory_space<hbm>> -> memref<10240x128xf32, #tpu.memory_space<hbm>>
      %dma_start3A_288 = arith.constant 0 : i32
      %dma_start3A_289 = tpu.memref_slice %dma_start3A_287[%add3A_252, %dma_start3A_288] : memref<10240x128xf32, #tpu.memory_space<hbm>> -> memref<80x128xf32, #tpu.memory_space<hbm>>
      %dma_start3A_290 = arith.constant 0 : i32
      %dma_start3A_291 = arith.constant 0 : i32
      %dma_start3A_292 = tpu.memref_slice %arg5[%arg0, %dma_start3A_290, %dma_start3A_291] : memref<2x10240x128xf32, #tpu.memory_space<hbm>> -> memref<1x10240x128xf32, #tpu.memory_space<hbm>>
      %dma_start3A_293 = tpu.memref_squeeze %dma_start3A_292 : memref<1x10240x128xf32, #tpu.memory_space<hbm>> -> memref<10240x128xf32, #tpu.memory_space<hbm>>
      %dma_start3A_294 = arith.constant 0 : i32
      %dma_start3A_295 = tpu.memref_slice %dma_start3A_293[%add3A_252, %dma_start3A_294] : memref<10240x128xf32, #tpu.memory_space<hbm>> -> memref<80x128xf32, #tpu.memory_space<hbm>>
      %dma_start3A_296 = arith.constant 0 : i32
      %dma_start3A_297 = arith.constant 0 : i32
      %dma_start3A_298 = tpu.memref_slice %arg18[%run_scoped3A_254, %dma_start3A_296, %dma_start3A_297] : memref<4x80x128xf32, #tpu.memory_space<vmem>> -> memref<1x80x128xf32, #tpu.memory_space<vmem>>
      %dma_start3A_299 = tpu.memref_squeeze %dma_start3A_298 : memref<1x80x128xf32, #tpu.memory_space<vmem>> -> memref<80x128xf32, #tpu.memory_space<vmem>>
      tpu.enqueue_dma source(%dma_start3A_299 : memref<80x128xf32, #tpu.memory_space<vmem>>) target(%dma_start3A_295 : memref<80x128xf32, #tpu.memory_space<hbm>>) target_semaphore(%run_scoped3A_279 : memref<!tpu.dma_semaphore, #tpu.memory_space<semaphore_mem>>)
      %dma_wait3A_300 = arith.constant 0 : i32
      %dma_wait3A_301 = arith.constant 0 : i32
      %dma_wait3A_302 = tpu.memref_slice %arg18[%run_scoped3A_254, %dma_wait3A_300, %dma_wait3A_301] : memref<4x80x128xf32, #tpu.memory_space<vmem>> -> memref<1x80x128xf32, #tpu.memory_space<vmem>>
      %dma_wait3A_303 = tpu.memref_squeeze %dma_wait3A_302 : memref<1x80x128xf32, #tpu.memory_space<vmem>> -> memref<80x128xf32, #tpu.memory_space<vmem>>
      %dma_wait3A_304 = arith.constant 0 : i32
      %dma_wait3A_305 = arith.constant 0 : i32
      %dma_wait3A_306 = tpu.memref_slice %arg5[%arg0, %dma_wait3A_304, %dma_wait3A_305] : memref<2x10240x128xf32, #tpu.memory_space<hbm>> -> memref<1x10240x128xf32, #tpu.memory_space<hbm>>
      %dma_wait3A_307 = tpu.memref_squeeze %dma_wait3A_306 : memref<1x10240x128xf32, #tpu.memory_space<hbm>> -> memref<10240x128xf32, #tpu.memory_space<hbm>>
      %dma_wait3A_308 = arith.constant 0 : i32
      %dma_wait3A_309 = tpu.memref_slice %dma_wait3A_307[%add3A_252, %dma_wait3A_308] : memref<10240x128xf32, #tpu.memory_space<hbm>> -> memref<80x128xf32, #tpu.memory_space<hbm>>
      %dma_wait3A_310 = arith.constant 0 : i32
      %dma_wait3A_311 = arith.constant 0 : i32
      %dma_wait3A_312 = tpu.memref_slice %arg5[%arg0, %dma_wait3A_310, %dma_wait3A_311] : memref<2x10240x128xf32, #tpu.memory_space<hbm>> -> memref<1x10240x128xf32, #tpu.memory_space<hbm>>
      %dma_wait3A_313 = tpu.memref_squeeze %dma_wait3A_312 : memref<1x10240x128xf32, #tpu.memory_space<hbm>> -> memref<10240x128xf32, #tpu.memory_space<hbm>>
      %dma_wait3A_314 = arith.constant 0 : i32
      %dma_wait3A_315 = tpu.memref_slice %dma_wait3A_313[%add3A_252, %dma_wait3A_314] : memref<10240x128xf32, #tpu.memory_space<hbm>> -> memref<80x128xf32, #tpu.memory_space<hbm>>
      %dma_wait3A_316 = arith.constant 0 : i32
      %dma_wait3A_317 = arith.constant 0 : i32
      %dma_wait3A_318 = tpu.memref_slice %arg18[%run_scoped3A_254, %dma_wait3A_316, %dma_wait3A_317] : memref<4x80x128xf32, #tpu.memory_space<vmem>> -> memref<1x80x128xf32, #tpu.memory_space<vmem>>
      %dma_wait3A_319 = tpu.memref_squeeze %dma_wait3A_318 : memref<1x80x128xf32, #tpu.memory_space<vmem>> -> memref<80x128xf32, #tpu.memory_space<vmem>>
      tpu.wait_dma2 semaphore(%run_scoped3A_279 : memref<!tpu.dma_semaphore, #tpu.memory_space<semaphore_mem>>) src(%dma_wait3A_319 : memref<80x128xf32, #tpu.memory_space<vmem>>) dst(%dma_wait3A_315 : memref<80x128xf32, #tpu.memory_space<hbm>>)
      tpu.yield
    }) : () -> ()
    %mul3A_255 = arith.constant 640 : i32
    %mul3A_256 = arith.muli %arg1, %mul3A_255 : i32
    %add3A_257 = arith.constant 320 : i32
    %add3A_258 = arith.addi %mul3A_256, %add3A_257 : i32
    %run_scoped3A_259 = arith.constant 0 : i32
    "tpu.region"() ({
      %run_scoped3A_279 = tpu.sem_alloc : memref<!tpu.dma_semaphore, #tpu.memory_space<semaphore_mem>>
      %dma_start3A_280 = arith.constant 0 : i32
      %dma_start3A_281 = arith.constant 0 : i32
      %dma_start3A_282 = tpu.memref_slice %arg18[%run_scoped3A_259, %dma_start3A_280, %dma_start3A_281] : memref<4x80x128xf32, #tpu.memory_space<vmem>> -> memref<1x80x128xf32, #tpu.memory_space<vmem>>
      %dma_start3A_283 = tpu.memref_squeeze %dma_start3A_282 : memref<1x80x128xf32, #tpu.memory_space<vmem>> -> memref<80x128xf32, #tpu.memory_space<vmem>>
      %dma_start3A_284 = arith.constant 0 : i32
      %dma_start3A_285 = tpu.memref_slice %arg19[%add3A_258, %dma_start3A_284] : memref<10240x128xf32, #tpu.memory_space<vmem_shared>> -> memref<80x128xf32, #tpu.memory_space<vmem_shared>>
      %dma_start3A_286 = arith.constant 0 : i32
      %dma_start3A_287 = arith.constant 0 : i32
      %dma_start3A_288 = tpu.memref_slice %arg18[%run_scoped3A_259, %dma_start3A_286, %dma_start3A_287] : memref<4x80x128xf32, #tpu.memory_space<vmem>> -> memref<1x80x128xf32, #tpu.memory_space<vmem>>
      %dma_start3A_289 = tpu.memref_squeeze %dma_start3A_288 : memref<1x80x128xf32, #tpu.memory_space<vmem>> -> memref<80x128xf32, #tpu.memory_space<vmem>>
      %dma_start3A_290 = arith.constant 0 : i32
      %dma_start3A_291 = tpu.memref_slice %arg19[%add3A_258, %dma_start3A_290] : memref<10240x128xf32, #tpu.memory_space<vmem_shared>> -> memref<80x128xf32, #tpu.memory_space<vmem_shared>>
      tpu.enqueue_dma source(%dma_start3A_291 : memref<80x128xf32, #tpu.memory_space<vmem_shared>>) target(%dma_start3A_289 : memref<80x128xf32, #tpu.memory_space<vmem>>) target_semaphore(%run_scoped3A_279 : memref<!tpu.dma_semaphore, #tpu.memory_space<semaphore_mem>>)
      %dma_wait3A_292 = arith.constant 0 : i32
      %dma_wait3A_293 = arith.constant 0 : i32
      %dma_wait3A_294 = tpu.memref_slice %arg18[%run_scoped3A_259, %dma_wait3A_292, %dma_wait3A_293] : memref<4x80x128xf32, #tpu.memory_space<vmem>> -> memref<1x80x128xf32, #tpu.memory_space<vmem>>
      %dma_wait3A_295 = tpu.memref_squeeze %dma_wait3A_294 : memref<1x80x128xf32, #tpu.memory_space<vmem>> -> memref<80x128xf32, #tpu.memory_space<vmem>>
      %dma_wait3A_296 = arith.constant 0 : i32
      %dma_wait3A_297 = tpu.memref_slice %arg19[%add3A_258, %dma_wait3A_296] : memref<10240x128xf32, #tpu.memory_space<vmem_shared>> -> memref<80x128xf32, #tpu.memory_space<vmem_shared>>
      %dma_wait3A_298 = arith.constant 0 : i32
      %dma_wait3A_299 = arith.constant 0 : i32
      %dma_wait3A_300 = tpu.memref_slice %arg18[%run_scoped3A_259, %dma_wait3A_298, %dma_wait3A_299] : memref<4x80x128xf32, #tpu.memory_space<vmem>> -> memref<1x80x128xf32, #tpu.memory_space<vmem>>
      %dma_wait3A_301 = tpu.memref_squeeze %dma_wait3A_300 : memref<1x80x128xf32, #tpu.memory_space<vmem>> -> memref<80x128xf32, #tpu.memory_space<vmem>>
      %dma_wait3A_302 = arith.constant 0 : i32
      %dma_wait3A_303 = tpu.memref_slice %arg19[%add3A_258, %dma_wait3A_302] : memref<10240x128xf32, #tpu.memory_space<vmem_shared>> -> memref<80x128xf32, #tpu.memory_space<vmem_shared>>
      tpu.wait_dma2 semaphore(%run_scoped3A_279 : memref<!tpu.dma_semaphore, #tpu.memory_space<semaphore_mem>>) src(%dma_wait3A_303 : memref<80x128xf32, #tpu.memory_space<vmem_shared>>) dst(%dma_wait3A_301 : memref<80x128xf32, #tpu.memory_space<vmem>>)
      tpu.yield
    }) : () -> ()
    %run_scoped3A_260 = arith.constant 0 : i32
    "tpu.region"() ({
      %run_scoped3A_279 = tpu.sem_alloc : memref<!tpu.dma_semaphore, #tpu.memory_space<semaphore_mem>>
      %dma_start3A_280 = arith.constant 0 : i32
      %dma_start3A_281 = arith.constant 0 : i32
      %dma_start3A_282 = tpu.memref_slice %arg18[%run_scoped3A_260, %dma_start3A_280, %dma_start3A_281] : memref<4x80x128xf32, #tpu.memory_space<vmem>> -> memref<1x80x128xf32, #tpu.memory_space<vmem>>
      %dma_start3A_283 = tpu.memref_squeeze %dma_start3A_282 : memref<1x80x128xf32, #tpu.memory_space<vmem>> -> memref<80x128xf32, #tpu.memory_space<vmem>>
      %dma_start3A_284 = arith.constant 0 : i32
      %dma_start3A_285 = arith.constant 0 : i32
      %dma_start3A_286 = tpu.memref_slice %arg5[%arg0, %dma_start3A_284, %dma_start3A_285] : memref<2x10240x128xf32, #tpu.memory_space<hbm>> -> memref<1x10240x128xf32, #tpu.memory_space<hbm>>
      %dma_start3A_287 = tpu.memref_squeeze %dma_start3A_286 : memref<1x10240x128xf32, #tpu.memory_space<hbm>> -> memref<10240x128xf32, #tpu.memory_space<hbm>>
      %dma_start3A_288 = arith.constant 0 : i32
      %dma_start3A_289 = tpu.memref_slice %dma_start3A_287[%add3A_258, %dma_start3A_288] : memref<10240x128xf32, #tpu.memory_space<hbm>> -> memref<80x128xf32, #tpu.memory_space<hbm>>
      %dma_start3A_290 = arith.constant 0 : i32
      %dma_start3A_291 = arith.constant 0 : i32
      %dma_start3A_292 = tpu.memref_slice %arg5[%arg0, %dma_start3A_290, %dma_start3A_291] : memref<2x10240x128xf32, #tpu.memory_space<hbm>> -> memref<1x10240x128xf32, #tpu.memory_space<hbm>>
      %dma_start3A_293 = tpu.memref_squeeze %dma_start3A_292 : memref<1x10240x128xf32, #tpu.memory_space<hbm>> -> memref<10240x128xf32, #tpu.memory_space<hbm>>
      %dma_start3A_294 = arith.constant 0 : i32
      %dma_start3A_295 = tpu.memref_slice %dma_start3A_293[%add3A_258, %dma_start3A_294] : memref<10240x128xf32, #tpu.memory_space<hbm>> -> memref<80x128xf32, #tpu.memory_space<hbm>>
      %dma_start3A_296 = arith.constant 0 : i32
      %dma_start3A_297 = arith.constant 0 : i32
      %dma_start3A_298 = tpu.memref_slice %arg18[%run_scoped3A_260, %dma_start3A_296, %dma_start3A_297] : memref<4x80x128xf32, #tpu.memory_space<vmem>> -> memref<1x80x128xf32, #tpu.memory_space<vmem>>
      %dma_start3A_299 = tpu.memref_squeeze %dma_start3A_298 : memref<1x80x128xf32, #tpu.memory_space<vmem>> -> memref<80x128xf32, #tpu.memory_space<vmem>>
      tpu.enqueue_dma source(%dma_start3A_299 : memref<80x128xf32, #tpu.memory_space<vmem>>) target(%dma_start3A_295 : memref<80x128xf32, #tpu.memory_space<hbm>>) target_semaphore(%run_scoped3A_279 : memref<!tpu.dma_semaphore, #tpu.memory_space<semaphore_mem>>)
      %dma_wait3A_300 = arith.constant 0 : i32
      %dma_wait3A_301 = arith.constant 0 : i32
      %dma_wait3A_302 = tpu.memref_slice %arg18[%run_scoped3A_260, %dma_wait3A_300, %dma_wait3A_301] : memref<4x80x128xf32, #tpu.memory_space<vmem>> -> memref<1x80x128xf32, #tpu.memory_space<vmem>>
      %dma_wait3A_303 = tpu.memref_squeeze %dma_wait3A_302 : memref<1x80x128xf32, #tpu.memory_space<vmem>> -> memref<80x128xf32, #tpu.memory_space<vmem>>
      %dma_wait3A_304 = arith.constant 0 : i32
      %dma_wait3A_305 = arith.constant 0 : i32
      %dma_wait3A_306 = tpu.memref_slice %arg5[%arg0, %dma_wait3A_304, %dma_wait3A_305] : memref<2x10240x128xf32, #tpu.memory_space<hbm>> -> memref<1x10240x128xf32, #tpu.memory_space<hbm>>
      %dma_wait3A_307 = tpu.memref_squeeze %dma_wait3A_306 : memref<1x10240x128xf32, #tpu.memory_space<hbm>> -> memref<10240x128xf32, #tpu.memory_space<hbm>>
      %dma_wait3A_308 = arith.constant 0 : i32
      %dma_wait3A_309 = tpu.memref_slice %dma_wait3A_307[%add3A_258, %dma_wait3A_308] : memref<10240x128xf32, #tpu.memory_space<hbm>> -> memref<80x128xf32, #tpu.memory_space<hbm>>
      %dma_wait3A_310 = arith.constant 0 : i32
      %dma_wait3A_311 = arith.constant 0 : i32
      %dma_wait3A_312 = tpu.memref_slice %arg5[%arg0, %dma_wait3A_310, %dma_wait3A_311] : memref<2x10240x128xf32, #tpu.memory_space<hbm>> -> memref<1x10240x128xf32, #tpu.memory_space<hbm>>
      %dma_wait3A_313 = tpu.memref_squeeze %dma_wait3A_312 : memref<1x10240x128xf32, #tpu.memory_space<hbm>> -> memref<10240x128xf32, #tpu.memory_space<hbm>>
      %dma_wait3A_314 = arith.constant 0 : i32
      %dma_wait3A_315 = tpu.memref_slice %dma_wait3A_313[%add3A_258, %dma_wait3A_314] : memref<10240x128xf32, #tpu.memory_space<hbm>> -> memref<80x128xf32, #tpu.memory_space<hbm>>
      %dma_wait3A_316 = arith.constant 0 : i32
      %dma_wait3A_317 = arith.constant 0 : i32
      %dma_wait3A_318 = tpu.memref_slice %arg18[%run_scoped3A_260, %dma_wait3A_316, %dma_wait3A_317] : memref<4x80x128xf32, #tpu.memory_space<vmem>> -> memref<1x80x128xf32, #tpu.memory_space<vmem>>
      %dma_wait3A_319 = tpu.memref_squeeze %dma_wait3A_318 : memref<1x80x128xf32, #tpu.memory_space<vmem>> -> memref<80x128xf32, #tpu.memory_space<vmem>>
      tpu.wait_dma2 semaphore(%run_scoped3A_279 : memref<!tpu.dma_semaphore, #tpu.memory_space<semaphore_mem>>) src(%dma_wait3A_319 : memref<80x128xf32, #tpu.memory_space<vmem>>) dst(%dma_wait3A_315 : memref<80x128xf32, #tpu.memory_space<hbm>>)
      tpu.yield
    }) : () -> ()
    %mul3A_261 = arith.constant 640 : i32
    %mul3A_262 = arith.muli %arg1, %mul3A_261 : i32
    %add3A_263 = arith.constant 400 : i32
    %add3A_264 = arith.addi %mul3A_262, %add3A_263 : i32
    %run_scoped3A_265 = arith.constant 0 : i32
    "tpu.region"() ({
      %run_scoped3A_279 = tpu.sem_alloc : memref<!tpu.dma_semaphore, #tpu.memory_space<semaphore_mem>>
      %dma_start3A_280 = arith.constant 0 : i32
      %dma_start3A_281 = arith.constant 0 : i32
      %dma_start3A_282 = tpu.memref_slice %arg18[%run_scoped3A_265, %dma_start3A_280, %dma_start3A_281] : memref<4x80x128xf32, #tpu.memory_space<vmem>> -> memref<1x80x128xf32, #tpu.memory_space<vmem>>
      %dma_start3A_283 = tpu.memref_squeeze %dma_start3A_282 : memref<1x80x128xf32, #tpu.memory_space<vmem>> -> memref<80x128xf32, #tpu.memory_space<vmem>>
      %dma_start3A_284 = arith.constant 0 : i32
      %dma_start3A_285 = tpu.memref_slice %arg19[%add3A_264, %dma_start3A_284] : memref<10240x128xf32, #tpu.memory_space<vmem_shared>> -> memref<80x128xf32, #tpu.memory_space<vmem_shared>>
      %dma_start3A_286 = arith.constant 0 : i32
      %dma_start3A_287 = arith.constant 0 : i32
      %dma_start3A_288 = tpu.memref_slice %arg18[%run_scoped3A_265, %dma_start3A_286, %dma_start3A_287] : memref<4x80x128xf32, #tpu.memory_space<vmem>> -> memref<1x80x128xf32, #tpu.memory_space<vmem>>
      %dma_start3A_289 = tpu.memref_squeeze %dma_start3A_288 : memref<1x80x128xf32, #tpu.memory_space<vmem>> -> memref<80x128xf32, #tpu.memory_space<vmem>>
      %dma_start3A_290 = arith.constant 0 : i32
      %dma_start3A_291 = tpu.memref_slice %arg19[%add3A_264, %dma_start3A_290] : memref<10240x128xf32, #tpu.memory_space<vmem_shared>> -> memref<80x128xf32, #tpu.memory_space<vmem_shared>>
      tpu.enqueue_dma source(%dma_start3A_291 : memref<80x128xf32, #tpu.memory_space<vmem_shared>>) target(%dma_start3A_289 : memref<80x128xf32, #tpu.memory_space<vmem>>) target_semaphore(%run_scoped3A_279 : memref<!tpu.dma_semaphore, #tpu.memory_space<semaphore_mem>>)
      %dma_wait3A_292 = arith.constant 0 : i32
      %dma_wait3A_293 = arith.constant 0 : i32
      %dma_wait3A_294 = tpu.memref_slice %arg18[%run_scoped3A_265, %dma_wait3A_292, %dma_wait3A_293] : memref<4x80x128xf32, #tpu.memory_space<vmem>> -> memref<1x80x128xf32, #tpu.memory_space<vmem>>
      %dma_wait3A_295 = tpu.memref_squeeze %dma_wait3A_294 : memref<1x80x128xf32, #tpu.memory_space<vmem>> -> memref<80x128xf32, #tpu.memory_space<vmem>>
      %dma_wait3A_296 = arith.constant 0 : i32
      %dma_wait3A_297 = tpu.memref_slice %arg19[%add3A_264, %dma_wait3A_296] : memref<10240x128xf32, #tpu.memory_space<vmem_shared>> -> memref<80x128xf32, #tpu.memory_space<vmem_shared>>
      %dma_wait3A_298 = arith.constant 0 : i32
      %dma_wait3A_299 = arith.constant 0 : i32
      %dma_wait3A_300 = tpu.memref_slice %arg18[%run_scoped3A_265, %dma_wait3A_298, %dma_wait3A_299] : memref<4x80x128xf32, #tpu.memory_space<vmem>> -> memref<1x80x128xf32, #tpu.memory_space<vmem>>
      %dma_wait3A_301 = tpu.memref_squeeze %dma_wait3A_300 : memref<1x80x128xf32, #tpu.memory_space<vmem>> -> memref<80x128xf32, #tpu.memory_space<vmem>>
      %dma_wait3A_302 = arith.constant 0 : i32
      %dma_wait3A_303 = tpu.memref_slice %arg19[%add3A_264, %dma_wait3A_302] : memref<10240x128xf32, #tpu.memory_space<vmem_shared>> -> memref<80x128xf32, #tpu.memory_space<vmem_shared>>
      tpu.wait_dma2 semaphore(%run_scoped3A_279 : memref<!tpu.dma_semaphore, #tpu.memory_space<semaphore_mem>>) src(%dma_wait3A_303 : memref<80x128xf32, #tpu.memory_space<vmem_shared>>) dst(%dma_wait3A_301 : memref<80x128xf32, #tpu.memory_space<vmem>>)
      tpu.yield
    }) : () -> ()
    %run_scoped3A_266 = arith.constant 0 : i32
    "tpu.region"() ({
      %run_scoped3A_279 = tpu.sem_alloc : memref<!tpu.dma_semaphore, #tpu.memory_space<semaphore_mem>>
      %dma_start3A_280 = arith.constant 0 : i32
      %dma_start3A_281 = arith.constant 0 : i32
      %dma_start3A_282 = tpu.memref_slice %arg18[%run_scoped3A_266, %dma_start3A_280, %dma_start3A_281] : memref<4x80x128xf32, #tpu.memory_space<vmem>> -> memref<1x80x128xf32, #tpu.memory_space<vmem>>
      %dma_start3A_283 = tpu.memref_squeeze %dma_start3A_282 : memref<1x80x128xf32, #tpu.memory_space<vmem>> -> memref<80x128xf32, #tpu.memory_space<vmem>>
      %dma_start3A_284 = arith.constant 0 : i32
      %dma_start3A_285 = arith.constant 0 : i32
      %dma_start3A_286 = tpu.memref_slice %arg5[%arg0, %dma_start3A_284, %dma_start3A_285] : memref<2x10240x128xf32, #tpu.memory_space<hbm>> -> memref<1x10240x128xf32, #tpu.memory_space<hbm>>
      %dma_start3A_287 = tpu.memref_squeeze %dma_start3A_286 : memref<1x10240x128xf32, #tpu.memory_space<hbm>> -> memref<10240x128xf32, #tpu.memory_space<hbm>>
      %dma_start3A_288 = arith.constant 0 : i32
      %dma_start3A_289 = tpu.memref_slice %dma_start3A_287[%add3A_264, %dma_start3A_288] : memref<10240x128xf32, #tpu.memory_space<hbm>> -> memref<80x128xf32, #tpu.memory_space<hbm>>
      %dma_start3A_290 = arith.constant 0 : i32
      %dma_start3A_291 = arith.constant 0 : i32
      %dma_start3A_292 = tpu.memref_slice %arg5[%arg0, %dma_start3A_290, %dma_start3A_291] : memref<2x10240x128xf32, #tpu.memory_space<hbm>> -> memref<1x10240x128xf32, #tpu.memory_space<hbm>>
      %dma_start3A_293 = tpu.memref_squeeze %dma_start3A_292 : memref<1x10240x128xf32, #tpu.memory_space<hbm>> -> memref<10240x128xf32, #tpu.memory_space<hbm>>
      %dma_start3A_294 = arith.constant 0 : i32
      %dma_start3A_295 = tpu.memref_slice %dma_start3A_293[%add3A_264, %dma_start3A_294] : memref<10240x128xf32, #tpu.memory_space<hbm>> -> memref<80x128xf32, #tpu.memory_space<hbm>>
      %dma_start3A_296 = arith.constant 0 : i32
      %dma_start3A_297 = arith.constant 0 : i32
      %dma_start3A_298 = tpu.memref_slice %arg18[%run_scoped3A_266, %dma_start3A_296, %dma_start3A_297] : memref<4x80x128xf32, #tpu.memory_space<vmem>> -> memref<1x80x128xf32, #tpu.memory_space<vmem>>
      %dma_start3A_299 = tpu.memref_squeeze %dma_start3A_298 : memref<1x80x128xf32, #tpu.memory_space<vmem>> -> memref<80x128xf32, #tpu.memory_space<vmem>>
      tpu.enqueue_dma source(%dma_start3A_299 : memref<80x128xf32, #tpu.memory_space<vmem>>) target(%dma_start3A_295 : memref<80x128xf32, #tpu.memory_space<hbm>>) target_semaphore(%run_scoped3A_279 : memref<!tpu.dma_semaphore, #tpu.memory_space<semaphore_mem>>)
      %dma_wait3A_300 = arith.constant 0 : i32
      %dma_wait3A_301 = arith.constant 0 : i32
      %dma_wait3A_302 = tpu.memref_slice %arg18[%run_scoped3A_266, %dma_wait3A_300, %dma_wait3A_301] : memref<4x80x128xf32, #tpu.memory_space<vmem>> -> memref<1x80x128xf32, #tpu.memory_space<vmem>>
      %dma_wait3A_303 = tpu.memref_squeeze %dma_wait3A_302 : memref<1x80x128xf32, #tpu.memory_space<vmem>> -> memref<80x128xf32, #tpu.memory_space<vmem>>
      %dma_wait3A_304 = arith.constant 0 : i32
      %dma_wait3A_305 = arith.constant 0 : i32
      %dma_wait3A_306 = tpu.memref_slice %arg5[%arg0, %dma_wait3A_304, %dma_wait3A_305] : memref<2x10240x128xf32, #tpu.memory_space<hbm>> -> memref<1x10240x128xf32, #tpu.memory_space<hbm>>
      %dma_wait3A_307 = tpu.memref_squeeze %dma_wait3A_306 : memref<1x10240x128xf32, #tpu.memory_space<hbm>> -> memref<10240x128xf32, #tpu.memory_space<hbm>>
      %dma_wait3A_308 = arith.constant 0 : i32
      %dma_wait3A_309 = tpu.memref_slice %dma_wait3A_307[%add3A_264, %dma_wait3A_308] : memref<10240x128xf32, #tpu.memory_space<hbm>> -> memref<80x128xf32, #tpu.memory_space<hbm>>
      %dma_wait3A_310 = arith.constant 0 : i32
      %dma_wait3A_311 = arith.constant 0 : i32
      %dma_wait3A_312 = tpu.memref_slice %arg5[%arg0, %dma_wait3A_310, %dma_wait3A_311] : memref<2x10240x128xf32, #tpu.memory_space<hbm>> -> memref<1x10240x128xf32, #tpu.memory_space<hbm>>
      %dma_wait3A_313 = tpu.memref_squeeze %dma_wait3A_312 : memref<1x10240x128xf32, #tpu.memory_space<hbm>> -> memref<10240x128xf32, #tpu.memory_space<hbm>>
      %dma_wait3A_314 = arith.constant 0 : i32
      %dma_wait3A_315 = tpu.memref_slice %dma_wait3A_313[%add3A_264, %dma_wait3A_314] : memref<10240x128xf32, #tpu.memory_space<hbm>> -> memref<80x128xf32, #tpu.memory_space<hbm>>
      %dma_wait3A_316 = arith.constant 0 : i32
      %dma_wait3A_317 = arith.constant 0 : i32
      %dma_wait3A_318 = tpu.memref_slice %arg18[%run_scoped3A_266, %dma_wait3A_316, %dma_wait3A_317] : memref<4x80x128xf32, #tpu.memory_space<vmem>> -> memref<1x80x128xf32, #tpu.memory_space<vmem>>
      %dma_wait3A_319 = tpu.memref_squeeze %dma_wait3A_318 : memref<1x80x128xf32, #tpu.memory_space<vmem>> -> memref<80x128xf32, #tpu.memory_space<vmem>>
      tpu.wait_dma2 semaphore(%run_scoped3A_279 : memref<!tpu.dma_semaphore, #tpu.memory_space<semaphore_mem>>) src(%dma_wait3A_319 : memref<80x128xf32, #tpu.memory_space<vmem>>) dst(%dma_wait3A_315 : memref<80x128xf32, #tpu.memory_space<hbm>>)
      tpu.yield
    }) : () -> ()
    %mul3A_267 = arith.constant 640 : i32
    %mul3A_268 = arith.muli %arg1, %mul3A_267 : i32
    %add3A_269 = arith.constant 480 : i32
    %add3A_270 = arith.addi %mul3A_268, %add3A_269 : i32
    %run_scoped3A_271 = arith.constant 0 : i32
    "tpu.region"() ({
      %run_scoped3A_279 = tpu.sem_alloc : memref<!tpu.dma_semaphore, #tpu.memory_space<semaphore_mem>>
      %dma_start3A_280 = arith.constant 0 : i32
      %dma_start3A_281 = arith.constant 0 : i32
      %dma_start3A_282 = tpu.memref_slice %arg18[%run_scoped3A_271, %dma_start3A_280, %dma_start3A_281] : memref<4x80x128xf32, #tpu.memory_space<vmem>> -> memref<1x80x128xf32, #tpu.memory_space<vmem>>
      %dma_start3A_283 = tpu.memref_squeeze %dma_start3A_282 : memref<1x80x128xf32, #tpu.memory_space<vmem>> -> memref<80x128xf32, #tpu.memory_space<vmem>>
      %dma_start3A_284 = arith.constant 0 : i32
      %dma_start3A_285 = tpu.memref_slice %arg19[%add3A_270, %dma_start3A_284] : memref<10240x128xf32, #tpu.memory_space<vmem_shared>> -> memref<80x128xf32, #tpu.memory_space<vmem_shared>>
      %dma_start3A_286 = arith.constant 0 : i32
      %dma_start3A_287 = arith.constant 0 : i32
      %dma_start3A_288 = tpu.memref_slice %arg18[%run_scoped3A_271, %dma_start3A_286, %dma_start3A_287] : memref<4x80x128xf32, #tpu.memory_space<vmem>> -> memref<1x80x128xf32, #tpu.memory_space<vmem>>
      %dma_start3A_289 = tpu.memref_squeeze %dma_start3A_288 : memref<1x80x128xf32, #tpu.memory_space<vmem>> -> memref<80x128xf32, #tpu.memory_space<vmem>>
      %dma_start3A_290 = arith.constant 0 : i32
      %dma_start3A_291 = tpu.memref_slice %arg19[%add3A_270, %dma_start3A_290] : memref<10240x128xf32, #tpu.memory_space<vmem_shared>> -> memref<80x128xf32, #tpu.memory_space<vmem_shared>>
      tpu.enqueue_dma source(%dma_start3A_291 : memref<80x128xf32, #tpu.memory_space<vmem_shared>>) target(%dma_start3A_289 : memref<80x128xf32, #tpu.memory_space<vmem>>) target_semaphore(%run_scoped3A_279 : memref<!tpu.dma_semaphore, #tpu.memory_space<semaphore_mem>>)
      %dma_wait3A_292 = arith.constant 0 : i32
      %dma_wait3A_293 = arith.constant 0 : i32
      %dma_wait3A_294 = tpu.memref_slice %arg18[%run_scoped3A_271, %dma_wait3A_292, %dma_wait3A_293] : memref<4x80x128xf32, #tpu.memory_space<vmem>> -> memref<1x80x128xf32, #tpu.memory_space<vmem>>
      %dma_wait3A_295 = tpu.memref_squeeze %dma_wait3A_294 : memref<1x80x128xf32, #tpu.memory_space<vmem>> -> memref<80x128xf32, #tpu.memory_space<vmem>>
      %dma_wait3A_296 = arith.constant 0 : i32
      %dma_wait3A_297 = tpu.memref_slice %arg19[%add3A_270, %dma_wait3A_296] : memref<10240x128xf32, #tpu.memory_space<vmem_shared>> -> memref<80x128xf32, #tpu.memory_space<vmem_shared>>
      %dma_wait3A_298 = arith.constant 0 : i32
      %dma_wait3A_299 = arith.constant 0 : i32
      %dma_wait3A_300 = tpu.memref_slice %arg18[%run_scoped3A_271, %dma_wait3A_298, %dma_wait3A_299] : memref<4x80x128xf32, #tpu.memory_space<vmem>> -> memref<1x80x128xf32, #tpu.memory_space<vmem>>
      %dma_wait3A_301 = tpu.memref_squeeze %dma_wait3A_300 : memref<1x80x128xf32, #tpu.memory_space<vmem>> -> memref<80x128xf32, #tpu.memory_space<vmem>>
      %dma_wait3A_302 = arith.constant 0 : i32
      %dma_wait3A_303 = tpu.memref_slice %arg19[%add3A_270, %dma_wait3A_302] : memref<10240x128xf32, #tpu.memory_space<vmem_shared>> -> memref<80x128xf32, #tpu.memory_space<vmem_shared>>
      tpu.wait_dma2 semaphore(%run_scoped3A_279 : memref<!tpu.dma_semaphore, #tpu.memory_space<semaphore_mem>>) src(%dma_wait3A_303 : memref<80x128xf32, #tpu.memory_space<vmem_shared>>) dst(%dma_wait3A_301 : memref<80x128xf32, #tpu.memory_space<vmem>>)
      tpu.yield
    }) : () -> ()
    %run_scoped3A_272 = arith.constant 0 : i32
    "tpu.region"() ({
      %run_scoped3A_279 = tpu.sem_alloc : memref<!tpu.dma_semaphore, #tpu.memory_space<semaphore_mem>>
      %dma_start3A_280 = arith.constant 0 : i32
      %dma_start3A_281 = arith.constant 0 : i32
      %dma_start3A_282 = tpu.memref_slice %arg18[%run_scoped3A_272, %dma_start3A_280, %dma_start3A_281] : memref<4x80x128xf32, #tpu.memory_space<vmem>> -> memref<1x80x128xf32, #tpu.memory_space<vmem>>
      %dma_start3A_283 = tpu.memref_squeeze %dma_start3A_282 : memref<1x80x128xf32, #tpu.memory_space<vmem>> -> memref<80x128xf32, #tpu.memory_space<vmem>>
      %dma_start3A_284 = arith.constant 0 : i32
      %dma_start3A_285 = arith.constant 0 : i32
      %dma_start3A_286 = tpu.memref_slice %arg5[%arg0, %dma_start3A_284, %dma_start3A_285] : memref<2x10240x128xf32, #tpu.memory_space<hbm>> -> memref<1x10240x128xf32, #tpu.memory_space<hbm>>
      %dma_start3A_287 = tpu.memref_squeeze %dma_start3A_286 : memref<1x10240x128xf32, #tpu.memory_space<hbm>> -> memref<10240x128xf32, #tpu.memory_space<hbm>>
      %dma_start3A_288 = arith.constant 0 : i32
      %dma_start3A_289 = tpu.memref_slice %dma_start3A_287[%add3A_270, %dma_start3A_288] : memref<10240x128xf32, #tpu.memory_space<hbm>> -> memref<80x128xf32, #tpu.memory_space<hbm>>
      %dma_start3A_290 = arith.constant 0 : i32
      %dma_start3A_291 = arith.constant 0 : i32
      %dma_start3A_292 = tpu.memref_slice %arg5[%arg0, %dma_start3A_290, %dma_start3A_291] : memref<2x10240x128xf32, #tpu.memory_space<hbm>> -> memref<1x10240x128xf32, #tpu.memory_space<hbm>>
      %dma_start3A_293 = tpu.memref_squeeze %dma_start3A_292 : memref<1x10240x128xf32, #tpu.memory_space<hbm>> -> memref<10240x128xf32, #tpu.memory_space<hbm>>
      %dma_start3A_294 = arith.constant 0 : i32
      %dma_start3A_295 = tpu.memref_slice %dma_start3A_293[%add3A_270, %dma_start3A_294] : memref<10240x128xf32, #tpu.memory_space<hbm>> -> memref<80x128xf32, #tpu.memory_space<hbm>>
      %dma_start3A_296 = arith.constant 0 : i32
      %dma_start3A_297 = arith.constant 0 : i32
      %dma_start3A_298 = tpu.memref_slice %arg18[%run_scoped3A_272, %dma_start3A_296, %dma_start3A_297] : memref<4x80x128xf32, #tpu.memory_space<vmem>> -> memref<1x80x128xf32, #tpu.memory_space<vmem>>
      %dma_start3A_299 = tpu.memref_squeeze %dma_start3A_298 : memref<1x80x128xf32, #tpu.memory_space<vmem>> -> memref<80x128xf32, #tpu.memory_space<vmem>>
      tpu.enqueue_dma source(%dma_start3A_299 : memref<80x128xf32, #tpu.memory_space<vmem>>) target(%dma_start3A_295 : memref<80x128xf32, #tpu.memory_space<hbm>>) target_semaphore(%run_scoped3A_279 : memref<!tpu.dma_semaphore, #tpu.memory_space<semaphore_mem>>)
      %dma_wait3A_300 = arith.constant 0 : i32
      %dma_wait3A_301 = arith.constant 0 : i32
      %dma_wait3A_302 = tpu.memref_slice %arg18[%run_scoped3A_272, %dma_wait3A_300, %dma_wait3A_301] : memref<4x80x128xf32, #tpu.memory_space<vmem>> -> memref<1x80x128xf32, #tpu.memory_space<vmem>>
      %dma_wait3A_303 = tpu.memref_squeeze %dma_wait3A_302 : memref<1x80x128xf32, #tpu.memory_space<vmem>> -> memref<80x128xf32, #tpu.memory_space<vmem>>
      %dma_wait3A_304 = arith.constant 0 : i32
      %dma_wait3A_305 = arith.constant 0 : i32
      %dma_wait3A_306 = tpu.memref_slice %arg5[%arg0, %dma_wait3A_304, %dma_wait3A_305] : memref<2x10240x128xf32, #tpu.memory_space<hbm>> -> memref<1x10240x128xf32, #tpu.memory_space<hbm>>
      %dma_wait3A_307 = tpu.memref_squeeze %dma_wait3A_306 : memref<1x10240x128xf32, #tpu.memory_space<hbm>> -> memref<10240x128xf32, #tpu.memory_space<hbm>>
      %dma_wait3A_308 = arith.constant 0 : i32
      %dma_wait3A_309 = tpu.memref_slice %dma_wait3A_307[%add3A_270, %dma_wait3A_308] : memref<10240x128xf32, #tpu.memory_space<hbm>> -> memref<80x128xf32, #tpu.memory_space<hbm>>
      %dma_wait3A_310 = arith.constant 0 : i32
      %dma_wait3A_311 = arith.constant 0 : i32
      %dma_wait3A_312 = tpu.memref_slice %arg5[%arg0, %dma_wait3A_310, %dma_wait3A_311] : memref<2x10240x128xf32, #tpu.memory_space<hbm>> -> memref<1x10240x128xf32, #tpu.memory_space<hbm>>
      %dma_wait3A_313 = tpu.memref_squeeze %dma_wait3A_312 : memref<1x10240x128xf32, #tpu.memory_space<hbm>> -> memref<10240x128xf32, #tpu.memory_space<hbm>>
      %dma_wait3A_314 = arith.constant 0 : i32
      %dma_wait3A_315 = tpu.memref_slice %dma_wait3A_313[%add3A_270, %dma_wait3A_314] : memref<10240x128xf32, #tpu.memory_space<hbm>> -> memref<80x128xf32, #tpu.memory_space<hbm>>
      %dma_wait3A_316 = arith.constant 0 : i32
      %dma_wait3A_317 = arith.constant 0 : i32
      %dma_wait3A_318 = tpu.memref_slice %arg18[%run_scoped3A_272, %dma_wait3A_316, %dma_wait3A_317] : memref<4x80x128xf32, #tpu.memory_space<vmem>> -> memref<1x80x128xf32, #tpu.memory_space<vmem>>
      %dma_wait3A_319 = tpu.memref_squeeze %dma_wait3A_318 : memref<1x80x128xf32, #tpu.memory_space<vmem>> -> memref<80x128xf32, #tpu.memory_space<vmem>>
      tpu.wait_dma2 semaphore(%run_scoped3A_279 : memref<!tpu.dma_semaphore, #tpu.memory_space<semaphore_mem>>) src(%dma_wait3A_319 : memref<80x128xf32, #tpu.memory_space<vmem>>) dst(%dma_wait3A_315 : memref<80x128xf32, #tpu.memory_space<hbm>>)
      tpu.yield
    }) : () -> ()
    %mul3A_273 = arith.constant 640 : i32
    %mul3A_274 = arith.muli %arg1, %mul3A_273 : i32
    %add3A_275 = arith.constant 560 : i32
    %add3A_276 = arith.addi %mul3A_274, %add3A_275 : i32
    %run_scoped3A_277 = arith.constant 0 : i32
    "tpu.region"() ({
      %run_scoped3A_279 = tpu.sem_alloc : memref<!tpu.dma_semaphore, #tpu.memory_space<semaphore_mem>>
      %dma_start3A_280 = arith.constant 0 : i32
      %dma_start3A_281 = arith.constant 0 : i32
      %dma_start3A_282 = tpu.memref_slice %arg18[%run_scoped3A_277, %dma_start3A_280, %dma_start3A_281] : memref<4x80x128xf32, #tpu.memory_space<vmem>> -> memref<1x80x128xf32, #tpu.memory_space<vmem>>
      %dma_start3A_283 = tpu.memref_squeeze %dma_start3A_282 : memref<1x80x128xf32, #tpu.memory_space<vmem>> -> memref<80x128xf32, #tpu.memory_space<vmem>>
      %dma_start3A_284 = arith.constant 0 : i32
      %dma_start3A_285 = tpu.memref_slice %arg19[%add3A_276, %dma_start3A_284] : memref<10240x128xf32, #tpu.memory_space<vmem_shared>> -> memref<80x128xf32, #tpu.memory_space<vmem_shared>>
      %dma_start3A_286 = arith.constant 0 : i32
      %dma_start3A_287 = arith.constant 0 : i32
      %dma_start3A_288 = tpu.memref_slice %arg18[%run_scoped3A_277, %dma_start3A_286, %dma_start3A_287] : memref<4x80x128xf32, #tpu.memory_space<vmem>> -> memref<1x80x128xf32, #tpu.memory_space<vmem>>
      %dma_start3A_289 = tpu.memref_squeeze %dma_start3A_288 : memref<1x80x128xf32, #tpu.memory_space<vmem>> -> memref<80x128xf32, #tpu.memory_space<vmem>>
      %dma_start3A_290 = arith.constant 0 : i32
      %dma_start3A_291 = tpu.memref_slice %arg19[%add3A_276, %dma_start3A_290] : memref<10240x128xf32, #tpu.memory_space<vmem_shared>> -> memref<80x128xf32, #tpu.memory_space<vmem_shared>>
      tpu.enqueue_dma source(%dma_start3A_291 : memref<80x128xf32, #tpu.memory_space<vmem_shared>>) target(%dma_start3A_289 : memref<80x128xf32, #tpu.memory_space<vmem>>) target_semaphore(%run_scoped3A_279 : memref<!tpu.dma_semaphore, #tpu.memory_space<semaphore_mem>>)
      %dma_wait3A_292 = arith.constant 0 : i32
      %dma_wait3A_293 = arith.constant 0 : i32
      %dma_wait3A_294 = tpu.memref_slice %arg18[%run_scoped3A_277, %dma_wait3A_292, %dma_wait3A_293] : memref<4x80x128xf32, #tpu.memory_space<vmem>> -> memref<1x80x128xf32, #tpu.memory_space<vmem>>
      %dma_wait3A_295 = tpu.memref_squeeze %dma_wait3A_294 : memref<1x80x128xf32, #tpu.memory_space<vmem>> -> memref<80x128xf32, #tpu.memory_space<vmem>>
      %dma_wait3A_296 = arith.constant 0 : i32
      %dma_wait3A_297 = tpu.memref_slice %arg19[%add3A_276, %dma_wait3A_296] : memref<10240x128xf32, #tpu.memory_space<vmem_shared>> -> memref<80x128xf32, #tpu.memory_space<vmem_shared>>
      %dma_wait3A_298 = arith.constant 0 : i32
      %dma_wait3A_299 = arith.constant 0 : i32
      %dma_wait3A_300 = tpu.memref_slice %arg18[%run_scoped3A_277, %dma_wait3A_298, %dma_wait3A_299] : memref<4x80x128xf32, #tpu.memory_space<vmem>> -> memref<1x80x128xf32, #tpu.memory_space<vmem>>
      %dma_wait3A_301 = tpu.memref_squeeze %dma_wait3A_300 : memref<1x80x128xf32, #tpu.memory_space<vmem>> -> memref<80x128xf32, #tpu.memory_space<vmem>>
      %dma_wait3A_302 = arith.constant 0 : i32
      %dma_wait3A_303 = tpu.memref_slice %arg19[%add3A_276, %dma_wait3A_302] : memref<10240x128xf32, #tpu.memory_space<vmem_shared>> -> memref<80x128xf32, #tpu.memory_space<vmem_shared>>
      tpu.wait_dma2 semaphore(%run_scoped3A_279 : memref<!tpu.dma_semaphore, #tpu.memory_space<semaphore_mem>>) src(%dma_wait3A_303 : memref<80x128xf32, #tpu.memory_space<vmem_shared>>) dst(%dma_wait3A_301 : memref<80x128xf32, #tpu.memory_space<vmem>>)
      tpu.yield
    }) : () -> ()
    %run_scoped3A_278 = arith.constant 0 : i32
    "tpu.region"() ({
      %run_scoped3A_279 = tpu.sem_alloc : memref<!tpu.dma_semaphore, #tpu.memory_space<semaphore_mem>>
      %dma_start3A_280 = arith.constant 0 : i32
      %dma_start3A_281 = arith.constant 0 : i32
      %dma_start3A_282 = tpu.memref_slice %arg18[%run_scoped3A_278, %dma_start3A_280, %dma_start3A_281] : memref<4x80x128xf32, #tpu.memory_space<vmem>> -> memref<1x80x128xf32, #tpu.memory_space<vmem>>
      %dma_start3A_283 = tpu.memref_squeeze %dma_start3A_282 : memref<1x80x128xf32, #tpu.memory_space<vmem>> -> memref<80x128xf32, #tpu.memory_space<vmem>>
      %dma_start3A_284 = arith.constant 0 : i32
      %dma_start3A_285 = arith.constant 0 : i32
      %dma_start3A_286 = tpu.memref_slice %arg5[%arg0, %dma_start3A_284, %dma_start3A_285] : memref<2x10240x128xf32, #tpu.memory_space<hbm>> -> memref<1x10240x128xf32, #tpu.memory_space<hbm>>
      %dma_start3A_287 = tpu.memref_squeeze %dma_start3A_286 : memref<1x10240x128xf32, #tpu.memory_space<hbm>> -> memref<10240x128xf32, #tpu.memory_space<hbm>>
      %dma_start3A_288 = arith.constant 0 : i32
      %dma_start3A_289 = tpu.memref_slice %dma_start3A_287[%add3A_276, %dma_start3A_288] : memref<10240x128xf32, #tpu.memory_space<hbm>> -> memref<80x128xf32, #tpu.memory_space<hbm>>
      %dma_start3A_290 = arith.constant 0 : i32
      %dma_start3A_291 = arith.constant 0 : i32
      %dma_start3A_292 = tpu.memref_slice %arg5[%arg0, %dma_start3A_290, %dma_start3A_291] : memref<2x10240x128xf32, #tpu.memory_space<hbm>> -> memref<1x10240x128xf32, #tpu.memory_space<hbm>>
      %dma_start3A_293 = tpu.memref_squeeze %dma_start3A_292 : memref<1x10240x128xf32, #tpu.memory_space<hbm>> -> memref<10240x128xf32, #tpu.memory_space<hbm>>
      %dma_start3A_294 = arith.constant 0 : i32
      %dma_start3A_295 = tpu.memref_slice %dma_start3A_293[%add3A_276, %dma_start3A_294] : memref<10240x128xf32, #tpu.memory_space<hbm>> -> memref<80x128xf32, #tpu.memory_space<hbm>>
      %dma_start3A_296 = arith.constant 0 : i32
      %dma_start3A_297 = arith.constant 0 : i32
      %dma_start3A_298 = tpu.memref_slice %arg18[%run_scoped3A_278, %dma_start3A_296, %dma_start3A_297] : memref<4x80x128xf32, #tpu.memory_space<vmem>> -> memref<1x80x128xf32, #tpu.memory_space<vmem>>
      %dma_start3A_299 = tpu.memref_squeeze %dma_start3A_298 : memref<1x80x128xf32, #tpu.memory_space<vmem>> -> memref<80x128xf32, #tpu.memory_space<vmem>>
      tpu.enqueue_dma source(%dma_start3A_299 : memref<80x128xf32, #tpu.memory_space<vmem>>) target(%dma_start3A_295 : memref<80x128xf32, #tpu.memory_space<hbm>>) target_semaphore(%run_scoped3A_279 : memref<!tpu.dma_semaphore, #tpu.memory_space<semaphore_mem>>)
      %dma_wait3A_300 = arith.constant 0 : i32
      %dma_wait3A_301 = arith.constant 0 : i32
      %dma_wait3A_302 = tpu.memref_slice %arg18[%run_scoped3A_278, %dma_wait3A_300, %dma_wait3A_301] : memref<4x80x128xf32, #tpu.memory_space<vmem>> -> memref<1x80x128xf32, #tpu.memory_space<vmem>>
      %dma_wait3A_303 = tpu.memref_squeeze %dma_wait3A_302 : memref<1x80x128xf32, #tpu.memory_space<vmem>> -> memref<80x128xf32, #tpu.memory_space<vmem>>
      %dma_wait3A_304 = arith.constant 0 : i32
      %dma_wait3A_305 = arith.constant 0 : i32
      %dma_wait3A_306 = tpu.memref_slice %arg5[%arg0, %dma_wait3A_304, %dma_wait3A_305] : memref<2x10240x128xf32, #tpu.memory_space<hbm>> -> memref<1x10240x128xf32, #tpu.memory_space<hbm>>
      %dma_wait3A_307 = tpu.memref_squeeze %dma_wait3A_306 : memref<1x10240x128xf32, #tpu.memory_space<hbm>> -> memref<10240x128xf32, #tpu.memory_space<hbm>>
      %dma_wait3A_308 = arith.constant 0 : i32
      %dma_wait3A_309 = tpu.memref_slice %dma_wait3A_307[%add3A_276, %dma_wait3A_308] : memref<10240x128xf32, #tpu.memory_space<hbm>> -> memref<80x128xf32, #tpu.memory_space<hbm>>
      %dma_wait3A_310 = arith.constant 0 : i32
      %dma_wait3A_311 = arith.constant 0 : i32
      %dma_wait3A_312 = tpu.memref_slice %arg5[%arg0, %dma_wait3A_310, %dma_wait3A_311] : memref<2x10240x128xf32, #tpu.memory_space<hbm>> -> memref<1x10240x128xf32, #tpu.memory_space<hbm>>
      %dma_wait3A_313 = tpu.memref_squeeze %dma_wait3A_312 : memref<1x10240x128xf32, #tpu.memory_space<hbm>> -> memref<10240x128xf32, #tpu.memory_space<hbm>>
      %dma_wait3A_314 = arith.constant 0 : i32
      %dma_wait3A_315 = tpu.memref_slice %dma_wait3A_313[%add3A_276, %dma_wait3A_314] : memref<10240x128xf32, #tpu.memory_space<hbm>> -> memref<80x128xf32, #tpu.memory_space<hbm>>
      %dma_wait3A_316 = arith.constant 0 : i32
      %dma_wait3A_317 = arith.constant 0 : i32
      %dma_wait3A_318 = tpu.memref_slice %arg18[%run_scoped3A_278, %dma_wait3A_316, %dma_wait3A_317] : memref<4x80x128xf32, #tpu.memory_space<vmem>> -> memref<1x80x128xf32, #tpu.memory_space<vmem>>
      %dma_wait3A_319 = tpu.memref_squeeze %dma_wait3A_318 : memref<1x80x128xf32, #tpu.memory_space<vmem>> -> memref<80x128xf32, #tpu.memory_space<vmem>>
      tpu.wait_dma2 semaphore(%run_scoped3A_279 : memref<!tpu.dma_semaphore, #tpu.memory_space<semaphore_mem>>) src(%dma_wait3A_319 : memref<80x128xf32, #tpu.memory_space<vmem>>) dst(%dma_wait3A_315 : memref<80x128xf32, #tpu.memory_space<hbm>>)
      tpu.yield
    }) : () -> ()
    return
  }
}

module attributes {stable_mosaic.version = 14 : i64} {
  func.func @_mlp_body(%arg0: i32, %arg1: memref<2x1000x128xf32, #tpu.memory_space<vmem>>, %arg2: memref<256x1024xf32, #tpu.memory_space<vmem>>, %arg3: memref<1x1024xf32, #tpu.memory_space<vmem>>, %arg4: memref<1024x256xf32, #tpu.memory_space<vmem>>, %arg5: memref<1x256xf32, #tpu.memory_space<vmem>>, %arg6: memref<1000x256xf32, #tpu.memory_space<vmem>>) attributes {dimension_semantics = [#tpu.dimension_semantics<arbitrary>], iteration_bounds = array<i64: 10>, scalar_prefetch = 0 : i64, scratch_operands = 0 : i64, tpu.core_type = #tpu.core_type<tc>, window_params = [{transform_indices = @transform_0, window_bounds = array<i64: 2, 1000, 128>}, {pipeline_mode = #tpu.pipeline_mode<synchronous>, transform_indices = @transform_1, window_bounds = array<i64: 256, 1024>}, {pipeline_mode = #tpu.pipeline_mode<synchronous>, transform_indices = @transform_2, window_bounds = array<i64: 1, 1024>}, {pipeline_mode = #tpu.pipeline_mode<synchronous>, transform_indices = @transform_3, window_bounds = array<i64: 1024, 256>}, {pipeline_mode = #tpu.pipeline_mode<synchronous>, transform_indices = @transform_4, window_bounds = array<i64: 1, 256>}, {transform_indices = @transform_5, window_bounds = array<i64: 1000, 256>}]} {
    %get3A = arith.constant 0 : index
    %get3A_0 = arith.constant 0 : index
    %get3A_1 = arith.constant 0 : index
    %get3A_2 = vector.load %arg1[%get3A, %get3A_0, %get3A_1] : memref<2x1000x128xf32, #tpu.memory_space<vmem>>, vector<1x1000x128xf32>
    %get3A_3 = vector.shape_cast %get3A_2 : vector<1x1000x128xf32> to vector<1000x128xf32>
    %get3A_4 = arith.constant 0 : index
    %get3A_5 = arith.constant 0 : index
    %get3A_6 = vector.load %arg2[%get3A_4, %get3A_5] : memref<256x1024xf32, #tpu.memory_space<vmem>>, vector<128x1024xf32>
    %dot_general3A = arith.constant dense<0.000000e+00> : vector<1000x1024xf32>
    %dot_general3A_7 = tpu.matmul %get3A_3, %get3A_6, %dot_general3A {dimension_numbers = #tpu.dot_dimension_numbers<[1], [0], [0], [1], [0, 0, 1, 1], [], []>, transpose_lhs_hint = false} : vector<1000x128xf32>, vector<128x1024xf32>, vector<1000x1024xf32> -> vector<1000x1024xf32>
    %get3A_8 = arith.constant 1 : index
    %get3A_9 = arith.constant 0 : index
    %get3A_10 = arith.constant 0 : index
    %get3A_11 = vector.load %arg1[%get3A_8, %get3A_9, %get3A_10] : memref<2x1000x128xf32, #tpu.memory_space<vmem>>, vector<1x1000x128xf32>
    %get3A_12 = vector.shape_cast %get3A_11 : vector<1x1000x128xf32> to vector<1000x128xf32>
    %get3A_13 = arith.constant 128 : index
    %get3A_14 = arith.constant 0 : index
    %get3A_15 = vector.load %arg2[%get3A_13, %get3A_14] : memref<256x1024xf32, #tpu.memory_space<vmem>>, vector<128x1024xf32>
    %dot_general3A_16 = arith.constant dense<0.000000e+00> : vector<1000x1024xf32>
    %dot_general3A_17 = tpu.matmul %get3A_12, %get3A_15, %dot_general3A_16 {dimension_numbers = #tpu.dot_dimension_numbers<[1], [0], [0], [1], [0, 0, 1, 1], [], []>, transpose_lhs_hint = false} : vector<1000x128xf32>, vector<128x1024xf32>, vector<1000x1024xf32> -> vector<1000x1024xf32>
    %add3A = arith.addf %dot_general3A_7, %dot_general3A_17 : vector<1000x1024xf32>
    %get3A_18 = arith.constant 0 : index
    %get3A_19 = arith.constant 0 : index
    %get3A_20 = vector.load %arg3[%get3A_18, %get3A_19] : memref<1x1024xf32, #tpu.memory_space<vmem>>, vector<1x1024xf32>
    %add3A_21 = vector.broadcast %get3A_20 : vector<1x1024xf32> to vector<1000x1024xf32>
    %add3A_22 = arith.addf %add3A, %add3A_21 : vector<1000x1024xf32>
    %max3A = arith.constant 0.000000e+00 : f32
    %max3A_23 = vector.broadcast %max3A : f32 to vector<1000x1024xf32>
    %max3A_24 = arith.maximumf %add3A_22, %max3A_23 : vector<1000x1024xf32>
    %get3A_25 = arith.constant 0 : index
    %get3A_26 = arith.constant 0 : index
    %get3A_27 = vector.load %arg4[%get3A_25, %get3A_26] : memref<1024x256xf32, #tpu.memory_space<vmem>>, vector<1024x256xf32>
    %dot_general3A_28 = arith.constant dense<0.000000e+00> : vector<1000x256xf32>
    %dot_general3A_29 = tpu.matmul %max3A_24, %get3A_27, %dot_general3A_28 {dimension_numbers = #tpu.dot_dimension_numbers<[1], [0], [0], [1], [0, 0, 1, 1], [], []>, transpose_lhs_hint = false} : vector<1000x1024xf32>, vector<1024x256xf32>, vector<1000x256xf32> -> vector<1000x256xf32>
    %get3A_30 = arith.constant 0 : index
    %get3A_31 = arith.constant 0 : index
    %get3A_32 = vector.load %arg5[%get3A_30, %get3A_31] : memref<1x256xf32, #tpu.memory_space<vmem>>, vector<1x256xf32>
    %add3A_33 = vector.broadcast %get3A_32 : vector<1x256xf32> to vector<1000x256xf32>
    %add3A_34 = arith.addf %dot_general3A_29, %add3A_33 : vector<1000x256xf32>
    %swap3A = arith.constant 0 : index
    %swap3A_35 = arith.constant 0 : index
    %swap3A_36 = vector.load %arg6[%swap3A, %swap3A_35] : memref<1000x256xf32, #tpu.memory_space<vmem>>, vector<1000x256xf32>
    tpu.vector_store %arg6[%swap3A, %swap3A_35], %add3A_34 {strides = array<i32>} : memref<1000x256xf32, #tpu.memory_space<vmem>>, vector<1000x256xf32>,
    return
  }
  func.func @transform_0(%arg0: i32) -> (i32, i32, i32) {
    %c0_i32 = arith.constant 0 : i32
    %c0_i32_0 = arith.constant 0 : i32
    %c0_i32_1 = arith.constant 0 : i32
    return %c0_i32, %arg0, %c0_i32_0 : i32, i32, i32
  }
  func.func @transform_1(%arg0: i32) -> (i32, i32) {
    %c0_i32 = arith.constant 0 : i32
    %c0_i32_0 = arith.constant 0 : i32
    %c0_i32_1 = arith.constant 0 : i32
    return %c0_i32, %c0_i32_0 : i32, i32
  }
  func.func @transform_2(%arg0: i32) -> (i32, i32) {
    %c0_i32 = arith.constant 0 : i32
    %c0_i32_0 = arith.constant 0 : i32
    %c0_i32_1 = arith.constant 0 : i32
    return %c0_i32, %c0_i32_0 : i32, i32
  }
  func.func @transform_3(%arg0: i32) -> (i32, i32) {
    %c0_i32 = arith.constant 0 : i32
    %c0_i32_0 = arith.constant 0 : i32
    %c0_i32_1 = arith.constant 0 : i32
    return %c0_i32, %c0_i32_0 : i32, i32
  }
  func.func @transform_4(%arg0: i32) -> (i32, i32) {
    %c0_i32 = arith.constant 0 : i32
    %c0_i32_0 = arith.constant 0 : i32
    %c0_i32_1 = arith.constant 0 : i32
    return %c0_i32, %c0_i32_0 : i32, i32
  }
  func.func @transform_5(%arg0: i32) -> (i32, i32) {
    %c0_i32 = arith.constant 0 : i32
    %c0_i32_0 = arith.constant 0 : i32
    return %arg0, %c0_i32 : i32, i32
  }
}

</mosaic_0001>

<sc_bundles>
// kernel: kernel.4.cloned.1.call-start
scs
__scs_entry_jumppad:
0x0: {  	(pc) =	sbr.rel $0x88, $3  }
0x1: {  	(tag) =	ssettag $0x0;
	lr =	simm.s32 $0x1  }
0x2: {  	[smem:$0x3F9B] =	sst lr;
	_ =	strace $0xD0000000  }
0x3: {  	_ = 	snop  }
0x4: {  	_ = 	snop  }
0x5: {  	_ = 	snop  }
0x6: {  	_ = 	snop  }
0x7: {  	_ = 	snop  }
__scs_overlays_trampoline_lowered:
0x8: {  	[smem:$0x3FAA] =	sst s0  }
0x9: {  	[smem:$0x3FAB] =	sst s1  }
0xa: {  	[smem:$0x3FAC] =	sst s2  }
0xb: {  	[smem:$0x3FAD] =	sst s3  }
0xc: {  	[smem:$0x3FAE] =	sst s4  }
0xd: {  	[smem:$0x3FAF] =	sst s5  }
0xe: {  	[smem:$0x3FB0] =	sst s6  }
0xf: {  	[smem:$0x3FB1] =	sst s7  }
0x10: {  	[smem:$0x3FB2] =	sst s8  }
0x11: {  	[smem:$0x3FB3] =	sst s9;
	s0 =	simm.s32 @!p0 $0x0  }
0x12: {  	s1 =	sld [smem:$0x3F99];
	s0 =	simm.s32 @p0 $0x1  }
0x13: {  	[smem:$0x3FB4] =	sst s0;
	s0 =	simm.s32 @!p1 $0x0  }
0x14: {  	s2 =	sld [smem:$0x3F98];
	s0 =	simm.s32 @p1 $0x1  }
0x15: {  	[smem:$0x3FB5] =	sst s0;
	s0 =	simm.s32 @!p2 $0x0  }
0x16: {  	s3 =	sld [smem:$0x3FDB];
	s0 =	simm.s32 @p2 $0x1  }
0x17: {  	s4 =	simm.s32 $0x1BF5;
	[smem:$0x3FB7] =	sst s0  }
0x18: {  	s0 =	sld [smem:$0x3F9A];
	_ =	swait.ge [sflag:s4], $0x0  }
0x19: {  	s7 =	sld [smem:$0x3F9B]  }
0x1a: {  	s8 =	sadd.s32 $0xFFFFE003, lr  }
0x1b: {  	s9 =	sadd.s32 $0xFFFFFEF7, lr;
	s5 =	simm.s32 $0xFFFFFFFF;
	p2 =	slt.u32 s8, $0xFFFFF086  }
0x1c: {  	p1 =	slt.u32 s9, $0xF7A;
	s5 =	simm.s32 @!p2 $0x0  }
0x1d: {  	s5 =	simm.s32 @p1 $0x1;
	p0 =	seq.s32 s7, s2  }
0x1e: {  	s7 =	smul.u32 @!p0 $0xF7A, s2;
	p2 =	seq.s32 @!p0 s5, $0x0  }
0x1f: {  	s9 =	smul.u32 $0xF7A, s1;
	s8 =	simm.s32 @!p0 $0x1BF5;
	p2 =	por !p2, p0  }
0x20: {  	[sflag:s8] =	ssyncset.s32 @!p0 $0xFFFFF086;
	s6 =	sadd.s32 @!p0 s3, s7;
	s7 =	simm.s32 @!p0 $0x108  }
0x21: {  	s3 =	sadd.s32 s3, s9;
	s6 =	sadd.s32 @!p0 $0x88, s6;
	s7 =	simm.s32 @p2 $0x1082  }
0x22: {  	[simem:s7], [sflag:s8] =	dma.local @!p0 [hbm:s6], $0xF7A  }
0x23: {  	s9 =	sor.u32 $0xD0000000, s2;
	s6 =	simm.s32 $0x108;
	_ =	swait.ge @!p0 [sflag:s8], $0x0  }
0x24: {  	s3 =	sadd.s32 $0x88, s3;
	s6 =	simm.s32 @!p1 $0x1082;
	[sflag:s4] =	ssyncset.s32 $0xFFFFF086  }
0x25: {  	[simem:s6], [sflag:s4] =	dma.local [hbm:s3], $0xF7A  }
0x26: {  	[smem:$0x3F9B] =	sst s1;
	(tag) =	ssettag s2;
	_ =	strace s9  }
0x27: {  	s1 =	sld [smem:$0x3FAB]  }
0x28: {  	s2 =	sld [smem:$0x3FAC]  }
0x29: {  	s4 =	sld [smem:$0x3FAE]  }
0x2a: {  	p0 =	seq.s32 s5, $0x0;
	s5 =	sld [smem:$0x3FAF]  }
0x2b: {  	s6 =	sld [smem:$0x3FB0]  }
0x2c: {  	s7 =	sld [smem:$0x3FB1]  }
0x2d: {  	s3 =	simm.s32 $0x108;
	s8 =	sld [smem:$0x3FB2]  }
0x2e: {  	s3 =	simm.s32 @!p0 $0x1082;
	s9 =	sld [smem:$0x3FB3]  }
0x2f: {  	lr =	sadd.s32 s0, s3;
	s0 =	sld [smem:$0x3FAA]  }
0x30: {  	s3 =	sld [smem:$0x3FAD]  }
0x31: {  	[smem:$0x3FB6] =	sst s10  }
0x32: {  	s10 =	sld [smem:$0x3FB4];
	_ =	sdelay $0x3  }
0x33: {  	p0 =	seq.s32 s10, $0x1;
	s10 =	sld [smem:$0x3FB6];
	_ =	sdelay $0x3  }
0x34: {  	[smem:$0x3FB6] =	sst s10  }
0x35: {  	s10 =	sld [smem:$0x3FB5];
	_ =	sdelay $0x3  }
0x36: {  	p1 =	seq.s32 s10, $0x1;
	s10 =	sld [smem:$0x3FB6];
	_ =	sdelay $0x3  }
0x37: {  	[smem:$0x3FB6] =	sst s10  }
0x38: {  	s10 =	sld [smem:$0x3FB7]  }
0x39: {  	_ = 	snop;
	(pc) =	sbr.ind lr, $3  }
0x3a: {  	_ = 	snop  }
0x3b: {  	_ = 	snop  }
0x3c: {  	p2 =	seq.s32 s10, $0x1;
	s10 =	sld [smem:$0x3FB6]  }
0x3d: {  	_ =	shalt  }
0x3e: {  	_ =	shalt  }
0x3f: {  	_ =	shalt  }
0x40: {  	_ =	shalt  }
0x41: {  	_ =	shalt  }
0x42: {  	_ =	shalt  }
0x43: {  	_ =	shalt  }
0x44: {  	_ =	shalt  }
0x45: {  	_ =	shalt  }
0x46: {  	_ =	shalt  }
0x47: {  	_ =	shalt  }
0x48: {  	_ =	shalt  }
0x49: {  	_ =	shalt  }
0x4a: {  	_ =	shalt  }
0x4b: {  	_ =	shalt  }
0x4c: {  	_ =	shalt  }
0x4d: {  	_ =	shalt  }
0x4e: {  	_ =	shalt  }
0x4f: {  	_ =	shalt  }
0x50: {  	_ =	shalt  }
0x51: {  	_ =	shalt  }
0x52: {  	_ =	shalt  }
0x53: {  	_ =	shalt  }
0x54: {  	_ =	shalt  }
0x55: {  	_ =	shalt  }
0x56: {  	_ =	shalt  }
0x57: {  	_ =	shalt  }
0x58: {  	_ =	shalt  }
0x59: {  	_ =	shalt  }
0x5a: {  	_ =	shalt  }
0x5b: {  	_ =	shalt  }
0x5c: {  	_ =	shalt  }
0x5d: {  	_ =	shalt  }
0x5e: {  	_ =	shalt  }
0x5f: {  	_ =	shalt  }
0x60: {  	_ =	shalt  }
0x61: {  	_ =	shalt  }
0x62: {  	_ =	shalt  }
0x63: {  	_ =	shalt  }
0x64: {  	_ =	shalt  }
0x65: {  	_ =	shalt  }
0x66: {  	_ =	shalt  }
0x67: {  	_ =	shalt  }
0x68: {  	_ =	shalt  }
0x69: {  	_ =	shalt  }
0x6a: {  	_ =	shalt  }
0x6b: {  	_ =	shalt  }
0x6c: {  	_ =	shalt  }
0x6d: {  	_ =	shalt  }
0x6e: {  	_ =	shalt  }
0x6f: {  	_ =	shalt  }
0x70: {  	_ =	shalt  }
0x71: {  	_ =	shalt  }
0x72: {  	_ =	shalt  }
0x73: {  	_ =	shalt  }
0x74: {  	_ =	shalt  }
0x75: {  	_ =	shalt  }
0x76: {  	_ =	shalt  }
0x77: {  	_ =	shalt  }
0x78: {  	_ =	shalt  }
0x79: {  	_ =	shalt  }
0x7a: {  	_ =	shalt  }
0x7b: {  	_ =	shalt  }
0x7c: {  	_ =	shalt  }
0x7d: {  	_ =	shalt  }
0x7e: {  	_ =	shalt  }
0x7f: {  	_ =	shalt  }
0x80: {  	_ =	shalt  }
0x81: {  	_ =	shalt  }
0x82: {  	_ =	shalt  }
0x83: {  	_ =	shalt  }
0x84: {  	_ =	shalt  }
0x85: {  	_ =	shalt  }
0x86: {  	_ =	shalt  }
0x87: {  	_ =	shalt  }
.Lfunc_end0:
.L_simem_size_0:
called_computation_lowered:
.L_overlay_start_0:
0x88: {  	s2 =	sld [smem:$0x3FD9]  }
0x89: {  	s3 =	sld [smem:$0x3FFE];
	_ =	sdelay $0x1  }
0x8a: {  	s1 =	srdreg.scid  }
0x8b: {  	s0 =	sand.u32 $0x1, s1  }
0x8c: {  	s17 =	sshll.u32 s0, $0xA;
	s2 =	sadd.s32 s3, s2  }
0x8d: {  	s2 =	sadd.s32 s2, s17  }
0x8e: {  	[smem:$0x3FC2] =	sst s2  }
0x8f: {  	_ = 	snop  }
0x90: {  	s2 =	sld [smem:$0x3FD0];
	(tm) =	ssettm $0x1  }
0x91: {  	s18 =	sld [smem:$0x3FFB];
	_ =	sdelay $0x3  }
0x92: {  	_ =	strace s18  }
0x93: {  	s3 =	sld [smem:$0x3FFC];
	_ =	sdelay $0x3  }
0x94: {  	_ =	strace s3  }
0x95: {  	s3 =	sld [smem:$0x3FFD];
	_ =	sdelay $0x3  }
0x96: {  	_ =	strace s3  }
0x97: {  	_ =	strace $0x8FFFFFFF  }
0x98: {  	s19 =	sld [smem:$0x3FDB];
	_ =	sdelay $0x1  }
0x99: {  	s4 =	simm.s32 $_scs_section_size  }
0x9a: {  	s5 =	simm.s32 $_size__tile_overlayer_lowered;
	s6 =	simm.s32 $_tile_overlayer_lowered  }
0x9b: {  	s22 =	simm.s32 $0x1BFF;
	s21 =	sshll.u32 s6, $0x1;
	s3 =	sadd.s32 s4, s19  }
0x9c: {  	s7 =	simm.s32 $0x0;
	s20 =	sshll.u32 s5, $0x1;
	s5 =	sadd.s32 s21, s3  }
0x9d: {  	[timem:s7], [sflag:s22] =	dma.local [hbm:s5], s20  }
0x9e: {  	_ =	swait.ge [sflag:s22], s20  }
0x9f: {  	s4 =	ssub.s32 $0x0, s20;
	[sflag:s22] =	ssyncset.done $0x0  }
0xa0: {  	[sflag:s22] =	ssyncadd.s32 s4;
	_ =	sdelay $0x1  }
0xa1: {  	s23 =	simm.s32 $0x1B8B  }
0xa2: {  	_ =	swait.ge [sflag:s23], $0x1  }
0xa3: {  	[sflag:s23] =	ssyncset.done $0x0  }
0xa4: {  	s25 =	simm.s32 $0x1B8E;
	s24 =	sld [smem:$0x3FFE];
	[sflag:s23] =	ssyncadd.s32 $0xFFFFFFFF  }
0xa5: {  	s26 =	simm.s32 $execute0_lowered;
	[smem:$0x3FD2] =	sst s25  }
0xa6: {  	s5 =	sshll.u32 s26, $0x1;
	_ =	strace $0x80000046;
	[dreg:$0x1] =	wrdreg $0xFFFFFFFF  }
0xa7: {  	s28 =	simm.s32 $_size_execute0_lowered;
	s3 =	sadd.s32 s3, s5;
	[dreg:$0x0] =	wrdreg $0x0  }
0xa8: {  	s5 =	sshll.u32 s28, $0x1;
	[dreg:$0x2] =	wrdreg s3  }
0xa9: {  	[dreg:$0x3] =	wrdreg s5  }
0xaa: {  	[dreg:$0x4] =	wrdreg $0xC0  }
0xab: {  	_ =	task [dreg:s7], $0x5FFFF  }
0xac: {  	[dreg:$0x1] =	wrdreg $0xFFFFFFFF  }
0xad: {  	[dreg:$0x0] =	wrdreg $0x60  }
0xae: {  	[dreg:$0x2] =	wrdreg s2  }
0xaf: {  	[dreg:$0x3] =	wrdreg s24  }
0xb0: {  	[dreg:$0x4] =	wrdreg $0xA6000  }
0xb1: {  	[dreg:$0x5] =	wrdreg $0x9  }
0xb2: {  	_ =	task.clear_ibuf [dreg:s7], $0x6FFFF;
	_ =	strace $0x90000046  }
0xb3: {  	s29 =	simm.s32 $0x9;
	_ =	strace $0x80000048  }
0xb4: {  	_ =	swait.ge [sflag:s29], $0x1  }
0xb5: {  	[sflag:s29] =	ssyncadd.s32 $0xFFFFFFFF  }
0xb6: {  	_ =	strace $0x90000048  }
0xb7: {  	_ =	sfence  }
0xb8: {  	s30 =	sld [smem:$0x0];
	_ =	sdelay $0x2  }
0xb9: {  	s31 =	sshll.u32 s1, $0xD;
	s1 =	sshrl.u32 s1, $0x2  }
0xba: {  	s3 =	sand.u32 $0x4000, s31;
	s1 =	sadd.s32 s1, s30  }
0xbb: {  	s0 =	sor.u32 s3, s0;
	s1 =	sshll.u32 s1, $0x11  }
0xbc: {  	s0 =	sor.u32 s1, s0  }
0xbd: {  	s0 =	sadd.s32 $0x8F2B, s0  }
0xbe: {  	[sflag:s0] =	ssyncadd.remote.s32 $0x1  }
0xbf: {  	_ =	sfence.sel $0xFFFF  }
0xc0: {  	[dreg:$0x0] =	wrdreg $0xFFFFFFFF;
	(pc) =	sbr.abs _section_cstart, $3  }
0xc1: {  	[dreg:$0x1] =	wrdreg $0xFFFFFFFF  }
0xc2: {  	_ =	task.clear_ibuf [dreg:s7], $0x2FFFF;
	_ =	strace $0x9FFFFFFF  }
0xc3: {  	(tm) =	ssettm $0x7FFFFFFF  }
tec
execute0_lowered:
.L_overlay_start_1:
0x0: {  	(tag) =	ssettag $0x1  }
0x1: {  	s1 =	rddreg [dreg:$0x1];
	s0 =	simm.s32 $0x0;
	s18 =	stileid.u32  }
0x2: {  	s2 =	srdreg.scid;
	s28 =	simm.s32 $0x8;
	s6 =	smul.u32 $0x280, s18  }
0x3: {  	s30 =	simm.s32 $0xC;
	[smem:$0x7FF] =	sst s0;
	s8 =	smul.u32 $0x2710, s18  }
0x4: {  	s3 =	sand.u32 $0x1, s2;
	s4 =	sadd.s32 $0x5600, s1;
	s24 =	smul.u32 $0x4E2, s18  }
0x5: {  	s7 =	sadd.s32 $0x600, s1;
	s25 =	smul.u32 $0x2800, s18;
	s5 =	ssub.s32 $0x2, s3  }
0x6: {  	s2 =	smul.u32 $0x28000, s3;
	s16 =	sshrl.u32 s5, $0x1;
	s9 =	sadd.s32 $0xA0, s6  }
0x7: {  	s12 =	sadd.s32 $0xF0, s6;
	s13 =	sadd.s32 $0x140, s6;
	s14 =	sadd.s32 $0x190, s6  }
0x8: {  	s15 =	sadd.s32 $0x1E0, s6;
	s8 =	sshrl.u32 s8, $0x3;
	s1 =	sadd.s32 s2, s1  }
0x9: {  	s2 =	ssub.s32 s5, s16;
	s5 =	sor.u32 $0x50, s6;
	s6 =	sadd.s32 $0x230, s6  }
0xa: {  	s10 =	sadd.s32 s4, s8;
	s17 =	sadd.s32 $0xA, s8;
	s11 =	sadd.s32 s7, s8  }
0xb: {  	s20 =	sadd.s32 $0x14, s8;
	s8 =	sadd.s32 $0x1E, s8;
	[dreg:$0x4] =	wrdreg s10  }
0xc: {  	s26 =	sshll.u32 s12, $0x4;
	[dreg:$0x5] =	wrdreg s11;
	s19 =	sadd.s32 s4, s17  }
0xd: {  	s12 =	sshll.u32 s12, $0x7;
	s10 =	sadd.s32 s7, s17;
	[dreg:$0x6] =	wrdreg s19  }
0xe: {  	s21 =	sadd.s32 s4, s20;
	s22 =	sadd.s32 s7, s20;
	[dreg:$0x7] =	wrdreg s10  }
0xf: {  	s23 =	sadd.s32 s4, s8;
	s8 =	sadd.s32 s7, s8;
	[dreg:$0x8] =	wrdreg s21  }
0x10: {  	s1 =	sadd.s32 $0xA600, s1;
	s16 =	sshll.u32 s5, $0x4;
	[dreg:$0x9] =	wrdreg s22  }
0x11: {  	s17 =	sshll.u32 s9, $0x4;
	s11 =	sadd.s32 s24, s4;
	[dreg:$0xa] =	wrdreg s23  }
0x12: {  	s9 =	sshll.u32 s9, $0x7;
	[dreg:$0xb] =	wrdreg s8;
	s10 =	sadd.s32 s24, s7  }
0x13: {  	s8 =	sadd.s32 s25, s1;
	s19 =	sadd.s32 s16, s1;
	s20 =	sadd.s32 s17, s1  }
0x14: {  	s4 =	sadd.s32 s26, s1;
	s16 =	rddreg [dreg:$0x0];
	s21 =	sshll.u32 s13, $0x4  }
0x15: {  	s22 =	sshll.u32 s14, $0x4;
	s24 =	smul.u32 $0x50000, s18;
	[dreg:$0xc] =	wrdreg s8  }
0x16: {  	s25 =	sshll.u32 s15, $0x4;
	s26 =	sshll.u32 s6, $0x4;
	[dreg:$0xd] =	wrdreg s19  }
0x17: {  	s17 =	sshll.u32 s13, $0x7;
	s13 =	simm.s32 $0x2E00;
	[dreg:$0xe] =	wrdreg s20  }
0x18: {  	[dreg:$0xf] =	wrdreg s4;
	s4 =	sadd.s32 s21, s1;
	s23 =	sadd.s32 s22, s1  }
0x19: {  	s20 =	rddreg [dreg:$0x2];
	s7 =	sadd.s32 s25, s1;
	s1 =	sadd.s32 s26, s1  }
0x1a: {  	s8 =	sshll.u32 s5, $0x7;
	s19 =	sshll.u32 s14, $0x7;
	[dreg:$0x10] =	wrdreg s4  }
0x1b: {  	s21 =	sshll.u32 s15, $0x7;
	s26 =	smax.u32 s2, $0x1;
	[dreg:$0x11] =	wrdreg s23  }
0x1c: {  	s2 =	simm.s32 $0xD;
	s14 =	simm.s32 $0x5;
	[dreg:$0x12] =	wrdreg s7  }
0x1d: {  	s15 =	simm.s32 $0x400;
	[dreg:$0x13] =	wrdreg s1;
	s7 =	sshrl.u32 s24, $0x2  }
0x1e: {  	s25 =	sadd.s32 s8, s20;
	s29 =	sadd.s32 s9, s20;
	s31 =	sadd.s32 s12, s20  }
0x1f: {  	s18 =	sadd.s32 s17, s20;
	s1 =	sadd.s32 s19, s20;
	s23 =	sshll.u32 s6, $0x7  }
0x20: {  	s6 =	simm.s32 $0x1;
	_ =	strace $0x80000047;
	[dreg:$0x18] =	wrdreg s18  }
0x21: {  	s8 =	simm.s32 $0x180;
	s12 =	simm.s32 $0x2;
	[dreg:$0x19] =	wrdreg s1  }
0x22: {  	s17 =	simm.s32 $0x3;
	s19 =	simm.s32 $0x4;
	[dreg:$0x1c] =	wrdreg s26  }
0x23: {  	s4 =	simm.s32 $0x0;
	s22 =	sadd.s32 s7, s20;
	[dreg:$0x15] =	wrdreg s25  }
.Ltmp0:
0x24: {  	s1 =	sadd.s32 s21, s20;
	[dreg:$0x16] =	wrdreg s29;
	(pc) =	sbr.rel .LBB2_1-.Ltmp0, $4  }
0x25: {  	s24 =	sadd.s32 s23, s20;
	s7 =	simm.s32 $0x50;
	[dreg:$0x17] =	wrdreg s31  }
0x26: {  	s18 =	simm.s32 $0x5600;
	s21 =	simm.s32 $0x6;
	[dreg:$0x1a] =	wrdreg s1  }
0x27: {  	s23 =	simm.s32 $0x7E00;
	s26 =	simm.s32 $0x9;
	[dreg:$0x1b] =	wrdreg s24  }
0x28: {  	v1 =	vimm.f32 $0.0e+00;
	v0 =	vmov s3;
	s1 =	simm.s32 $0x600;
	s24 =	simm.s32 $0x7;
	[dreg:$0x14] =	wrdreg s22  }
.LBB2_6:
0x29: {  	_ =	swait.ge [sflag:s14], $0x2800  }
0x2a: {  	[sflag:s14] =	ssyncset.done $0x0  }
0x2b: {  	[sflag:s14] =	ssyncadd.s32 $0xFFFFD800  }
0x2c: {  	[spmem:s20] =	stream.indirect.scatter.add.f32 [tilespmem:s1], [sflag:$0x9], $0x80, s15, s7, $0xb8;
	[tilespmem:$0x1E600] =	vst v63  }
0x2d: {  	_ =	swait.ge [sflag:s26], $0x2800  }
0x2e: {  	[sflag:s26] =	ssyncset.done $0x0  }
0x2f: {  	s3 =	simm.s32 $0xA;
	[sflag:s26] =	ssyncadd.s32 $0xFFFFD800  }
0x30: {  	_ =	swait.ge [sflag:s3], $0x2800  }
0x31: {  	[sflag:s3] =	ssyncset.done $0x0  }
0x32: {  	s22 =	simm.s32 $0xB;
	[sflag:s3] =	ssyncadd.s32 $0xFFFFD800  }
0x33: {  	_ =	swait.ge [sflag:s22], $0x2800  }
0x34: {  	[sflag:s22] =	ssyncset.done $0x0  }
0x35: {  	[sflag:s22] =	ssyncadd.s32 $0xFFFFD800  }
0x36: {  	_ =	swait.ge [sflag:s30], $0x2800  }
0x37: {  	[sflag:s30] =	ssyncset.done $0x0  }
0x38: {  	[sflag:s30] =	ssyncadd.s32 $0xFFFFD800  }
0x39: {  	[bflag:$0x0] =	sbarrier.arrive $0xFFFF  }
0x3a: {  	s22 =	rddreg [dreg:$0x14]  }
0x3b: {  	[tilespmem:s1], [sflag:$0xD] =	stream.linear.gather [spmem:s22], $0x2800, $0x38;
	[tilespmem:$0x1E600] =	vst v63  }
0x3c: {  	_ =	swait.ge [sflag:s2], $0x2800  }
0x3d: {  	[sflag:s2] =	ssyncset.done $0x0  }
0x3e: {  	s25 =	rddreg [dreg:$0xc];
	[sflag:s2] =	ssyncadd.s32 $0xFFFFD800  }
0x3f: {  	[hbm4b:s25+s0] =	stream.linear.scatter [tilespmem:s1], [sflag:$0xD], $0x2800, $0x38;
	[tilespmem:$0x1E600] =	vst v63  }
0x40: {  	_ =	swait.ge [sflag:s2], $0x2800  }
0x41: {  	[sflag:s2] =	ssyncset.done $0x0  }
0x42: {  	s25 =	rddreg [dreg:$0x15];
	[sflag:s2] =	ssyncadd.s32 $0xFFFFD800  }
0x43: {  	[tilespmem:s1], [sflag:$0xD] =	stream.linear.gather [spmem:s25], $0x2800, $0x38;
	[tilespmem:$0x1E600] =	vst v63  }
0x44: {  	_ =	swait.ge [sflag:s2], $0x2800  }
0x45: {  	[sflag:s2] =	ssyncset.done $0x0  }
0x46: {  	s4 =	rddreg [dreg:$0xd];
	[sflag:s2] =	ssyncadd.s32 $0xFFFFD800  }
0x47: {  	[hbm4b:s4+s0] =	stream.linear.scatter [tilespmem:s1], [sflag:$0xD], $0x2800, $0x38;
	[tilespmem:$0x1E600] =	vst v63  }
0x48: {  	_ =	swait.ge [sflag:s2], $0x2800  }
0x49: {  	[sflag:s2] =	ssyncset.done $0x0  }
0x4a: {  	s29 =	rddreg [dreg:$0x16];
	[sflag:s2] =	ssyncadd.s32 $0xFFFFD800  }
0x4b: {  	[tilespmem:s1], [sflag:$0xD] =	stream.linear.gather [spmem:s29], $0x2800, $0x38;
	[tilespmem:$0x1E600] =	vst v63  }
0x4c: {  	_ =	swait.ge [sflag:s2], $0x2800  }
0x4d: {  	[sflag:s2] =	ssyncset.done $0x0  }
0x4e: {  	s5 =	rddreg [dreg:$0xe];
	[sflag:s2] =	ssyncadd.s32 $0xFFFFD800  }
0x4f: {  	[hbm4b:s5+s0] =	stream.linear.scatter [tilespmem:s1], [sflag:$0xD], $0x2800, $0x38;
	[tilespmem:$0x1E600] =	vst v63  }
0x50: {  	_ =	swait.ge [sflag:s2], $0x2800  }
0x51: {  	[sflag:s2] =	ssyncset.done $0x0  }
0x52: {  	s31 =	rddreg [dreg:$0x17];
	[sflag:s2] =	ssyncadd.s32 $0xFFFFD800  }
0x53: {  	[tilespmem:s1], [sflag:$0xD] =	stream.linear.gather [spmem:s31], $0x2800, $0x38;
	[tilespmem:$0x1E600] =	vst v63  }
0x54: {  	_ =	swait.ge [sflag:s2], $0x2800  }
0x55: {  	[sflag:s2] =	ssyncset.done $0x0  }
0x56: {  	s9 =	rddreg [dreg:$0xf];
	[sflag:s2] =	ssyncadd.s32 $0xFFFFD800  }
0x57: {  	[hbm4b:s9+s0] =	stream.linear.scatter [tilespmem:s1], [sflag:$0xD], $0x2800, $0x38;
	[tilespmem:$0x1E600] =	vst v63  }
0x58: {  	_ =	swait.ge [sflag:s2], $0x2800  }
0x59: {  	[sflag:s2] =	ssyncset.done $0x0  }
0x5a: {  	s4 =	rddreg [dreg:$0x18];
	[sflag:s2] =	ssyncadd.s32 $0xFFFFD800  }
0x5b: {  	[tilespmem:s1], [sflag:$0xD] =	stream.linear.gather [spmem:s4], $0x2800, $0x38;
	[tilespmem:$0x1E600] =	vst v63  }
0x5c: {  	_ =	swait.ge [sflag:s2], $0x2800  }
0x5d: {  	[sflag:s2] =	ssyncset.done $0x0  }
0x5e: {  	s5 =	rddreg [dreg:$0x10];
	[sflag:s2] =	ssyncadd.s32 $0xFFFFD800  }
0x5f: {  	[hbm4b:s5+s0] =	stream.linear.scatter [tilespmem:s1], [sflag:$0xD], $0x2800, $0x38;
	[tilespmem:$0x1E600] =	vst v63  }
0x60: {  	_ =	swait.ge [sflag:s2], $0x2800  }
0x61: {  	[sflag:s2] =	ssyncset.done $0x0  }
0x62: {  	s9 =	rddreg [dreg:$0x19];
	[sflag:s2] =	ssyncadd.s32 $0xFFFFD800  }
0x63: {  	[tilespmem:s1], [sflag:$0xD] =	stream.linear.gather [spmem:s9], $0x2800, $0x38;
	[tilespmem:$0x1E600] =	vst v63  }
0x64: {  	_ =	swait.ge [sflag:s2], $0x2800  }
0x65: {  	[sflag:s2] =	ssyncset.done $0x0  }
0x66: {  	s4 =	rddreg [dreg:$0x11];
	[sflag:s2] =	ssyncadd.s32 $0xFFFFD800  }
0x67: {  	[hbm4b:s4+s0] =	stream.linear.scatter [tilespmem:s1], [sflag:$0xD], $0x2800, $0x38;
	[tilespmem:$0x1E600] =	vst v63  }
0x68: {  	_ =	swait.ge [sflag:s2], $0x2800  }
0x69: {  	[sflag:s2] =	ssyncset.done $0x0  }
0x6a: {  	s5 =	rddreg [dreg:$0x1a];
	[sflag:s2] =	ssyncadd.s32 $0xFFFFD800  }
0x6b: {  	[tilespmem:s1], [sflag:$0xD] =	stream.linear.gather [spmem:s5], $0x2800, $0x38;
	[tilespmem:$0x1E600] =	vst v63  }
0x6c: {  	_ =	swait.ge [sflag:s2], $0x2800  }
0x6d: {  	[sflag:s2] =	ssyncset.done $0x0  }
0x6e: {  	s9 =	rddreg [dreg:$0x12];
	[sflag:s2] =	ssyncadd.s32 $0xFFFFD800  }
0x6f: {  	[hbm4b:s9+s0] =	stream.linear.scatter [tilespmem:s1], [sflag:$0xD], $0x2800, $0x38;
	[tilespmem:$0x1E600] =	vst v63  }
0x70: {  	_ =	swait.ge [sflag:s2], $0x2800  }
0x71: {  	[sflag:s2] =	ssyncset.done $0x0  }
0x72: {  	s4 =	rddreg [dreg:$0x1b];
	[sflag:s2] =	ssyncadd.s32 $0xFFFFD800  }
0x73: {  	[tilespmem:s1], [sflag:$0xD] =	stream.linear.gather [spmem:s4], $0x2800, $0x38;
	[tilespmem:$0x1E600] =	vst v63  }
0x74: {  	_ =	swait.ge [sflag:s2], $0x2800  }
0x75: {  	[sflag:s2] =	ssyncset.done $0x0  }
0x76: {  	s5 =	rddreg [dreg:$0x13];
	[sflag:s2] =	ssyncadd.s32 $0xFFFFD800  }
0x77: {  	[hbm4b:s5+s0] =	stream.linear.scatter [tilespmem:s1], [sflag:$0xD], $0x2800, $0x38;
	[tilespmem:$0x1E600] =	vst v63  }
0x78: {  	_ =	swait.ge [sflag:s2], $0x2800  }
0x79: {  	s4 =	rddreg [dreg:$0x1d]  }
0x7a: {  	s9 =	rddreg [dreg:$0x1c];
	s4 =	sadd.s32 $0x1, s4  }
0x7b: {  	p0 =	sne.s32 s4, s9  }
.Ltmp1:
0x7c: {  	_ = 	snop;
	(pc) =	sbr.rel @!p0 .LBB2_7-.Ltmp1, $3  }
0x7d: {  	_ =	sdelay $0x1  }
0x7e: {  	[sflag:s2] =	ssyncset.done $0x0  }
0x7f: {  	[sflag:s2] =	ssyncadd.s32 $0xFFFFD800  }
.LBB2_1:
0x80: {  	s3 =	sand.u32 $0xFE00, s0  }
0x81: {  	[dreg:$0x1d] =	wrdreg s4;
	s9 =	sand.u32 $0x70, s0;
	s5 =	sshrl.u32 s3, $0x2  }
0x82: {  	s4 =	simm.s32 $0x0;
	s3 =	simm.s32 $0x40;
	s5 =	sor.u32 s9, s5  }
.LBB2_2:
0x83: {  	p0 =	sne.s32 s3, $0x9FC0  }
0x84: {  	[tilespmem:s5+$0x600] =	vst v1;
	s4 =	sadd.s32 $0x10, s4;
	s5 =	smov.u32 s3;
	s3 =	sadd.s32 $0x40, s3  }
.Ltmp2:
0x85: {  	(pc) =	sbr.rel @p0 .LBB2_2-.Ltmp2, $4  }
0x86: {  	_ = 	snop  }
0x87: {  	s5 =	sand.u32 $0xFE00, s5  }
0x88: {  	s9 =	sand.u32 $0x70, s4;
	s5 =	sshrl.u32 s5, $0x2  }
0x89: {  	s5 =	sor.u32 s9, s5  }
0x8a: {  	[tilespmem:s5+$0x600] =	vst v1  }
0x8b: {  	[spmem:s22] =	stream.linear.scatter [tilespmem:s1], [sflag:$0xD], $0x2800, $0x38;
	[tilespmem:$0x1E600] =	vst v63  }
0x8c: {  	_ =	swait.ge [sflag:s2], $0x2800  }
0x8d: {  	[sflag:s2] =	ssyncset.done $0x0  }
0x8e: {  	[sflag:s2] =	ssyncadd.s32 $0xFFFFD800  }
0x8f: {  	[spmem:s25] =	stream.linear.scatter [tilespmem:s1], [sflag:$0xD], $0x2800, $0x38;
	[tilespmem:$0x1E600] =	vst v63  }
0x90: {  	_ =	swait.ge [sflag:s2], $0x2800  }
0x91: {  	[sflag:s2] =	ssyncset.done $0x0  }
0x92: {  	[sflag:s2] =	ssyncadd.s32 $0xFFFFD800  }
0x93: {  	[spmem:s29] =	stream.linear.scatter [tilespmem:s1], [sflag:$0xD], $0x2800, $0x38;
	[tilespmem:$0x1E600] =	vst v63  }
0x94: {  	_ =	swait.ge [sflag:s2], $0x2800  }
0x95: {  	[sflag:s2] =	ssyncset.done $0x0  }
0x96: {  	[sflag:s2] =	ssyncadd.s32 $0xFFFFD800  }
0x97: {  	[spmem:s31] =	stream.linear.scatter [tilespmem:s1], [sflag:$0xD], $0x2800, $0x38;
	[tilespmem:$0x1E600] =	vst v63  }
0x98: {  	_ =	swait.ge [sflag:s2], $0x2800  }
0x99: {  	[sflag:s2] =	ssyncset.done $0x0  }
0x9a: {  	s3 =	rddreg [dreg:$0x18];
	[sflag:s2] =	ssyncadd.s32 $0xFFFFD800  }
0x9b: {  	[spmem:s3] =	stream.linear.scatter [tilespmem:s1], [sflag:$0xD], $0x2800, $0x38;
	[tilespmem:$0x1E600] =	vst v63  }
0x9c: {  	_ =	swait.ge [sflag:s2], $0x2800  }
0x9d: {  	[sflag:s2] =	ssyncset.done $0x0  }
0x9e: {  	s5 =	rddreg [dreg:$0x19];
	[sflag:s2] =	ssyncadd.s32 $0xFFFFD800  }
0x9f: {  	[spmem:s5] =	stream.linear.scatter [tilespmem:s1], [sflag:$0xD], $0x2800, $0x38;
	[tilespmem:$0x1E600] =	vst v63  }
0xa0: {  	_ =	swait.ge [sflag:s2], $0x2800  }
0xa1: {  	[sflag:s2] =	ssyncset.done $0x0  }
0xa2: {  	s9 =	rddreg [dreg:$0x1a];
	[sflag:s2] =	ssyncadd.s32 $0xFFFFD800  }
0xa3: {  	[spmem:s9] =	stream.linear.scatter [tilespmem:s1], [sflag:$0xD], $0x2800, $0x38;
	[tilespmem:$0x1E600] =	vst v63  }
0xa4: {  	_ =	swait.ge [sflag:s2], $0x2800  }
0xa5: {  	[sflag:s2] =	ssyncset.done $0x0  }
0xa6: {  	s22 =	rddreg [dreg:$0x1b];
	[sflag:s2] =	ssyncadd.s32 $0xFFFFD800  }
0xa7: {  	[spmem:s22] =	stream.linear.scatter [tilespmem:s1], [sflag:$0xD], $0x2800, $0x38;
	[tilespmem:$0x1E600] =	vst v63  }
0xa8: {  	_ =	swait.ge [sflag:s2], $0x2800  }
0xa9: {  	[sflag:s2] =	ssyncset.done $0x0  }
0xaa: {  	[sflag:s2] =	ssyncadd.s32 $0xFFFFD800  }
0xab: {  	[bflag:$0x0] =	sbarrier.arrive $0xFFFF  }
0xac: {  	s31 =	simm.s32 $0x0;
	s25 =	rddreg [dreg:$0x4]  }
0xad: {  	[tilespmem:s31], [sflag:$0x1] =	stream.linear.gather [hbm4b:s25+s31], $0x50, $0x38;
	[tilespmem:$0x1E600] =	vst v63  }
0xae: {  	s4 =	simm.s32 $0x200;
	s29 =	rddreg [dreg:$0x5]  }
0xaf: {  	[tilespmem:s4], [sflag:$0x1] =	stream.linear.gather [hbm4b:s29+s31], $0x50, $0x38;
	[tilespmem:$0x1E600] =	vst v63  }
0xb0: {  	s5 =	simm.s32 $0x80;
	s4 =	rddreg [dreg:$0x6]  }
0xb1: {  	[tilespmem:s5], [sflag:$0x2] =	stream.linear.gather [hbm4b:s4+s31], $0x50, $0x38;
	[tilespmem:$0x1E600] =	vst v63  }
0xb2: {  	s22 =	simm.s32 $0x280;
	s9 =	rddreg [dreg:$0x7]  }
0xb3: {  	[tilespmem:s22], [sflag:$0x2] =	stream.linear.gather [hbm4b:s9+s31], $0x50, $0x38;
	[tilespmem:$0x1E600] =	vst v63  }
0xb4: {  	s25 =	rddreg [dreg:$0x8];
	s29 =	simm.s32 $0x100  }
0xb5: {  	[tilespmem:s29], [sflag:$0x3] =	stream.linear.gather [hbm4b:s25+s31], $0x50, $0x38;
	[tilespmem:$0x1E600] =	vst v63  }
0xb6: {  	s5 =	rddreg [dreg:$0x9];
	s9 =	simm.s32 $0x300  }
0xb7: {  	[tilespmem:s9], [sflag:$0x3] =	stream.linear.gather [hbm4b:s5+s31], $0x50, $0x38;
	[tilespmem:$0x1E600] =	vst v63  }
0xb8: {  	_ =	swait.ge [sflag:s6], $0x50  }
0xb9: {  	[sflag:s6] =	ssyncset.done $0x0  }
0xba: {  	[sflag:s6] =	ssyncadd.s32 $0xFFFFFFB0  }
0xbb: {  	_ =	swait.ge [sflag:s6], $0x50  }
0xbc: {  	[sflag:s6] =	ssyncset.done $0x0  }
0xbd: {  	[sflag:s6] =	ssyncadd.s32 $0xFFFFFFB0  }
0xbe: {  	v2 =	vld [tilespmem:$0x0]  }
0xbf: {  	v3 =	vld [tilespmem:$0x200]  }
0xc0: {  	v4 =	vld [tilespmem:$0x10]  }
0xc1: {  	v5 =	vld [tilespmem:$0x210]  }
0xc2: {  	v6 =	vld [tilespmem:$0x20]  }
0xc3: {  	v7 =	vld [tilespmem:$0x220];
	v2 =	vshll.u32 v2, $0x1  }
0xc4: {  	[tilespmem:$0x400] =	vst v3;
	v3 =	vld [tilespmem:$0x30];
	v2 =	vor.u32 v0, v2  }
0xc5: {  	v61 =	vld [tilespmem:$0x230];
	[tilespmem:$0x0] =	vst v2;
	v2 =	vshll.u32 v4, $0x1  }
0xc6: {  	v62 =	vld [tilespmem:$0x40];
	[tilespmem:$0x410] =	vst v5;
	v2 =	vor.u32 v0, v2  }
0xc7: {  	v63 =	vld [tilespmem:$0x240];
	[tilespmem:$0x10] =	vst v2;
	v2 =	vshll.u32 v6, $0x1  }
0xc8: {  	[tilespmem:$0x420] =	vst v7;
	v2 =	vor.u32 v0, v2  }
0xc9: {  	[tilespmem:$0x20] =	vst v2;
	v2 =	vshll.u32 v3, $0x1  }
0xca: {  	[tilespmem:$0x430] =	vst v61;
	v2 =	vor.u32 v0, v2  }
0xcb: {  	[tilespmem:$0x30] =	vst v2;
	v2 =	vshll.u32 v62, $0x1  }
0xcc: {  	[tilespmem:$0x440] =	vst v63;
	v2 =	vor.u32 v0, v2  }
0xcd: {  	[tilespmem:$0x40] =	vst v2  }
0xce: {  	[tilespmem:s1], [sflag:$0x5] =	stream.indirect.gather [hbm4b:s16+s7], $0x80, s31, s7, $0xb8;
	[tilespmem:$0x1E600] =	vst v63  }
0xcf: {  	s22 =	rddreg [dreg:$0xa]  }
0xd0: {  	[tilespmem:s8], [sflag:$0x4] =	stream.linear.gather [hbm4b:s22+s31], $0x50, $0x38;
	[tilespmem:$0x1E600] =	vst v63  }
0xd1: {  	s29 =	simm.s32 $0x380;
	s25 =	rddreg [dreg:$0xb]  }
0xd2: {  	[tilespmem:s29], [sflag:$0x4] =	stream.linear.gather [hbm4b:s25+s31], $0x50, $0x38;
	[tilespmem:$0x1E600] =	vst v63  }
.LBB2_4:
0xd3: {  	p0 =	seq.s32 s31, $0x0  }
0xd4: {  	s3 =	simm.s32 @!p0 $0xA  }
0xd5: {  	_ =	swait.ge @!p0 [sflag:s3], $0x2800  }
0xd6: {  	[sflag:s3] =	ssyncset.done @!p0 $0x0  }
0xd7: {  	[sflag:s3] =	ssyncadd.s32 @!p0 $0xFFFFD800  }
0xd8: {  	_ =	swait.ge [sflag:s12], $0x50  }
0xd9: {  	[sflag:s12] =	ssyncset.done $0x0  }
0xda: {  	[sflag:s12] =	ssyncadd.s32 $0xFFFFFFB0  }
0xdb: {  	_ =	swait.ge [sflag:s12], $0x50  }
0xdc: {  	[sflag:s12] =	ssyncset.done $0x0  }
0xdd: {  	[sflag:s12] =	ssyncadd.s32 $0xFFFFFFB0  }
0xde: {  	v2 =	vld [tilespmem:$0x80]  }
0xdf: {  	v3 =	vld [tilespmem:$0x280]  }
0xe0: {  	v4 =	vld [tilespmem:$0x90]  }
0xe1: {  	v5 =	vld [tilespmem:$0x290]  }
0xe2: {  	v6 =	vld [tilespmem:$0xA0]  }
0xe3: {  	v7 =	vld [tilespmem:$0x2A0];
	v2 =	vshll.u32 v2, $0x1  }
0xe4: {  	[tilespmem:$0x480] =	vst v3;
	v3 =	vld [tilespmem:$0xB0];
	v2 =	vor.u32 v0, v2  }
0xe5: {  	v40 =	vld [tilespmem:$0x2B0];
	[tilespmem:$0x80] =	vst v2;
	v2 =	vshll.u32 v4, $0x1  }
0xe6: {  	v41 =	vld [tilespmem:$0xC0];
	[tilespmem:$0x490] =	vst v5;
	v2 =	vor.u32 v0, v2  }
0xe7: {  	v42 =	vld [tilespmem:$0x2C0];
	[tilespmem:$0x90] =	vst v2;
	v2 =	vshll.u32 v6, $0x1  }
0xe8: {  	[tilespmem:$0x4A0] =	vst v7;
	v2 =	vor.u32 v0, v2  }
0xe9: {  	[tilespmem:$0xA0] =	vst v2;
	v2 =	vshll.u32 v3, $0x1  }
0xea: {  	[tilespmem:$0x4B0] =	vst v40;
	v2 =	vor.u32 v0, v2  }
0xeb: {  	[tilespmem:$0xB0] =	vst v2;
	v2 =	vshll.u32 v41, $0x1  }
0xec: {  	[tilespmem:$0x4C0] =	vst v42;
	v2 =	vor.u32 v0, v2  }
0xed: {  	s4 =	simm.s32 $0x80;
	[tilespmem:$0xC0] =	vst v2  }
0xee: {  	[tilespmem:s13], [sflag:$0x6] =	stream.indirect.gather [hbm4b:s16+s7], $0x80, s4, s7, $0xb8;
	[tilespmem:$0x1E600] =	vst v63  }
0xef: {  	_ =	swait.ge [sflag:s14], $0x2800  }
0xf0: {  	[sflag:s14] =	ssyncset.done $0x0  }
0xf1: {  	s9 =	sadd.s32 s31, s11;
	[sflag:s14] =	ssyncadd.s32 $0xFFFFD800  }
0xf2: {  	[spmem:s20] =	stream.indirect.scatter.add.f32 [tilespmem:s1], [sflag:$0x9], $0x80, s15, s7, $0xb8;
	[tilespmem:$0x1E600] =	vst v63  }
0xf3: {  	s5 =	sadd.s32 $0x28, s9;
	s3 =	sadd.s32 s31, s10  }
0xf4: {  	[tilespmem:s0], [sflag:$0x1] =	stream.linear.gather [hbm4b:s5+s0], $0x50, $0x38;
	[tilespmem:$0x1E600] =	vst v63  }
0xf5: {  	s4 =	sadd.s32 $0x28, s3;
	s5 =	simm.s32 $0x200  }
0xf6: {  	[tilespmem:s5], [sflag:$0x1] =	stream.linear.gather [hbm4b:s4+s0], $0x50, $0x38;
	[tilespmem:$0x1E600] =	vst v63  }
0xf7: {  	s4 =	simm.s32 @!p0 $0xB  }
0xf8: {  	_ =	swait.ge @!p0 [sflag:s4], $0x2800  }
0xf9: {  	[sflag:s4] =	ssyncset.done @!p0 $0x0  }
0xfa: {  	[sflag:s4] =	ssyncadd.s32 @!p0 $0xFFFFD800  }
0xfb: {  	_ =	swait.ge [sflag:s17], $0x50  }
0xfc: {  	[sflag:s17] =	ssyncset.done $0x0  }
0xfd: {  	[sflag:s17] =	ssyncadd.s32 $0xFFFFFFB0  }
0xfe: {  	_ =	swait.ge [sflag:s17], $0x50  }
0xff: {  	[sflag:s17] =	ssyncset.done $0x0  }
0x100: {  	[sflag:s17] =	ssyncadd.s32 $0xFFFFFFB0  }
0x101: {  	v2 =	vld [tilespmem:$0x100]  }
0x102: {  	v3 =	vld [tilespmem:$0x300]  }
0x103: {  	v43 =	vld [tilespmem:$0x110]  }
0x104: {  	v44 =	vld [tilespmem:$0x310]  }
0x105: {  	v45 =	vld [tilespmem:$0x120]  }
0x106: {  	v46 =	vld [tilespmem:$0x320];
	v2 =	vshll.u32 v2, $0x1  }
0x107: {  	[tilespmem:$0x500] =	vst v3;
	v3 =	vld [tilespmem:$0x130];
	v2 =	vor.u32 v0, v2  }
0x108: {  	v47 =	vld [tilespmem:$0x330];
	[tilespmem:$0x100] =	vst v2;
	v2 =	vshll.u32 v43, $0x1  }
0x109: {  	v48 =	vld [tilespmem:$0x140];
	[tilespmem:$0x510] =	vst v44;
	v2 =	vor.u32 v0, v2  }
0x10a: {  	v49 =	vld [tilespmem:$0x340];
	[tilespmem:$0x110] =	vst v2;
	v2 =	vshll.u32 v45, $0x1  }
0x10b: {  	[tilespmem:$0x520] =	vst v46;
	v2 =	vor.u32 v0, v2  }
0x10c: {  	[tilespmem:$0x120] =	vst v2;
	v2 =	vshll.u32 v3, $0x1  }
0x10d: {  	[tilespmem:$0x530] =	vst v47;
	v2 =	vor.u32 v0, v2  }
0x10e: {  	[tilespmem:$0x130] =	vst v2;
	v2 =	vshll.u32 v48, $0x1  }
0x10f: {  	[tilespmem:$0x540] =	vst v49;
	v2 =	vor.u32 v0, v2  }
0x110: {  	s22 =	simm.s32 $0x100;
	[tilespmem:$0x140] =	vst v2  }
0x111: {  	[tilespmem:s18], [sflag:$0x7] =	stream.indirect.gather [hbm4b:s16+s7], $0x80, s22, s7, $0xb8;
	[tilespmem:$0x1E600] =	vst v63  }
0x112: {  	_ =	swait.ge [sflag:s21], $0x2800  }
0x113: {  	p0 =	seq.s32 s31, $0x4B0;
	[sflag:s21] =	ssyncset.done $0x0  }
0x114: {  	s25 =	simm.s32 $0x480;
	s22 =	sadd.s32 @!p0 s31, s11;
	[sflag:s21] =	ssyncadd.s32 $0xFFFFD800  }
0x115: {  	[spmem:s20] =	stream.indirect.scatter.add.f32 [tilespmem:s13], [sflag:$0xA], $0x80, s25, s7, $0xb8;
	[tilespmem:$0x1E600] =	vst v63  }
0x116: {  	s4 =	simm.s32 @!p0 $0x0;
	s5 =	sadd.s32 @!p0 $0x32, s22;
	s25 =	simm.s32 @!p0 $0x80  }
0x117: {  	[tilespmem:s25], [sflag:$0x2] =	stream.linear.gather @!p0 [hbm4b:s5+s4], $0x50, $0x38;
	[tilespmem:$0x1E600] =	vst v63  }
0x118: {  	p1 =	seq.s32 @!p0 s31, $0x0;
	s5 =	sadd.s32 @!p0 s31, s10  }
0x119: {  	s29 =	simm.s32 @!p0 $0x280;
	p1 =	por p0, !p1;
	s25 =	sadd.s32 @!p0 $0x32, s5  }
0x11a: {  	[tilespmem:s29], [sflag:$0x2] =	stream.linear.gather @!p0 [hbm4b:s25+s4], $0x50, $0x38;
	[tilespmem:$0x1E600] =	vst v63  }
0x11b: {  	_ =	swait.ge @p1 [sflag:s30], $0x2800  }
0x11c: {  	[sflag:s30] =	ssyncset.done @p1 $0x0  }
0x11d: {  	[sflag:s30] =	ssyncadd.s32 @p1 $0xFFFFD800  }
0x11e: {  	_ =	swait.ge [sflag:s19], $0x50  }
0x11f: {  	[sflag:s19] =	ssyncset.done $0x0  }
0x120: {  	[sflag:s19] =	ssyncadd.s32 $0xFFFFFFB0  }
0x121: {  	_ =	swait.ge [sflag:s19], $0x50  }
0x122: {  	[sflag:s19] =	ssyncset.done $0x0  }
0x123: {  	[sflag:s19] =	ssyncadd.s32 $0xFFFFFFB0  }
0x124: {  	v2 =	vld [tilespmem:$0x180]  }
0x125: {  	v3 =	vld [tilespmem:$0x380]  }
0x126: {  	v50 =	vld [tilespmem:$0x190]  }
0x127: {  	v51 =	vld [tilespmem:$0x390]  }
0x128: {  	v52 =	vld [tilespmem:$0x1A0]  }
0x129: {  	v53 =	vld [tilespmem:$0x3A0];
	v2 =	vshll.u32 v2, $0x1  }
0x12a: {  	[tilespmem:$0x580] =	vst v3;
	v3 =	vld [tilespmem:$0x1B0];
	v2 =	vor.u32 v0, v2  }
0x12b: {  	v54 =	vld [tilespmem:$0x3B0];
	[tilespmem:$0x180] =	vst v2;
	v2 =	vshll.u32 v50, $0x1  }
0x12c: {  	v55 =	vld [tilespmem:$0x1C0];
	[tilespmem:$0x590] =	vst v51;
	v2 =	vor.u32 v0, v2  }
0x12d: {  	v56 =	vld [tilespmem:$0x3C0];
	[tilespmem:$0x190] =	vst v2;
	v2 =	vshll.u32 v52, $0x1  }
0x12e: {  	[tilespmem:$0x5A0] =	vst v53;
	v2 =	vor.u32 v0, v2  }
0x12f: {  	[tilespmem:$0x1A0] =	vst v2;
	v2 =	vshll.u32 v3, $0x1  }
0x130: {  	[tilespmem:$0x5B0] =	vst v54;
	v2 =	vor.u32 v0, v2  }
0x131: {  	[tilespmem:$0x1B0] =	vst v2;
	v2 =	vshll.u32 v55, $0x1  }
0x132: {  	[tilespmem:$0x5C0] =	vst v56;
	v2 =	vor.u32 v0, v2  }
0x133: {  	[tilespmem:$0x1C0] =	vst v2  }
0x134: {  	[tilespmem:s23], [sflag:$0x8] =	stream.indirect.gather [hbm4b:s16+s7], $0x80, s8, s7, $0xb8;
	[tilespmem:$0x1E600] =	vst v63  }
0x135: {  	_ =	swait.ge [sflag:s24], $0x2800  }
0x136: {  	[sflag:s24] =	ssyncset.done $0x0  }
0x137: {  	s29 =	simm.s32 $0x500;
	[sflag:s24] =	ssyncadd.s32 $0xFFFFD800  }
0x138: {  	[spmem:s20] =	stream.indirect.scatter.add.f32 [tilespmem:s18], [sflag:$0xB], $0x80, s29, s7, $0xb8;
	[tilespmem:$0x1E600] =	vst v63  }
0x139: {  	s22 =	sadd.s32 @!p0 $0x3C, s22;
	s25 =	simm.s32 @!p0 $0x100  }
0x13a: {  	[tilespmem:s25], [sflag:$0x3] =	stream.linear.gather @!p0 [hbm4b:s22+s4], $0x50, $0x38;
	[tilespmem:$0x1E600] =	vst v63  }
0x13b: {  	s5 =	sadd.s32 @!p0 $0x3C, s5;
	s22 =	simm.s32 @!p0 $0x300  }
0x13c: {  	[tilespmem:s22], [sflag:$0x3] =	stream.linear.gather @!p0 [hbm4b:s5+s4], $0x50, $0x38;
	[tilespmem:$0x1E600] =	vst v63  }
0x13d: {  	_ =	swait.ge [sflag:s26], $0x2800  }
0x13e: {  	[sflag:s26] =	ssyncset.done $0x0  }
0x13f: {  	[sflag:s26] =	ssyncadd.s32 $0xFFFFD800  }
0x140: {  	_ =	swait.ge [sflag:s6], $0x50  }
0x141: {  	[sflag:s6] =	ssyncset.done $0x0  }
0x142: {  	[sflag:s6] =	ssyncadd.s32 $0xFFFFFFB0  }
0x143: {  	_ =	swait.ge [sflag:s6], $0x50  }
0x144: {  	[sflag:s6] =	ssyncset.done $0x0  }
0x145: {  	[sflag:s6] =	ssyncadd.s32 $0xFFFFFFB0  }
0x146: {  	v2 =	vld [tilespmem:$0x0]  }
0x147: {  	v3 =	vld [tilespmem:$0x200]  }
0x148: {  	v57 =	vld [tilespmem:$0x10]  }
0x149: {  	v58 =	vld [tilespmem:$0x210]  }
0x14a: {  	v59 =	vld [tilespmem:$0x20]  }
0x14b: {  	v60 =	vld [tilespmem:$0x220];
	v2 =	vshll.u32 v2, $0x1  }
0x14c: {  	[tilespmem:$0x400] =	vst v3;
	v3 =	vld [tilespmem:$0x30];
	v2 =	vor.u32 v0, v2  }
0x14d: {  	v61 =	vld [tilespmem:$0x230];
	[tilespmem:$0x0] =	vst v2;
	v2 =	vshll.u32 v57, $0x1  }
0x14e: {  	v62 =	vld [tilespmem:$0x40];
	[tilespmem:$0x410] =	vst v58;
	v2 =	vor.u32 v0, v2  }
0x14f: {  	v63 =	vld [tilespmem:$0x240];
	[tilespmem:$0x10] =	vst v2;
	v2 =	vshll.u32 v59, $0x1  }
0x150: {  	[tilespmem:$0x420] =	vst v60;
	v2 =	vor.u32 v0, v2  }
0x151: {  	[tilespmem:$0x20] =	vst v2;
	v2 =	vshll.u32 v3, $0x1  }
0x152: {  	[tilespmem:$0x430] =	vst v61;
	v2 =	vor.u32 v0, v2  }
0x153: {  	[tilespmem:$0x30] =	vst v2;
	v2 =	vshll.u32 v62, $0x1  }
0x154: {  	[tilespmem:$0x440] =	vst v63;
	v2 =	vor.u32 v0, v2  }
0x155: {  	[tilespmem:$0x40] =	vst v2  }
0x156: {  	[tilespmem:s1], [sflag:$0x5] =	stream.indirect.gather [hbm4b:s16+s7], $0x80, s0, s7, $0xb8;
	[tilespmem:$0x1E600] =	vst v63  }
.Ltmp3:
0x157: {  	_ = 	snop;
	(pc) =	sbr.rel @p0 .LBB2_6-.Ltmp3, $4  }
0x158: {  	_ =	swait.ge [sflag:s28], $0x2800  }
0x159: {  	[sflag:s28] =	ssyncset.done $0x0  }
0x15a: {  	s29 =	simm.s32 $0x580;
	[sflag:s28] =	ssyncadd.s32 $0xFFFFD800  }
0x15b: {  	[spmem:s20] =	stream.indirect.scatter.add.f32 [tilespmem:s23], [sflag:$0xC], $0x80, s29, s7, $0xb8;
	[tilespmem:$0x1E600] =	vst v63  }
.Ltmp4:
0x15c: {  	(pc) =	sbr.rel .LBB2_4-.Ltmp4, $4  }
0x15d: {  	s4 =	sadd.s32 $0x46, s9  }
0x15e: {  	[tilespmem:s8], [sflag:$0x4] =	stream.linear.gather [hbm4b:s4+s0], $0x50, $0x38;
	[tilespmem:$0x1E600] =	vst v63  }
0x15f: {  	s3 =	sadd.s32 $0x46, s3;
	s29 =	simm.s32 $0x380;
	s31 =	sadd.s32 $0x28, s31  }
0x160: {  	[tilespmem:s29], [sflag:$0x4] =	stream.linear.gather [hbm4b:s3+s0], $0x50, $0x38;
	[tilespmem:$0x1E600] =	vst v63  }
.LBB2_7:
0x161: {  	_ =	sfence.sel $0x180000  }
0x162: {  	[bflag:$0x0] =	sbarrier.arrive $0xFFFF  }
0x163: {  	_ =	strace $0x90000047  }
0x164: {  	s0 =	stileid.u32;
	[bflag:$0x2] =	sbarrier.arrive $0xFFFF  }
0x165: {  	p0 =	sne.s32 s0, $0x0;
	s0 =	rddreg [dreg:$0x3]  }
0x166: {  	s0 =	sadd.s32 @!p0 $0x100000, s0  }
0x167: {  	[sflag:s0] =	ssyncadd.tile.s32 @!p0 $0x1;
	_ =	shalt  }
.Lfunc_end2:
_tile_overlayer_lowered:
.L_overlay_start_2:
0x168: {  	(tag) =	ssettag $0x2  }
0x169: {  	s0 =	rddreg [dreg:$0x0];
	s2 =	stileid.u32  }
0x16a: {  	s1 =	rddreg [dreg:$0x1];
	p0 =	sne.s32 s2, $0x0  }
0x16b: {  	s3 =	rddreg [dreg:$0x2];
	[bflag:$0x3] =	sbarrier.arrive $0xFFFF;
	s2 =	simm.s32 @!p0 $0x1C0D  }
0x16c: {  	[timem:s3], [sflag:s2] =	dma.local @!p0 [hbm:s0], s1  }
0x16d: {  	s0 =	simm.s32 @!p0 $0xD  }
0x16e: {  	_ =	swait.ge @!p0 [sflag:s0], s1  }
0x16f: {  	s1 =	ssub.s32 @!p0 $0x0, s1;
	[sflag:s0] =	ssyncset.done @!p0 $0x0  }
0x170: {  	[sflag:s0] =	ssyncadd.s32 @!p0 s1  }
0x171: {  	[bflag:$0x3] =	sbarrier.arrive $0xFFFF  }
0x172: {  	_ =	shalt  }

</sc_bundles>
